<compile_context>
chip_gen: v7x
topology: tpu7x:2x2x1
jax: 0.10.2.dev20260603
libtpu: 0.0.44.dev20260713+nightly
codegen_flags: <defaults>
</compile_context>

<pallas_src>
import jax
import jax.numpy as jnp
from jax.experimental import pallas as pl
from jax.experimental.pallas import tpu as pltpu

_C = 15
_K = 2000
_KPAD = 2048
_KOUT = 1000
_NMS_T = 0.5
_PRE_T = 0.05
_F32 = jnp.float32


def _score_kernel(lg_ref, cf_ref, out_ref):
    s = jax.nn.sigmoid(lg_ref[0])
    cf = jax.nn.sigmoid(cf_ref[0])
    out_ref[0] = jnp.where(s > _PRE_T, s * cf, -1.0)


def _flags_kernel(rows_ref, flag_ref):
    v = rows_ref[0]
    v3 = v.reshape(64, 128, 128)
    cnt_pos = jnp.sum((v >= 0.0).astype(_F32))

    def bis(_, carry):
        lo, hi = carry
        mid = lo + (hi - lo + 1) // 2
        tv = jax.lax.bitcast_convert_type(mid, _F32)
        cnt = jnp.sum((v >= tv).astype(_F32))
        ok = cnt >= 2000.0
        return (jnp.where(ok, mid, lo), jnp.where(ok, hi, mid - 1))

    lo, _ = jax.lax.fori_loop(
        0, 31, bis, (jnp.int32(0), jnp.int32(0x3F800000)))
    tb = jax.lax.bitcast_convert_type(lo, _F32)
    T = jnp.where(cnt_pos >= 2000.0, tb, jnp.float32(-1.0))
    m = jnp.sum((v > T).astype(_F32))
    e = 2000.0 - m

    strict = jnp.max((v3 > T).astype(_F32), axis=2)
    tcnt = jnp.sum((v3 == T).astype(_F32), axis=2)
    iu = jax.lax.broadcasted_iota(jnp.int32, (128, 128), 0)
    ju = jax.lax.broadcasted_iota(jnp.int32, (128, 128), 1)
    upper = (iu <= ju).astype(_F32)
    incl = jnp.dot(tcnt, upper, preferred_element_type=_F32)
    il = jax.lax.broadcasted_iota(jnp.int32, (64, 64), 0)
    jl = jax.lax.broadcasted_iota(jnp.int32, (64, 64), 1)
    lows = (jl < il).astype(_F32)
    rowtot = jnp.broadcast_to(incl[:, 127:128], (64, 128))
    offs = jnp.dot(lows, rowtot, preferred_element_type=_F32)
    excl = offs + incl - tcnt
    flag = (strict > 0) | ((tcnt > 0) & (excl < e))
    flag_ref[0] = flag.astype(_F32)


def _nms_kernel(vals_ref, loc_ref, cls_ref, reg_ref, ctr_ref, locxy_ref,
                out_ref, tbl_s, bf_s):
    v = vals_ref[0]
    locv = loc_ref[0]
    clsv = cls_ref[0]

    r0 = reg_ref[0, 0]
    r1 = reg_ref[0, 1]
    r2 = reg_ref[0, 2]
    r3 = reg_ref[0, 3]
    c0 = ctr_ref[0, 0]
    c1 = ctr_ref[0, 1]
    l0 = locxy_ref[0]
    l1 = locxy_ref[1]

    wx = (r0 + r1) / 2.0
    hy = (r2 + r3) / 2.0
    x1 = l0 + c0 - wx
    y1 = l1 + c1 - hy
    x2 = l0 + c0 + wx
    y2 = l1 + c1 + hy
    rw = r0
    rh = r2
    xs0 = x1 + rw
    xs1 = x2
    xs2 = x2 - rw
    xs3 = x1
    ys0 = y1
    ys1 = y1 + rh
    ys2 = y2
    ys3 = y2 - rh
    ang = jnp.arctan2(-(xs1 - xs0), ys1 - ys0)
    cA = jnp.cos(ang)
    sA = jnp.sin(ang)
    nx0 = cA * xs0 + sA * ys0
    nx1 = cA * xs1 + sA * ys1
    nx2 = cA * xs2 + sA * ys2
    nx3 = cA * xs3 + sA * ys3
    ny0 = -sA * xs0 + cA * ys0
    ny1 = -sA * xs1 + cA * ys1
    ny2 = -sA * xs2 + cA * ys2
    ny3 = -sA * xs3 + cA * ys3
    xmin = jnp.minimum(jnp.minimum(nx0, nx1), jnp.minimum(nx2, nx3))
    xmax = jnp.maximum(jnp.maximum(nx0, nx1), jnp.maximum(nx2, nx3))
    ymin = jnp.minimum(jnp.minimum(ny0, ny1), jnp.minimum(ny2, ny3))
    ymax = jnp.maximum(jnp.maximum(ny0, ny1), jnp.maximum(ny2, ny3))
    wbox = xmax - xmin
    hbox = ymax - ymin
    cxn = (xmin + xmax) / 2.0
    cyn = (ymin + ymax) / 2.0
    cx = cA * cxn - sA * cyn
    cy = sA * cxn + cA * cyn
    hw = (jnp.abs(wbox * cA) + jnp.abs(hbox * sA)) / 2.0
    hh = (jnp.abs(wbox * sA) + jnp.abs(hbox * cA)) / 2.0
    x1a = cx - hw
    y1a = cy - hh
    x2a = cx + hw
    y2a = cy + hh

    packed0 = jnp.stack([cx, cy, wbox, hbox, ang, x1a, y1a, x2a], axis=1)
    packed1 = jnp.stack([y2a] * 8, axis=1)
    tbl_s[:, 0:8, :] = packed0
    tbl_s[:, 8:16, :] = packed1

    pos = (jax.lax.broadcasted_iota(jnp.int32, (16, 128), 0) * 128
           + jax.lax.broadcasted_iota(jnp.int32, (16, 128), 1))
    iota_lane = jax.lax.broadcasted_iota(jnp.int32, (1, 128), 1)

    for g in range(16):
        locv_g = locv[g:g + 1]

        def gat_body(t, acc):
            li = jnp.sum(jnp.where(iota_lane == t, locv_g, 0))
            b = li >> 7
            l = li & 127
            blk = tbl_s[pl.ds(b, 1), :, :][0]
            ohl = (iota_lane == l).astype(_F32)
            col = jnp.sum(blk * ohl, axis=1, keepdims=True)
            oht = (iota_lane == t).astype(_F32)
            return acc + col * oht

        accf = jax.lax.fori_loop(0, 128, gat_body,
                                 jnp.zeros((16, 128), _F32))
        bf_s[pl.ds(g, 1), :, :] = accf.reshape(1, 16, 128)

    bf = bf_s[...]
    offv = clsv.astype(_F32) * 1e4
    ox1v = bf[:, 5, :] + offv
    oy1v = bf[:, 6, :] + offv
    ox2v = bf[:, 7, :] + offv
    oy2v = bf[:, 8, :] + offv
    areav = jnp.maximum(ox2v - ox1v, 0.0) * jnp.maximum(oy2v - oy1v, 0.0)

    score = jnp.sqrt(jnp.maximum(v, 1e-12))
    validm = v > 0.0
    score = jnp.where(validm, score, -1.0)
    keep0 = jnp.where(validm, 1.0, 0.0)

    def nms_body(i, keep):
        ohp = pos == i
        ki = jnp.sum(jnp.where(ohp, keep, 0.0))
        clsi = jnp.sum(jnp.where(ohp, clsv, 0))
        offi = clsi.astype(_F32) * 1e4
        g2 = i >> 7
        l2 = i & 127
        blk = bf_s[pl.ds(g2, 1), :, :][0]
        ohl = (iota_lane == l2).astype(_F32)
        col = jnp.sum(blk * ohl, axis=1, keepdims=True)
        bx1 = col[5, 0] + offi
        by1 = col[6, 0] + offi
        bx2 = col[7, 0] + offi
        by2 = col[8, 0] + offi
        ai = jnp.maximum(bx2 - bx1, 0.0) * jnp.maximum(by2 - by1, 0.0)
        iw = jnp.maximum(jnp.minimum(bx2, ox2v) - jnp.maximum(bx1, ox1v), 0.0)
        ih = jnp.maximum(jnp.minimum(by2, oy2v) - jnp.maximum(by1, oy1v), 0.0)
        inter = iw * ih
        uni = (ai + areav) - inter
        iou = inter / jnp.maximum(uni, 1e-9)
        sup = (iou > _NMS_T) & (pos > i) & (ki > 0.0)
        return jnp.where(sup, 0.0, keep)

    keep = jax.lax.fori_loop(0, _K, nms_body, keep0)
    kept = jnp.where(keep > 0.0, score, -1.0)

    iota8 = jax.lax.broadcasted_iota(jnp.int32, (8, 1), 0)
    ohr = [(iota8 == k).astype(_F32) for k in range(8)]

    for g in range(8):
        def out_body(t, carry):
            kept_c, acc = carry
            m = jnp.max(kept_c)
            sel = jnp.min(jnp.where(kept_c == m, pos, 99999))
            gs = sel >> 7
            ls = sel & 127
            blk = bf_s[pl.ds(gs, 1), :, :][0]
            ohl = (iota_lane == ls).astype(_F32)
            col = jnp.sum(blk * ohl, axis=1, keepdims=True)
            clssel = jnp.sum(jnp.where(pos == sel, clsv, 0)).astype(_F32)
            outcol = (col[0, 0] * ohr[0] + col[1, 0] * ohr[1]
                      + col[2, 0] * ohr[2] + col[3, 0] * ohr[3]
                      + col[4, 0] * ohr[4]
                      + jnp.maximum(m, 0.0) * ohr[5]
                      + clssel * ohr[6]
                      + (m > 0.0).astype(_F32) * ohr[7])
            oht = (iota_lane == t).astype(_F32)
            acc = acc + outcol * oht
            kept_c = jnp.where(pos == sel, -2.0, kept_c)
            return (kept_c, acc)

        kept, acco = jax.lax.fori_loop(
            0, 128, out_body, (kept, jnp.zeros((8, 128), _F32)))
        out_ref[pl.ds(0, 1), pl.ds(g, 1), :, :] = acco.reshape(1, 1, 8, 128)


def _impl(locations, logits, bbox_reg, center, confs, image_sizes, interpret):
    N, C, H, W = logits.shape
    L = H * W
    lg = logits.reshape(N, C, L)
    cf = confs.reshape(N, 1, L)

    masked = pl.pallas_call(
        _score_kernel,
        grid=(N,),
        in_specs=[
            pl.BlockSpec((1, C, L), lambda i: (i, 0, 0)),
            pl.BlockSpec((1, 1, L), lambda i: (i, 0, 0)),
        ],
        out_specs=pl.BlockSpec((1, C, L), lambda i: (i, 0, 0)),
        out_shape=jax.ShapeDtypeStruct((N, C, L), jnp.float32),
        compiler_params=pltpu.CompilerParams(
            dimension_semantics=("parallel",)),
        interpret=interpret,
    )(lg, cf)

    flat = masked.transpose(0, 2, 1).reshape(N, L * C)
    rows = jnp.pad(flat.reshape(N, (L * C) // 128, 128),
                   ((0, 0), (0, 8192 - (L * C) // 128), (0, 0)),
                   constant_values=-1.0)
    flags = pl.pallas_call(
        _flags_kernel,
        grid=(N,),
        in_specs=[pl.BlockSpec((1, 8192, 128), lambda i: (i, 0, 0))],
        out_specs=pl.BlockSpec((1, 64, 128), lambda i: (i, 0, 0)),
        out_shape=jax.ShapeDtypeStruct((N, 64, 128), jnp.float32),
        compiler_params=pltpu.CompilerParams(
            dimension_semantics=("parallel",)),
        interpret=interpret,
    )(rows).reshape(N, 8192)
    iot = jnp.arange(8192, dtype=jnp.int32)[None]
    rows_list = jnp.argsort(
        jnp.where(flags > 0, iot, 16384), axis=1)[:, :_KPAD].astype(jnp.int32)
    gath = jnp.take_along_axis(rows, rows_list[:, :, None], axis=1)
    vals, j2 = jax.lax.top_k(gath.reshape(N, _KPAD * 128), _K)
    orow = jnp.take_along_axis(rows_list, j2 // 128, axis=1)
    idx = orow * 128 + (j2 % 128)
    vals = jnp.pad(vals, ((0, 0), (0, _KPAD - _K)),
                   constant_values=-1.0).reshape(N, 16, 128)
    idxp = jnp.pad(idx, ((0, 0), (0, _KPAD - _K))).reshape(N, 16, 128)
    locp = idxp // _C
    clsp = idxp % _C

    reg4 = bbox_reg.reshape(N, 4, 512, 128)
    ctr2 = center.reshape(N, 2, 512, 128)
    locT = locations.T.reshape(2, 512, 128)

    out = pl.pallas_call(
        _nms_kernel,
        grid=(N,),
        in_specs=[
            pl.BlockSpec((1, 16, 128), lambda i: (i, 0, 0)),
            pl.BlockSpec((1, 16, 128), lambda i: (i, 0, 0)),
            pl.BlockSpec((1, 16, 128), lambda i: (i, 0, 0)),
            pl.BlockSpec((1, 4, 512, 128), lambda i: (i, 0, 0, 0)),
            pl.BlockSpec((1, 2, 512, 128), lambda i: (i, 0, 0, 0)),
            pl.BlockSpec((2, 512, 128), lambda i: (0, 0, 0)),
        ],
        out_specs=pl.BlockSpec((1, 8, 8, 128), lambda i: (i, 0, 0, 0)),
        out_shape=jax.ShapeDtypeStruct((N, 8, 8, 128), jnp.float32),
        scratch_shapes=[
            pltpu.VMEM((512, 16, 128), jnp.float32),
            pltpu.VMEM((16, 16, 128), jnp.float32),
        ],
        compiler_params=pltpu.CompilerParams(
            dimension_semantics=("parallel",)),
        interpret=interpret,
    )(vals, locp, clsp, reg4, ctr2, locT)

    boxes = out[:, :, :5, :].transpose(0, 1, 3, 2).reshape(N, 1024, 5)[:, :_KOUT]
    out_scores = out[:, :, 5, :].reshape(N, 1024)[:, :_KOUT]
    out_cls = out[:, :, 6, :].reshape(N, 1024)[:, :_KOUT].astype(jnp.int32)
    out_valid = out[:, :, 7, :].reshape(N, 1024)[:, :_KOUT] > 0.5
    return boxes, out_scores, out_cls, out_valid


def kernel(locations, logits, bbox_reg, center, confs, image_sizes):
    return _impl(locations, logits, bbox_reg, center, confs, image_sizes,
                 interpret=False)

# --- scband reference (transcript-rebuilt; emitter-appended) ---
"""Pipeline reference for scband-avodwh-center-in-13683765805716 (READ-ONLY COPY).

The authoritative reference and input builder live on the scoring server;
editing this copy changes nothing except your own understanding.
"""

import jax, jax.numpy as jnp
import numpy as np

PRE_NMS_THRESH = 0.05
PRE_NMS_TOP_N = 2000
NMS_THRESH = 0.5
FPN_POST_NMS_TOP_N = 1000
NUM_CLASSES = 15
N_IMG, H, W = 2, 256, 256


def setup_inputs(seed: int = 0):
    key = jax.random.key(seed)
    ks = jax.random.split(key, 5)
    L = H * W
    locations = jax.random.uniform(ks[0], (L, 2), dtype=jnp.float32) * 512.0
    logits = jax.random.normal(ks[1], (N_IMG, NUM_CLASSES, H, W), dtype=jnp.float32)
    bbox_reg = jax.random.uniform(ks[2], (N_IMG, 4, H, W), dtype=jnp.float32) * 32.0
    center = jax.random.normal(ks[3], (N_IMG, 2, H, W), dtype=jnp.float32)
    confs = jax.random.normal(ks[4], (N_IMG, 1, H, W), dtype=jnp.float32)
    image_sizes = jnp.full((N_IMG, 2), 512, dtype=jnp.int32)
    return {"locations": locations, "logits": logits, "bbox_reg": bbox_reg,
            "center": center, "confs": confs, "image_sizes": image_sizes}


def _poly_to_rot(poly):
    # DOTA-style polygonToRotRectangle, vectorized
    xs = poly[:, 0::2]
    ys = poly[:, 1::2]
    angle = jnp.arctan2(-(xs[:, 1] - xs[:, 0]), ys[:, 1] - ys[:, 0])
    c = jnp.cos(angle)[:, None]
    s = jnp.sin(angle)[:, None]
    nx = c * xs + s * ys
    ny = -s * xs + c * ys
    xmin = nx.min(1); xmax = nx.max(1)
    ymin = ny.min(1); ymax = ny.max(1)
    w = xmax - xmin
    h = ymax - ymin
    cxn = (xmin + xmax) / 2.0
    cyn = (ymin + ymax) / 2.0
    c0 = c[:, 0]; s0 = s[:, 0]
    cx = c0 * cxn - s0 * cyn
    cy = s0 * cxn + c0 * cyn
    return jnp.stack([cx, cy, w, h, angle], axis=1)


def _rot_aabb(rot):
    cx, cy, w, h, a = rot[:, 0], rot[:, 1], rot[:, 2], rot[:, 3], rot[:, 4]
    hw = (jnp.abs(w * jnp.cos(a)) + jnp.abs(h * jnp.sin(a))) / 2.0
    hh = (jnp.abs(w * jnp.sin(a)) + jnp.abs(h * jnp.cos(a))) / 2.0
    return jnp.stack([cx - hw, cy - hh, cx + hw, cy + hh], axis=1)


def _pairwise_iou(b):
    x1, y1, x2, y2 = b[:, 0], b[:, 1], b[:, 2], b[:, 3]
    area = jnp.maximum(x2 - x1, 0.0) * jnp.maximum(y2 - y1, 0.0)
    xx1 = jnp.maximum(x1[:, None], x1[None, :])
    yy1 = jnp.maximum(y1[:, None], y1[None, :])
    xx2 = jnp.minimum(x2[:, None], x2[None, :])
    yy2 = jnp.minimum(y2[:, None], y2[None, :])
    inter = jnp.maximum(xx2 - xx1, 0.0) * jnp.maximum(yy2 - yy1, 0.0)
    union = area[:, None] + area[None, :] - inter
    return inter / jnp.maximum(union, 1e-9)


def _forward(locations, logits, bbox_reg, center, confs):
    N, C, Hh, Ww = logits.shape
    L = Hh * Ww
    box_cls = jax.nn.sigmoid(jnp.transpose(logits, (0, 2, 3, 1)).reshape(N, L, C))
    reg = jnp.transpose(bbox_reg, (0, 2, 3, 1)).reshape(N, L, 4)
    ctr = jnp.transpose(center, (0, 2, 3, 1)).reshape(N, L, 2)
    cf = jax.nn.sigmoid(jnp.transpose(confs, (0, 2, 3, 1)).reshape(N, L))
    cand = box_cls > PRE_NMS_THRESH
    scored = box_cls * cf[:, :, None]
    K = PRE_NMS_TOP_N
    idxK = jnp.arange(K)

    def per_image(scored_i, cand_i, reg_i, ctr_i):
        flat = jnp.where(cand_i.reshape(-1), scored_i.reshape(-1), -1.0)
        vals, idx = jax.lax.top_k(flat, K)
        valid = vals > 0.0
        loc_idx = idx // C
        cls_idx = idx % C
        r = reg_i[loc_idx]
        cc = ctr_i[loc_idx]
        lo = locations[loc_idx]
        pbr_w = r[:, 0] + r[:, 1]
        pbr_h = r[:, 2] + r[:, 3]
        wx = pbr_w / 2.0
        hy = pbr_h / 2.0
        x1 = lo[:, 0] + cc[:, 0] - wx
        y1 = lo[:, 1] + cc[:, 1] - hy
        x2 = lo[:, 0] + cc[:, 0] + wx
        y2 = lo[:, 1] + cc[:, 1] + hy
        rw = r[:, 0]
        rh = r[:, 2]
        # batch_hbb_hw2poly (IENet gliding-edge convention)
        poly = jnp.stack([x1 + rw, y1, x2, y1 + rh, x2 - rw, y2, x1, y2 - rh], axis=1)
        rot = _poly_to_rot(poly)
        score = jnp.sqrt(jnp.maximum(vals, 1e-12))
        score = jnp.where(valid, score, -1.0)
        # batched rotated NMS via class-offset AABB approximation
        aabb = _rot_aabb(rot)
        ob = aabb + (cls_idx.astype(jnp.float32) * 1e4)[:, None]
        iou = _pairwise_iou(ob)

        def step(keep, i):
            sup = (iou[i] > NMS_THRESH) & (idxK > i) & keep[i]
            return keep & (~sup), None

        keep, _ = jax.lax.scan(step, valid, idxK)
        kept = jnp.where(keep, score, -1.0)
        fvals, fidx = jax.lax.top_k(kept, FPN_POST_NMS_TOP_N)
        out_boxes = rot[fidx]
        out_scores = jnp.maximum(fvals, 0.0)
        out_cls = cls_idx[fidx]
        out_valid = fvals > 0.0
        return out_boxes, out_scores, out_cls, out_valid

    return jax.vmap(per_image)(scored, cand, reg, ctr)


def reference(locations, logits, bbox_reg, center, confs, image_sizes):
    boxes, scores, classes, valid = _forward(locations, logits, bbox_reg, center, confs)
    return boxes, scores, classes, valid

if __name__ == "__main__":
    import jax
    _d = setup_inputs()
    print(jax.jit(kernel)(*tuple(_d.values())))

</pallas_src>

<mosaic_0001>
module attributes {stable_mosaic.version = 14 : i64} {
  func.func @_score_kernel(%arg0: i32, %arg1: memref<1x15x65536xf32, #tpu.memory_space<vmem>>, %arg2: memref<1x1x65536xf32, #tpu.memory_space<vmem>>, %arg3: memref<1x15x65536xf32, #tpu.memory_space<vmem>>) attributes {dimension_semantics = [#tpu.dimension_semantics<parallel>], iteration_bounds = array<i64: 2>, scalar_prefetch = 0 : i64, scratch_operands = 0 : i64, tpu.core_type = #tpu.core_type<tc>, window_params = [{transform_indices = @transform_0, window_bounds = array<i64: 1, 15, 65536>}, {transform_indices = @transform_1, window_bounds = array<i64: 1, 1, 65536>}, {transform_indices = @transform_2, window_bounds = array<i64: 1, 15, 65536>}]} {
    %get3A = arith.constant 0 : index
    %get3A_0 = arith.constant 0 : index
    %get3A_1 = arith.constant 0 : index
    %get3A_2 = vector.load %arg1[%get3A, %get3A_0, %get3A_1] : memref<1x15x65536xf32, #tpu.memory_space<vmem>>, vector<1x15x65536xf32>
    %get3A_3 = vector.shape_cast %get3A_2 : vector<1x15x65536xf32> to vector<15x65536xf32>
    %logistic3A = arith.negf %get3A_3 : vector<15x65536xf32>
    %logistic3A_4 = math.exp %logistic3A : vector<15x65536xf32>
    %logistic3A_5 = arith.constant 1.000000e+00 : f32
    %logistic3A_6 = vector.broadcast %logistic3A_5 : f32 to vector<15x65536xf32>
    %logistic3A_7 = arith.addf %logistic3A_6, %logistic3A_4 : vector<15x65536xf32>
    %logistic3A_8 = arith.divf %logistic3A_6, %logistic3A_7 : vector<15x65536xf32>
    %get3A_9 = arith.constant 0 : index
    %get3A_10 = arith.constant 0 : index
    %get3A_11 = arith.constant 0 : index
    %get3A_12 = vector.load %arg2[%get3A_9, %get3A_10, %get3A_11] : memref<1x1x65536xf32, #tpu.memory_space<vmem>>, vector<1x1x65536xf32>
    %get3A_13 = vector.shape_cast %get3A_12 : vector<1x1x65536xf32> to vector<1x65536xf32>
    %logistic3A_14 = arith.negf %get3A_13 : vector<1x65536xf32>
    %logistic3A_15 = math.exp %logistic3A_14 : vector<1x65536xf32>
    %logistic3A_16 = arith.constant 1.000000e+00 : f32
    %logistic3A_17 = vector.broadcast %logistic3A_16 : f32 to vector<1x65536xf32>
    %logistic3A_18 = arith.addf %logistic3A_17, %logistic3A_15 : vector<1x65536xf32>
    %logistic3A_19 = arith.divf %logistic3A_17, %logistic3A_18 : vector<1x65536xf32>
    %gt3A = arith.constant 5.000000e-02 : f32
    %gt3A_20 = vector.broadcast %gt3A : f32 to vector<15x65536xf32>
    %gt3A_21 = arith.cmpf ogt, %logistic3A_8, %gt3A_20 : vector<15x65536xf32>
    %mul3A = vector.broadcast %logistic3A_19 : vector<1x65536xf32> to vector<15x65536xf32>
    %mul3A_22 = arith.mulf %logistic3A_8, %mul3A : vector<15x65536xf32>
    %jit3A = arith.constant -1.000000e+00 : f32
    %broadcast_in_dim3A = vector.broadcast %jit3A : f32 to vector<15x65536xf32>
    %select_n3A = arith.select %gt3A_21, %mul3A_22, %broadcast_in_dim3A : vector<15x65536xi1>, vector<15x65536xf32>
    %swap3A = arith.constant 0 : index
    %swap3A_23 = arith.constant 0 : index
    %swap3A_24 = arith.constant 0 : index
    %swap3A_25 = vector.load %arg3[%swap3A, %swap3A_23, %swap3A_24] : memref<1x15x65536xf32, #tpu.memory_space<vmem>>, vector<1x15x65536xf32>
    %swap3A_26 = vector.shape_cast %swap3A_25 : vector<1x15x65536xf32> to vector<15x65536xf32>
    %swap3A_27 = vector.shape_cast %select_n3A : vector<15x65536xf32> to vector<1x15x65536xf32>
    tpu.vector_store %arg3[%swap3A, %swap3A_23, %swap3A_24], %swap3A_27 {strides = array<i32>} : memref<1x15x65536xf32, #tpu.memory_space<vmem>>, vector<1x15x65536xf32>,
    return
  }
  func.func @transform_0(%arg0: i32) -> (i32, i32, i32) {
    %c0_i32 = arith.constant 0 : i32
    %c0_i32_0 = arith.constant 0 : i32
    %c0_i32_1 = arith.constant 0 : i32
    return %arg0, %c0_i32, %c0_i32_0 : i32, i32, i32
  }
  func.func @transform_1(%arg0: i32) -> (i32, i32, i32) {
    %c0_i32 = arith.constant 0 : i32
    %c0_i32_0 = arith.constant 0 : i32
    %c0_i32_1 = arith.constant 0 : i32
    return %arg0, %c0_i32, %c0_i32_0 : i32, i32, i32
  }
  func.func @transform_2(%arg0: i32) -> (i32, i32, i32) {
    %c0_i32 = arith.constant 0 : i32
    %c0_i32_0 = arith.constant 0 : i32
    %c0_i32_1 = arith.constant 0 : i32
    return %arg0, %c0_i32, %c0_i32_0 : i32, i32, i32
  }
}

module attributes {stable_mosaic.version = 14 : i64} {
  func.func @_flags_kernel(%arg0: i32, %arg1: memref<1x8192x128xf32, #tpu.memory_space<vmem>>, %arg2: memref<1x64x128xf32, #tpu.memory_space<vmem>>) attributes {dimension_semantics = [#tpu.dimension_semantics<parallel>], iteration_bounds = array<i64: 2>, scalar_prefetch = 0 : i64, scratch_operands = 0 : i64, tpu.core_type = #tpu.core_type<tc>, window_params = [{transform_indices = @transform_0, window_bounds = array<i64: 1, 8192, 128>}, {transform_indices = @transform_1, window_bounds = array<i64: 1, 64, 128>}]} {
    %get3A = arith.constant 0 : index
    %get3A_0 = arith.constant 0 : index
    %get3A_1 = arith.constant 0 : index
    %get3A_2 = vector.load %arg1[%get3A, %get3A_0, %get3A_1] : memref<1x8192x128xf32, #tpu.memory_space<vmem>>, vector<1x8192x128xf32>
    %get3A_3 = vector.shape_cast %get3A_2 : vector<1x8192x128xf32> to vector<8192x128xf32>
    %reshape3A = vector.shape_cast %get3A_3 : vector<8192x128xf32> to vector<64x128x128xf32>
    %ge3A = arith.constant 0.000000e+00 : f32
    %ge3A_4 = vector.broadcast %ge3A : f32 to vector<8192x128xf32>
    %ge3A_5 = arith.cmpf oge, %get3A_3, %ge3A_4 : vector<8192x128xf32>
    %convert_element_type3A = arith.extui %ge3A_5 : vector<8192x128xi1> to vector<8192x128xi32>
    %convert_element_type3A_6 = arith.sitofp %convert_element_type3A : vector<8192x128xi32> to vector<8192x128xf32>
    %reduce_sum3A = vector.shape_cast %convert_element_type3A_6 : vector<8192x128xf32> to vector<1x8192x128xf32>
    %reduce_sum3A_7 = arith.constant dense<0.000000e+00> : vector<1xf32>
    %reduce_sum3A_8 = vector.multi_reduction <add>, %reduce_sum3A, %reduce_sum3A_7 [1, 2] : vector<1x8192x128xf32> to vector<1xf32>
    %reduce_sum3A_9 = vector.shape_cast %reduce_sum3A_8 : vector<1xf32> to vector<1x1x1xf32>
    %reduce_sum3A_10 = vector.extract %reduce_sum3A_9[0, 0, 0] : f32 from vector<1x1x1xf32>
    %scan3A = arith.constant 0 : i32
    %scan3A_11 = arith.constant 1065353216 : i32
    %scan3A_12 = arith.constant 0 : i32
    %scan3A_13 = arith.constant 31 : i32
    %scan3A_14 = arith.addi %scan3A_12, %scan3A_13 : i32
    %scan3A_15 = arith.constant 1 : i32
    %scan3A_16:2 = scf.for %scan3A_65 = %scan3A_12 to %scan3A_14 step %scan3A_15 iter_args(%scan3A_66 = %scan3A, %scan3A_67 = %scan3A_11) -> (i32, i32)  : i32 {
      %sub3A_68 = arith.subi %scan3A_67, %scan3A_66 : i32
      %add3A_69 = arith.constant 1 : i32
      %add3A_70 = arith.addi %sub3A_68, %add3A_69 : i32
      %jit3A_71 = arith.constant 2 : i32
      %div3A = arith.divsi %add3A_70, %jit3A_71 : i32
      %sign3A = arith.constant 0 : i32
      %sign3A_72 = arith.cmpi sgt, %add3A_70, %sign3A : i32
      %sign3A_73 = arith.extui %sign3A_72 : i1 to i32
      %sign3A_74 = arith.constant 0 : i32
      %sign3A_75 = arith.cmpi slt, %add3A_70, %sign3A_74 : i32
      %sign3A_76 = arith.extui %sign3A_75 : i1 to i32
      %sign3A_77 = arith.subi %sign3A_73, %sign3A_76 : i32
      %sign3A_78 = arith.constant 0 : i32
      %sign3A_79 = arith.cmpi sgt, %jit3A_71, %sign3A_78 : i32
      %sign3A_80 = arith.extui %sign3A_79 : i1 to i32
      %sign3A_81 = arith.constant 0 : i32
      %sign3A_82 = arith.cmpi slt, %jit3A_71, %sign3A_81 : i32
      %sign3A_83 = arith.extui %sign3A_82 : i1 to i32
      %sign3A_84 = arith.subi %sign3A_80, %sign3A_83 : i32
      %ne3A = arith.cmpi ne, %sign3A_77, %sign3A_84 : i32
      %rem3A = arith.remsi %add3A_70, %jit3A_71 : i32
      %ne3A_85 = arith.constant 0 : i32
      %ne3A_86 = arith.cmpi ne, %rem3A, %ne3A_85 : i32
      %and3A_87 = arith.andi %ne3A, %ne3A_86 : i1
      %sub3A_88 = arith.constant 1 : i32
      %sub3A_89 = arith.subi %div3A, %sub3A_88 : i32
      %select_n3A_90 = arith.select %and3A_87, %sub3A_89, %div3A : i32
      %add3A_91 = arith.addi %scan3A_66, %select_n3A_90 : i32
      %bitcast_convert_type3A_92 = arith.bitcast %add3A_91 : i32 to f32
      %ge3A_93 = vector.broadcast %bitcast_convert_type3A_92 : f32 to vector<8192x128xf32>
      %ge3A_94 = arith.cmpf oge, %get3A_3, %ge3A_93 : vector<8192x128xf32>
      %convert_element_type3A_95 = arith.extui %ge3A_94 : vector<8192x128xi1> to vector<8192x128xi32>
      %convert_element_type3A_96 = arith.sitofp %convert_element_type3A_95 : vector<8192x128xi32> to vector<8192x128xf32>
      %reduce_sum3A_97 = vector.shape_cast %convert_element_type3A_96 : vector<8192x128xf32> to vector<1x8192x128xf32>
      %reduce_sum3A_98 = arith.constant dense<0.000000e+00> : vector<1xf32>
      %reduce_sum3A_99 = vector.multi_reduction <add>, %reduce_sum3A_97, %reduce_sum3A_98 [1, 2] : vector<1x8192x128xf32> to vector<1xf32>
      %reduce_sum3A_100 = vector.shape_cast %reduce_sum3A_99 : vector<1xf32> to vector<1x1x1xf32>
      %reduce_sum3A_101 = vector.extract %reduce_sum3A_100[0, 0, 0] : f32 from vector<1x1x1xf32>
      %ge3A_102 = arith.constant 2.000000e+03 : f32
      %ge3A_103 = arith.cmpf oge, %reduce_sum3A_101, %ge3A_102 : f32
      %select_n3A_104 = arith.select %ge3A_103, %add3A_91, %scan3A_66 : i32
      %sub3A_105 = arith.constant 1 : i32
      %sub3A_106 = arith.subi %add3A_91, %sub3A_105 : i32
      %select_n3A_107 = arith.select %ge3A_103, %scan3A_67, %sub3A_106 : i32
      scf.yield %select_n3A_104, %select_n3A_107 : i32, i32
    }
    %bitcast_convert_type3A = arith.bitcast %scan3A_16#0 : i32 to f32
    %ge3A_17 = arith.constant 2.000000e+03 : f32
    %ge3A_18 = arith.cmpf oge, %reduce_sum3A_10, %ge3A_17 : f32
    %jit3A = arith.constant -1.000000e+00 : f32
    %select_n3A = arith.select %ge3A_18, %bitcast_convert_type3A, %jit3A : f32
    %gt3A = vector.broadcast %select_n3A : f32 to vector<8192x128xf32>
    %gt3A_19 = arith.cmpf ogt, %get3A_3, %gt3A : vector<8192x128xf32>
    %convert_element_type3A_20 = arith.extui %gt3A_19 : vector<8192x128xi1> to vector<8192x128xi32>
    %convert_element_type3A_21 = arith.sitofp %convert_element_type3A_20 : vector<8192x128xi32> to vector<8192x128xf32>
    %reduce_sum3A_22 = vector.shape_cast %convert_element_type3A_21 : vector<8192x128xf32> to vector<1x8192x128xf32>
    %reduce_sum3A_23 = arith.constant dense<0.000000e+00> : vector<1xf32>
    %reduce_sum3A_24 = vector.multi_reduction <add>, %reduce_sum3A_22, %reduce_sum3A_23 [1, 2] : vector<1x8192x128xf32> to vector<1xf32>
    %reduce_sum3A_25 = vector.shape_cast %reduce_sum3A_24 : vector<1xf32> to vector<1x1x1xf32>
    %reduce_sum3A_26 = vector.extract %reduce_sum3A_25[0, 0, 0] : f32 from vector<1x1x1xf32>
    %sub3A = arith.constant 2.000000e+03 : f32
    %sub3A_27 = arith.subf %sub3A, %reduce_sum3A_26 : f32
    %gt3A_28 = vector.broadcast %select_n3A : f32 to vector<64x128x128xf32>
    %gt3A_29 = arith.cmpf ogt, %reshape3A, %gt3A_28 : vector<64x128x128xf32>
    %convert_element_type3A_30 = arith.extui %gt3A_29 : vector<64x128x128xi1> to vector<64x128x128xi32>
    %convert_element_type3A_31 = arith.sitofp %convert_element_type3A_30 : vector<64x128x128xi32> to vector<64x128x128xf32>
    %reduce_max3A = arith.constant dense<0xFF800000> : vector<64x128xf32>
    %reduce_max3A_32 = vector.multi_reduction <maximumf>, %convert_element_type3A_31, %reduce_max3A [2] : vector<64x128x128xf32> to vector<64x128xf32>
    %eq3A = vector.broadcast %select_n3A : f32 to vector<64x128x128xf32>
    %eq3A_33 = arith.cmpf oeq, %reshape3A, %eq3A : vector<64x128x128xf32>
    %convert_element_type3A_34 = arith.extui %eq3A_33 : vector<64x128x128xi1> to vector<64x128x128xi32>
    %convert_element_type3A_35 = arith.sitofp %convert_element_type3A_34 : vector<64x128x128xi32> to vector<64x128x128xf32>
    %reduce_sum3A_36 = arith.constant dense<0.000000e+00> : vector<64x128xf32>
    %reduce_sum3A_37 = vector.multi_reduction <add>, %convert_element_type3A_35, %reduce_sum3A_36 [2] : vector<64x128x128xf32> to vector<64x128xf32>
    %iota3A = tpu.iota {dimensions = array<i32: 0>} : vector<128x128xi32>
    %iota3A_38 = tpu.iota {dimensions = array<i32: 1>} : vector<128x128xi32>
    %le3A = arith.cmpi sle, %iota3A, %iota3A_38 : vector<128x128xi32>
    %convert_element_type3A_39 = arith.extui %le3A : vector<128x128xi1> to vector<128x128xi32>
    %convert_element_type3A_40 = arith.sitofp %convert_element_type3A_39 : vector<128x128xi32> to vector<128x128xf32>
    %dot_general3A = arith.constant dense<0.000000e+00> : vector<64x128xf32>
    %dot_general3A_41 = tpu.matmul %reduce_sum3A_37, %convert_element_type3A_40, %dot_general3A {dimension_numbers = #tpu.dot_dimension_numbers<[1], [0], [0], [1], [0, 0, 1, 1], [], []>, transpose_lhs_hint = false} : vector<64x128xf32>, vector<128x128xf32>, vector<64x128xf32> -> vector<64x128xf32>
    %iota3A_42 = tpu.iota {dimensions = array<i32: 0>} : vector<64x64xi32>
    %iota3A_43 = tpu.iota {dimensions = array<i32: 1>} : vector<64x64xi32>
    %lt3A = arith.cmpi slt, %iota3A_43, %iota3A_42 : vector<64x64xi32>
    %convert_element_type3A_44 = arith.extui %lt3A : vector<64x64xi1> to vector<64x64xi32>
    %convert_element_type3A_45 = arith.sitofp %convert_element_type3A_44 : vector<64x64xi32> to vector<64x64xf32>
    %slice3A = vector.extract_strided_slice %dot_general3A_41 {offsets = [0, 127], sizes = [64, 1], strides = [1, 1]} : vector<64x128xf32> to vector<64x1xf32>
    %broadcast_in_dim3A = vector.shape_cast %slice3A : vector<64x1xf32> to vector<64x1xf32>
    %broadcast_in_dim3A_46 = vector.broadcast %broadcast_in_dim3A : vector<64x1xf32> to vector<64x128xf32>
    %dot_general3A_47 = arith.constant dense<0.000000e+00> : vector<64x128xf32>
    %dot_general3A_48 = tpu.matmul %convert_element_type3A_45, %broadcast_in_dim3A_46, %dot_general3A_47 {dimension_numbers = #tpu.dot_dimension_numbers<[1], [0], [0], [1], [0, 0, 1, 1], [], []>, transpose_lhs_hint = false} : vector<64x64xf32>, vector<64x128xf32>, vector<64x128xf32> -> vector<64x128xf32>
    %add3A = arith.addf %dot_general3A_48, %dot_general3A_41 : vector<64x128xf32>
    %sub3A_49 = arith.subf %add3A, %reduce_sum3A_37 : vector<64x128xf32>
    %gt3A_50 = arith.constant 0.000000e+00 : f32
    %gt3A_51 = vector.broadcast %gt3A_50 : f32 to vector<64x128xf32>
    %gt3A_52 = arith.cmpf ogt, %reduce_max3A_32, %gt3A_51 : vector<64x128xf32>
    %gt3A_53 = arith.constant 0.000000e+00 : f32
    %gt3A_54 = vector.broadcast %gt3A_53 : f32 to vector<64x128xf32>
    %gt3A_55 = arith.cmpf ogt, %reduce_sum3A_37, %gt3A_54 : vector<64x128xf32>
    %lt3A_56 = vector.broadcast %sub3A_27 : f32 to vector<64x128xf32>
    %lt3A_57 = arith.cmpf olt, %sub3A_49, %lt3A_56 : vector<64x128xf32>
    %and3A = arith.andi %gt3A_55, %lt3A_57 : vector<64x128xi1>
    %or3A = arith.ori %gt3A_52, %and3A : vector<64x128xi1>
    %convert_element_type3A_58 = arith.extui %or3A : vector<64x128xi1> to vector<64x128xi32>
    %convert_element_type3A_59 = arith.sitofp %convert_element_type3A_58 : vector<64x128xi32> to vector<64x128xf32>
    %swap3A = arith.constant 0 : index
    %swap3A_60 = arith.constant 0 : index
    %swap3A_61 = arith.constant 0 : index
    %swap3A_62 = vector.load %arg2[%swap3A, %swap3A_60, %swap3A_61] : memref<1x64x128xf32, #tpu.memory_space<vmem>>, vector<1x64x128xf32>
    %swap3A_63 = vector.shape_cast %swap3A_62 : vector<1x64x128xf32> to vector<64x128xf32>
    %swap3A_64 = vector.shape_cast %convert_element_type3A_59 : vector<64x128xf32> to vector<1x64x128xf32>
    tpu.vector_store %arg2[%swap3A, %swap3A_60, %swap3A_61], %swap3A_64 {strides = array<i32>} : memref<1x64x128xf32, #tpu.memory_space<vmem>>, vector<1x64x128xf32>,
    return
  }
  func.func @transform_0(%arg0: i32) -> (i32, i32, i32) {
    %c0_i32 = arith.constant 0 : i32
    %c0_i32_0 = arith.constant 0 : i32
    %c0_i32_1 = arith.constant 0 : i32
    return %arg0, %c0_i32, %c0_i32_0 : i32, i32, i32
  }
  func.func @transform_1(%arg0: i32) -> (i32, i32, i32) {
    %c0_i32 = arith.constant 0 : i32
    %c0_i32_0 = arith.constant 0 : i32
    %c0_i32_1 = arith.constant 0 : i32
    return %arg0, %c0_i32, %c0_i32_0 : i32, i32, i32
  }
}

module attributes {stable_mosaic.version = 14 : i64} {
  func.func @_nms_kernel(%arg0: i32, %arg1: memref<1x16x128xf32, #tpu.memory_space<vmem>>, %arg2: memref<1x16x128xi32, #tpu.memory_space<vmem>>, %arg3: memref<1x16x128xi32, #tpu.memory_space<vmem>>, %arg4: memref<1x4x512x128xf32, #tpu.memory_space<vmem>>, %arg5: memref<1x2x512x128xf32, #tpu.memory_space<vmem>>, %arg6: memref<2x512x128xf32, #tpu.memory_space<vmem>>, %arg7: memref<1x8x8x128xf32, #tpu.memory_space<vmem>>, %arg8: memref<512x16x128xf32, #tpu.memory_space<vmem>>, %arg9: memref<16x16x128xf32, #tpu.memory_space<vmem>>) attributes {dimension_semantics = [#tpu.dimension_semantics<parallel>], iteration_bounds = array<i64: 2>, scalar_prefetch = 0 : i64, scratch_operands = 2 : i64, tpu.core_type = #tpu.core_type<tc>, window_params = [{transform_indices = @transform_0, window_bounds = array<i64: 1, 16, 128>}, {transform_indices = @transform_1, window_bounds = array<i64: 1, 16, 128>}, {transform_indices = @transform_2, window_bounds = array<i64: 1, 16, 128>}, {transform_indices = @transform_3, window_bounds = array<i64: 1, 4, 512, 128>}, {transform_indices = @transform_4, window_bounds = array<i64: 1, 2, 512, 128>}, {pipeline_mode = #tpu.pipeline_mode<synchronous>, transform_indices = @transform_5, window_bounds = array<i64: 2, 512, 128>}, {transform_indices = @transform_6, window_bounds = array<i64: 1, 8, 8, 128>}]} {
    %get3A = arith.constant 0 : index
    %get3A_0 = arith.constant 0 : index
    %get3A_1 = arith.constant 0 : index
    %get3A_2 = vector.load %arg1[%get3A, %get3A_0, %get3A_1] : memref<1x16x128xf32, #tpu.memory_space<vmem>>, vector<1x16x128xf32>
    %get3A_3 = vector.shape_cast %get3A_2 : vector<1x16x128xf32> to vector<16x128xf32>
    %get3A_4 = arith.constant 0 : index
    %get3A_5 = arith.constant 0 : index
    %get3A_6 = arith.constant 0 : index
    %get3A_7 = vector.load %arg2[%get3A_4, %get3A_5, %get3A_6] : memref<1x16x128xi32, #tpu.memory_space<vmem>>, vector<1x16x128xi32>
    %get3A_8 = vector.shape_cast %get3A_7 : vector<1x16x128xi32> to vector<16x128xi32>
    %get3A_9 = arith.constant 0 : index
    %get3A_10 = arith.constant 0 : index
    %get3A_11 = arith.constant 0 : index
    %get3A_12 = vector.load %arg3[%get3A_9, %get3A_10, %get3A_11] : memref<1x16x128xi32, #tpu.memory_space<vmem>>, vector<1x16x128xi32>
    %get3A_13 = vector.shape_cast %get3A_12 : vector<1x16x128xi32> to vector<16x128xi32>
    %get3A_14 = arith.constant 0 : index
    %get3A_15 = arith.constant 0 : index
    %get3A_16 = arith.constant 0 : index
    %get3A_17 = arith.constant 0 : index
    %get3A_18 = vector.load %arg4[%get3A_14, %get3A_15, %get3A_16, %get3A_17] : memref<1x4x512x128xf32, #tpu.memory_space<vmem>>, vector<1x1x512x128xf32>
    %get3A_19 = vector.shape_cast %get3A_18 : vector<1x1x512x128xf32> to vector<512x128xf32>
    %get3A_20 = arith.constant 0 : index
    %get3A_21 = arith.constant 1 : index
    %get3A_22 = arith.constant 0 : index
    %get3A_23 = arith.constant 0 : index
    %get3A_24 = vector.load %arg4[%get3A_20, %get3A_21, %get3A_22, %get3A_23] : memref<1x4x512x128xf32, #tpu.memory_space<vmem>>, vector<1x1x512x128xf32>
    %get3A_25 = vector.shape_cast %get3A_24 : vector<1x1x512x128xf32> to vector<512x128xf32>
    %get3A_26 = arith.constant 0 : index
    %get3A_27 = arith.constant 2 : index
    %get3A_28 = arith.constant 0 : index
    %get3A_29 = arith.constant 0 : index
    %get3A_30 = vector.load %arg4[%get3A_26, %get3A_27, %get3A_28, %get3A_29] : memref<1x4x512x128xf32, #tpu.memory_space<vmem>>, vector<1x1x512x128xf32>
    %get3A_31 = vector.shape_cast %get3A_30 : vector<1x1x512x128xf32> to vector<512x128xf32>
    %get3A_32 = arith.constant 0 : index
    %get3A_33 = arith.constant 3 : index
    %get3A_34 = arith.constant 0 : index
    %get3A_35 = arith.constant 0 : index
    %get3A_36 = vector.load %arg4[%get3A_32, %get3A_33, %get3A_34, %get3A_35] : memref<1x4x512x128xf32, #tpu.memory_space<vmem>>, vector<1x1x512x128xf32>
    %get3A_37 = vector.shape_cast %get3A_36 : vector<1x1x512x128xf32> to vector<512x128xf32>
    %get3A_38 = arith.constant 0 : index
    %get3A_39 = arith.constant 0 : index
    %get3A_40 = arith.constant 0 : index
    %get3A_41 = arith.constant 0 : index
    %get3A_42 = vector.load %arg5[%get3A_38, %get3A_39, %get3A_40, %get3A_41] : memref<1x2x512x128xf32, #tpu.memory_space<vmem>>, vector<1x1x512x128xf32>
    %get3A_43 = vector.shape_cast %get3A_42 : vector<1x1x512x128xf32> to vector<512x128xf32>
    %get3A_44 = arith.constant 0 : index
    %get3A_45 = arith.constant 1 : index
    %get3A_46 = arith.constant 0 : index
    %get3A_47 = arith.constant 0 : index
    %get3A_48 = vector.load %arg5[%get3A_44, %get3A_45, %get3A_46, %get3A_47] : memref<1x2x512x128xf32, #tpu.memory_space<vmem>>, vector<1x1x512x128xf32>
    %get3A_49 = vector.shape_cast %get3A_48 : vector<1x1x512x128xf32> to vector<512x128xf32>
    %get3A_50 = arith.constant 0 : index
    %get3A_51 = arith.constant 0 : index
    %get3A_52 = arith.constant 0 : index
    %get3A_53 = vector.load %arg6[%get3A_50, %get3A_51, %get3A_52] : memref<2x512x128xf32, #tpu.memory_space<vmem>>, vector<1x512x128xf32>
    %get3A_54 = vector.shape_cast %get3A_53 : vector<1x512x128xf32> to vector<512x128xf32>
    %get3A_55 = arith.constant 1 : index
    %get3A_56 = arith.constant 0 : index
    %get3A_57 = arith.constant 0 : index
    %get3A_58 = vector.load %arg6[%get3A_55, %get3A_56, %get3A_57] : memref<2x512x128xf32, #tpu.memory_space<vmem>>, vector<1x512x128xf32>
    %get3A_59 = vector.shape_cast %get3A_58 : vector<1x512x128xf32> to vector<512x128xf32>
    %add3A = arith.addf %get3A_19, %get3A_25 : vector<512x128xf32>
    %div3A = arith.constant 2.000000e+00 : f32
    %div3A_60 = vector.broadcast %div3A : f32 to vector<512x128xf32>
    %div3A_61 = arith.divf %add3A, %div3A_60 : vector<512x128xf32>
    %add3A_62 = arith.addf %get3A_31, %get3A_37 : vector<512x128xf32>
    %div3A_63 = arith.constant 2.000000e+00 : f32
    %div3A_64 = vector.broadcast %div3A_63 : f32 to vector<512x128xf32>
    %div3A_65 = arith.divf %add3A_62, %div3A_64 : vector<512x128xf32>
    %add3A_66 = arith.addf %get3A_54, %get3A_43 : vector<512x128xf32>
    %sub3A = arith.subf %add3A_66, %div3A_61 : vector<512x128xf32>
    %add3A_67 = arith.addf %get3A_59, %get3A_49 : vector<512x128xf32>
    %sub3A_68 = arith.subf %add3A_67, %div3A_65 : vector<512x128xf32>
    %add3A_69 = arith.addf %get3A_54, %get3A_43 : vector<512x128xf32>
    %add3A_70 = arith.addf %add3A_69, %div3A_61 : vector<512x128xf32>
    %add3A_71 = arith.addf %get3A_59, %get3A_49 : vector<512x128xf32>
    %add3A_72 = arith.addf %add3A_71, %div3A_65 : vector<512x128xf32>
    %add3A_73 = arith.addf %sub3A, %get3A_19 : vector<512x128xf32>
    %sub3A_74 = arith.subf %add3A_70, %get3A_19 : vector<512x128xf32>
    %add3A_75 = arith.addf %sub3A_68, %get3A_31 : vector<512x128xf32>
    %sub3A_76 = arith.subf %add3A_72, %get3A_31 : vector<512x128xf32>
    %sub3A_77 = arith.subf %add3A_70, %add3A_73 : vector<512x128xf32>
    %neg3A = arith.constant 0.000000e+00 : f32
    %neg3A_78 = vector.broadcast %neg3A : f32 to vector<512x128xf32>
    %neg3A_79 = arith.subf %neg3A_78, %sub3A_77 : vector<512x128xf32>
    %sub3A_80 = arith.subf %add3A_75, %sub3A_68 : vector<512x128xf32>
    %atan23A = math.atan2 %neg3A_79, %sub3A_80 : vector<512x128xf32>
    %cos3A = math.cos %atan23A : vector<512x128xf32>
    %sin3A = math.sin %atan23A : vector<512x128xf32>
    %mul3A = arith.mulf %cos3A, %add3A_73 : vector<512x128xf32>
    %mul3A_81 = arith.mulf %sin3A, %sub3A_68 : vector<512x128xf32>
    %add3A_82 = arith.addf %mul3A, %mul3A_81 : vector<512x128xf32>
    %mul3A_83 = arith.mulf %cos3A, %add3A_70 : vector<512x128xf32>
    %mul3A_84 = arith.mulf %sin3A, %add3A_75 : vector<512x128xf32>
    %add3A_85 = arith.addf %mul3A_83, %mul3A_84 : vector<512x128xf32>
    %mul3A_86 = arith.mulf %cos3A, %sub3A_74 : vector<512x128xf32>
    %mul3A_87 = arith.mulf %sin3A, %add3A_72 : vector<512x128xf32>
    %add3A_88 = arith.addf %mul3A_86, %mul3A_87 : vector<512x128xf32>
    %mul3A_89 = arith.mulf %cos3A, %sub3A : vector<512x128xf32>
    %mul3A_90 = arith.mulf %sin3A, %sub3A_76 : vector<512x128xf32>
    %add3A_91 = arith.addf %mul3A_89, %mul3A_90 : vector<512x128xf32>
    %neg3A_92 = arith.constant 0.000000e+00 : f32
    %neg3A_93 = vector.broadcast %neg3A_92 : f32 to vector<512x128xf32>
    %neg3A_94 = arith.subf %neg3A_93, %sin3A : vector<512x128xf32>
    %mul3A_95 = arith.mulf %neg3A_94, %add3A_73 : vector<512x128xf32>
    %mul3A_96 = arith.mulf %cos3A, %sub3A_68 : vector<512x128xf32>
    %add3A_97 = arith.addf %mul3A_95, %mul3A_96 : vector<512x128xf32>
    %neg3A_98 = arith.constant 0.000000e+00 : f32
    %neg3A_99 = vector.broadcast %neg3A_98 : f32 to vector<512x128xf32>
    %neg3A_100 = arith.subf %neg3A_99, %sin3A : vector<512x128xf32>
    %mul3A_101 = arith.mulf %neg3A_100, %add3A_70 : vector<512x128xf32>
    %mul3A_102 = arith.mulf %cos3A, %add3A_75 : vector<512x128xf32>
    %add3A_103 = arith.addf %mul3A_101, %mul3A_102 : vector<512x128xf32>
    %neg3A_104 = arith.constant 0.000000e+00 : f32
    %neg3A_105 = vector.broadcast %neg3A_104 : f32 to vector<512x128xf32>
    %neg3A_106 = arith.subf %neg3A_105, %sin3A : vector<512x128xf32>
    %mul3A_107 = arith.mulf %neg3A_106, %sub3A_74 : vector<512x128xf32>
    %mul3A_108 = arith.mulf %cos3A, %add3A_72 : vector<512x128xf32>
    %add3A_109 = arith.addf %mul3A_107, %mul3A_108 : vector<512x128xf32>
    %neg3A_110 = arith.constant 0.000000e+00 : f32
    %neg3A_111 = vector.broadcast %neg3A_110 : f32 to vector<512x128xf32>
    %neg3A_112 = arith.subf %neg3A_111, %sin3A : vector<512x128xf32>
    %mul3A_113 = arith.mulf %neg3A_112, %sub3A : vector<512x128xf32>
    %mul3A_114 = arith.mulf %cos3A, %sub3A_76 : vector<512x128xf32>
    %add3A_115 = arith.addf %mul3A_113, %mul3A_114 : vector<512x128xf32>
    %min3A = arith.minimumf %add3A_82, %add3A_85 : vector<512x128xf32>
    %min3A_116 = arith.minimumf %add3A_88, %add3A_91 : vector<512x128xf32>
    %min3A_117 = arith.minimumf %min3A, %min3A_116 : vector<512x128xf32>
    %max3A = arith.maximumf %add3A_82, %add3A_85 : vector<512x128xf32>
    %max3A_118 = arith.maximumf %add3A_88, %add3A_91 : vector<512x128xf32>
    %max3A_119 = arith.maximumf %max3A, %max3A_118 : vector<512x128xf32>
    %min3A_120 = arith.minimumf %add3A_97, %add3A_103 : vector<512x128xf32>
    %min3A_121 = arith.minimumf %add3A_109, %add3A_115 : vector<512x128xf32>
    %min3A_122 = arith.minimumf %min3A_120, %min3A_121 : vector<512x128xf32>
    %max3A_123 = arith.maximumf %add3A_97, %add3A_103 : vector<512x128xf32>
    %max3A_124 = arith.maximumf %add3A_109, %add3A_115 : vector<512x128xf32>
    %max3A_125 = arith.maximumf %max3A_123, %max3A_124 : vector<512x128xf32>
    %sub3A_126 = arith.subf %max3A_119, %min3A_117 : vector<512x128xf32>
    %sub3A_127 = arith.subf %max3A_125, %min3A_122 : vector<512x128xf32>
    %add3A_128 = arith.addf %min3A_117, %max3A_119 : vector<512x128xf32>
    %div3A_129 = arith.constant 2.000000e+00 : f32
    %div3A_130 = vector.broadcast %div3A_129 : f32 to vector<512x128xf32>
    %div3A_131 = arith.divf %add3A_128, %div3A_130 : vector<512x128xf32>
    %add3A_132 = arith.addf %min3A_122, %max3A_125 : vector<512x128xf32>
    %div3A_133 = arith.constant 2.000000e+00 : f32
    %div3A_134 = vector.broadcast %div3A_133 : f32 to vector<512x128xf32>
    %div3A_135 = arith.divf %add3A_132, %div3A_134 : vector<512x128xf32>
    %mul3A_136 = arith.mulf %cos3A, %div3A_131 : vector<512x128xf32>
    %mul3A_137 = arith.mulf %sin3A, %div3A_135 : vector<512x128xf32>
    %sub3A_138 = arith.subf %mul3A_136, %mul3A_137 : vector<512x128xf32>
    %mul3A_139 = arith.mulf %sin3A, %div3A_131 : vector<512x128xf32>
    %mul3A_140 = arith.mulf %cos3A, %div3A_135 : vector<512x128xf32>
    %add3A_141 = arith.addf %mul3A_139, %mul3A_140 : vector<512x128xf32>
    %mul3A_142 = arith.mulf %sub3A_126, %cos3A : vector<512x128xf32>
    %abs3A = math.absf %mul3A_142 : vector<512x128xf32>
    %mul3A_143 = arith.mulf %sub3A_127, %sin3A : vector<512x128xf32>
    %abs3A_144 = math.absf %mul3A_143 : vector<512x128xf32>
    %add3A_145 = arith.addf %abs3A, %abs3A_144 : vector<512x128xf32>
    %div3A_146 = arith.constant 2.000000e+00 : f32
    %div3A_147 = vector.broadcast %div3A_146 : f32 to vector<512x128xf32>
    %div3A_148 = arith.divf %add3A_145, %div3A_147 : vector<512x128xf32>
    %mul3A_149 = arith.mulf %sub3A_126, %sin3A : vector<512x128xf32>
    %abs3A_150 = math.absf %mul3A_149 : vector<512x128xf32>
    %mul3A_151 = arith.mulf %sub3A_127, %cos3A : vector<512x128xf32>
    %abs3A_152 = math.absf %mul3A_151 : vector<512x128xf32>
    %add3A_153 = arith.addf %abs3A_150, %abs3A_152 : vector<512x128xf32>
    %div3A_154 = arith.constant 2.000000e+00 : f32
    %div3A_155 = vector.broadcast %div3A_154 : f32 to vector<512x128xf32>
    %div3A_156 = arith.divf %add3A_153, %div3A_155 : vector<512x128xf32>
    %sub3A_157 = arith.subf %sub3A_138, %div3A_148 : vector<512x128xf32>
    %sub3A_158 = arith.subf %add3A_141, %div3A_156 : vector<512x128xf32>
    %add3A_159 = arith.addf %sub3A_138, %div3A_148 : vector<512x128xf32>
    %add3A_160 = arith.addf %add3A_141, %div3A_156 : vector<512x128xf32>
    %stack3A = vector.shape_cast %sub3A_138 : vector<512x128xf32> to vector<512x1x128xf32>
    %stack3A_161 = vector.shape_cast %add3A_141 : vector<512x128xf32> to vector<512x1x128xf32>
    %stack3A_162 = vector.shape_cast %sub3A_126 : vector<512x128xf32> to vector<512x1x128xf32>
    %stack3A_163 = vector.shape_cast %sub3A_127 : vector<512x128xf32> to vector<512x1x128xf32>
    %stack3A_164 = vector.shape_cast %atan23A : vector<512x128xf32> to vector<512x1x128xf32>
    %stack3A_165 = vector.shape_cast %sub3A_157 : vector<512x128xf32> to vector<512x1x128xf32>
    %stack3A_166 = vector.shape_cast %sub3A_158 : vector<512x128xf32> to vector<512x1x128xf32>
    %stack3A_167 = vector.shape_cast %add3A_159 : vector<512x128xf32> to vector<512x1x128xf32>
    %stack3A_168 = tpu.concatenate %stack3A, %stack3A_161, %stack3A_162, %stack3A_163, %stack3A_164, %stack3A_165, %stack3A_166, %stack3A_167 in 1 : vector<512x1x128xf32>, vector<512x1x128xf32>, vector<512x1x128xf32>, vector<512x1x128xf32>, vector<512x1x128xf32>, vector<512x1x128xf32>, vector<512x1x128xf32>, vector<512x1x128xf32> -> vector<512x8x128xf32>
    %stack3A_169 = vector.shape_cast %add3A_160 : vector<512x128xf32> to vector<512x1x128xf32>
    %stack3A_170 = vector.shape_cast %add3A_160 : vector<512x128xf32> to vector<512x1x128xf32>
    %stack3A_171 = vector.shape_cast %add3A_160 : vector<512x128xf32> to vector<512x1x128xf32>
    %stack3A_172 = vector.shape_cast %add3A_160 : vector<512x128xf32> to vector<512x1x128xf32>
    %stack3A_173 = vector.shape_cast %add3A_160 : vector<512x128xf32> to vector<512x1x128xf32>
    %stack3A_174 = vector.shape_cast %add3A_160 : vector<512x128xf32> to vector<512x1x128xf32>
    %stack3A_175 = vector.shape_cast %add3A_160 : vector<512x128xf32> to vector<512x1x128xf32>
    %stack3A_176 = vector.shape_cast %add3A_160 : vector<512x128xf32> to vector<512x1x128xf32>
    %stack3A_177 = tpu.concatenate %stack3A_169, %stack3A_170, %stack3A_171, %stack3A_172, %stack3A_173, %stack3A_174, %stack3A_175, %stack3A_176 in 1 : vector<512x1x128xf32>, vector<512x1x128xf32>, vector<512x1x128xf32>, vector<512x1x128xf32>, vector<512x1x128xf32>, vector<512x1x128xf32>, vector<512x1x128xf32>, vector<512x1x128xf32> -> vector<512x8x128xf32>
    %swap3A = arith.constant 0 : index
    %swap3A_178 = arith.constant 0 : index
    %swap3A_179 = arith.constant 0 : index
    %swap3A_180 = vector.load %arg8[%swap3A, %swap3A_178, %swap3A_179] : memref<512x16x128xf32, #tpu.memory_space<vmem>>, vector<512x8x128xf32>
    tpu.vector_store %arg8[%swap3A, %swap3A_178, %swap3A_179], %stack3A_168 {strides = array<i32>} : memref<512x16x128xf32, #tpu.memory_space<vmem>>, vector<512x8x128xf32>,
    %swap3A_181 = arith.constant 0 : index
    %swap3A_182 = arith.constant 8 : index
    %swap3A_183 = arith.constant 0 : index
    %swap3A_184 = vector.load %arg8[%swap3A_181, %swap3A_182, %swap3A_183] : memref<512x16x128xf32, #tpu.memory_space<vmem>>, vector<512x8x128xf32>
    tpu.vector_store %arg8[%swap3A_181, %swap3A_182, %swap3A_183], %stack3A_177 {strides = array<i32>} : memref<512x16x128xf32, #tpu.memory_space<vmem>>, vector<512x8x128xf32>,
    %iota3A = tpu.iota {dimensions = array<i32: 0>} : vector<16x128xi32>
    %mul3A_185 = arith.constant 128 : i32
    %mul3A_186 = vector.broadcast %mul3A_185 : i32 to vector<16x128xi32>
    %mul3A_187 = arith.muli %iota3A, %mul3A_186 : vector<16x128xi32>
    %iota3A_188 = tpu.iota {dimensions = array<i32: 1>} : vector<16x128xi32>
    %add3A_189 = arith.addi %mul3A_187, %iota3A_188 : vector<16x128xi32>
    %iota3A_190 = tpu.iota {dimensions = array<i32: 1>} : vector<1x128xi32>
    %slice3A = vector.extract_strided_slice %get3A_8 {offsets = [0, 0], sizes = [1, 128], strides = [1, 1]} : vector<16x128xi32> to vector<1x128xi32>
    %broadcast_in_dim3A = arith.constant 0.000000e+00 : f32
    %broadcast_in_dim3A_191 = vector.broadcast %broadcast_in_dim3A : f32 to vector<16x128xf32>
    %scan3A = arith.constant 0 : i32
    %scan3A_192 = arith.constant 128 : i32
    %scan3A_193 = arith.addi %scan3A, %scan3A_192 : i32
    %scan3A_194 = arith.constant 1 : i32
    %scan3A_195 = scf.for %scan3A_613 = %scan3A to %scan3A_193 step %scan3A_194 iter_args(%scan3A_614 = %broadcast_in_dim3A_191) -> (vector<16x128xf32>)  : i32 {
      %eq3A_615 = vector.broadcast %scan3A_613 : i32 to vector<1x128xi32>
      %eq3A_616 = arith.cmpi eq, %iota3A_190, %eq3A_615 : vector<1x128xi32>
      %jit3A_617 = arith.constant 0 : i32
      %broadcast_in_dim3A_618 = vector.broadcast %jit3A_617 : i32 to vector<1x128xi32>
      %select_n3A_619 = arith.select %eq3A_616, %slice3A, %broadcast_in_dim3A_618 : vector<1x128xi1>, vector<1x128xi32>
      %reduce_sum3A = vector.shape_cast %select_n3A_619 : vector<1x128xi32> to vector<1x1x128xi32>
      %reduce_sum3A_620 = arith.constant dense<0> : vector<1xi32>
      %reduce_sum3A_621 = vector.multi_reduction <add>, %reduce_sum3A, %reduce_sum3A_620 [1, 2] : vector<1x1x128xi32> to vector<1xi32>
      %reduce_sum3A_622 = vector.shape_cast %reduce_sum3A_621 : vector<1xi32> to vector<1x1x1xi32>
      %reduce_sum3A_623 = vector.extract %reduce_sum3A_622[0, 0, 0] : i32 from vector<1x1x1xi32>
      %shift_right_arithmetic3A = arith.constant 7 : i32
      %shift_right_arithmetic3A_624 = arith.shrsi %reduce_sum3A_623, %shift_right_arithmetic3A : i32
      %and3A = arith.constant 127 : i32
      %and3A_625 = arith.andi %reduce_sum3A_623, %and3A : i32
      %get3A_626 = arith.index_cast %shift_right_arithmetic3A_624 : i32 to index
      %get3A_627 = arith.constant 0 : index
      %get3A_628 = arith.constant 0 : index
      %get3A_629 = vector.load %arg8[%get3A_626, %get3A_627, %get3A_628] : memref<512x16x128xf32, #tpu.memory_space<vmem>>, vector<1x16x128xf32>
      %squeeze3A_630 = vector.shape_cast %get3A_629 : vector<1x16x128xf32> to vector<16x128xf32>
      %eq3A_631 = vector.broadcast %and3A_625 : i32 to vector<1x128xi32>
      %eq3A_632 = arith.cmpi eq, %iota3A_190, %eq3A_631 : vector<1x128xi32>
      %convert_element_type3A_633 = arith.extui %eq3A_632 : vector<1x128xi1> to vector<1x128xi32>
      %convert_element_type3A_634 = arith.sitofp %convert_element_type3A_633 : vector<1x128xi32> to vector<1x128xf32>
      %mul3A_635 = vector.broadcast %convert_element_type3A_634 : vector<1x128xf32> to vector<16x128xf32>
      %mul3A_636 = arith.mulf %squeeze3A_630, %mul3A_635 : vector<16x128xf32>
      %reduce_sum3A_637 = arith.constant dense<0.000000e+00> : vector<16xf32>
      %reduce_sum3A_638 = vector.multi_reduction <add>, %mul3A_636, %reduce_sum3A_637 [1] : vector<16x128xf32> to vector<16xf32>
      %broadcast_in_dim3A_639 = vector.shape_cast %reduce_sum3A_638 : vector<16xf32> to vector<16x1xf32>
      %eq3A_640 = vector.broadcast %scan3A_613 : i32 to vector<1x128xi32>
      %eq3A_641 = arith.cmpi eq, %iota3A_190, %eq3A_640 : vector<1x128xi32>
      %convert_element_type3A_642 = arith.extui %eq3A_641 : vector<1x128xi1> to vector<1x128xi32>
      %convert_element_type3A_643 = arith.sitofp %convert_element_type3A_642 : vector<1x128xi32> to vector<1x128xf32>
      %mul3A_644 = vector.broadcast %broadcast_in_dim3A_639 : vector<16x1xf32> to vector<16x128xf32>
      %mul3A_645 = vector.broadcast %convert_element_type3A_643 : vector<1x128xf32> to vector<16x128xf32>
      %mul3A_646 = arith.mulf %mul3A_644, %mul3A_645 : vector<16x128xf32>
      %add3A_647 = arith.addf %scan3A_614, %mul3A_646 : vector<16x128xf32>
      scf.yield %add3A_647 : vector<16x128xf32>
    }
    %scan3A_196 = arith.constant 128 : i32
    %reshape3A = vector.shape_cast %scan3A_195 : vector<16x128xf32> to vector<1x16x128xf32>
    %swap3A_197 = arith.constant 0 : index
    %swap3A_198 = arith.constant 0 : index
    %swap3A_199 = arith.constant 0 : index
    %swap3A_200 = vector.load %arg9[%swap3A_197, %swap3A_198, %swap3A_199] : memref<16x16x128xf32, #tpu.memory_space<vmem>>, vector<1x16x128xf32>
    tpu.vector_store %arg9[%swap3A_197, %swap3A_198, %swap3A_199], %reshape3A {strides = array<i32>} : memref<16x16x128xf32, #tpu.memory_space<vmem>>, vector<1x16x128xf32>,
    %slice3A_201 = vector.extract_strided_slice %get3A_8 {offsets = [1, 0], sizes = [1, 128], strides = [1, 1]} : vector<16x128xi32> to vector<1x128xi32>
    %broadcast_in_dim3A_202 = arith.constant 0.000000e+00 : f32
    %broadcast_in_dim3A_203 = vector.broadcast %broadcast_in_dim3A_202 : f32 to vector<16x128xf32>
    %scan3A_204 = arith.constant 0 : i32
    %scan3A_205 = arith.constant 128 : i32
    %scan3A_206 = arith.addi %scan3A_204, %scan3A_205 : i32
    %scan3A_207 = arith.constant 1 : i32
    %scan3A_208 = scf.for %scan3A_613 = %scan3A_204 to %scan3A_206 step %scan3A_207 iter_args(%scan3A_614 = %broadcast_in_dim3A_203) -> (vector<16x128xf32>)  : i32 {
      %eq3A_615 = vector.broadcast %scan3A_613 : i32 to vector<1x128xi32>
      %eq3A_616 = arith.cmpi eq, %iota3A_190, %eq3A_615 : vector<1x128xi32>
      %jit3A_617 = arith.constant 0 : i32
      %broadcast_in_dim3A_618 = vector.broadcast %jit3A_617 : i32 to vector<1x128xi32>
      %select_n3A_619 = arith.select %eq3A_616, %slice3A_201, %broadcast_in_dim3A_618 : vector<1x128xi1>, vector<1x128xi32>
      %reduce_sum3A = vector.shape_cast %select_n3A_619 : vector<1x128xi32> to vector<1x1x128xi32>
      %reduce_sum3A_620 = arith.constant dense<0> : vector<1xi32>
      %reduce_sum3A_621 = vector.multi_reduction <add>, %reduce_sum3A, %reduce_sum3A_620 [1, 2] : vector<1x1x128xi32> to vector<1xi32>
      %reduce_sum3A_622 = vector.shape_cast %reduce_sum3A_621 : vector<1xi32> to vector<1x1x1xi32>
      %reduce_sum3A_623 = vector.extract %reduce_sum3A_622[0, 0, 0] : i32 from vector<1x1x1xi32>
      %shift_right_arithmetic3A = arith.constant 7 : i32
      %shift_right_arithmetic3A_624 = arith.shrsi %reduce_sum3A_623, %shift_right_arithmetic3A : i32
      %and3A = arith.constant 127 : i32
      %and3A_625 = arith.andi %reduce_sum3A_623, %and3A : i32
      %get3A_626 = arith.index_cast %shift_right_arithmetic3A_624 : i32 to index
      %get3A_627 = arith.constant 0 : index
      %get3A_628 = arith.constant 0 : index
      %get3A_629 = vector.load %arg8[%get3A_626, %get3A_627, %get3A_628] : memref<512x16x128xf32, #tpu.memory_space<vmem>>, vector<1x16x128xf32>
      %squeeze3A_630 = vector.shape_cast %get3A_629 : vector<1x16x128xf32> to vector<16x128xf32>
      %eq3A_631 = vector.broadcast %and3A_625 : i32 to vector<1x128xi32>
      %eq3A_632 = arith.cmpi eq, %iota3A_190, %eq3A_631 : vector<1x128xi32>
      %convert_element_type3A_633 = arith.extui %eq3A_632 : vector<1x128xi1> to vector<1x128xi32>
      %convert_element_type3A_634 = arith.sitofp %convert_element_type3A_633 : vector<1x128xi32> to vector<1x128xf32>
      %mul3A_635 = vector.broadcast %convert_element_type3A_634 : vector<1x128xf32> to vector<16x128xf32>
      %mul3A_636 = arith.mulf %squeeze3A_630, %mul3A_635 : vector<16x128xf32>
      %reduce_sum3A_637 = arith.constant dense<0.000000e+00> : vector<16xf32>
      %reduce_sum3A_638 = vector.multi_reduction <add>, %mul3A_636, %reduce_sum3A_637 [1] : vector<16x128xf32> to vector<16xf32>
      %broadcast_in_dim3A_639 = vector.shape_cast %reduce_sum3A_638 : vector<16xf32> to vector<16x1xf32>
      %eq3A_640 = vector.broadcast %scan3A_613 : i32 to vector<1x128xi32>
      %eq3A_641 = arith.cmpi eq, %iota3A_190, %eq3A_640 : vector<1x128xi32>
      %convert_element_type3A_642 = arith.extui %eq3A_641 : vector<1x128xi1> to vector<1x128xi32>
      %convert_element_type3A_643 = arith.sitofp %convert_element_type3A_642 : vector<1x128xi32> to vector<1x128xf32>
      %mul3A_644 = vector.broadcast %broadcast_in_dim3A_639 : vector<16x1xf32> to vector<16x128xf32>
      %mul3A_645 = vector.broadcast %convert_element_type3A_643 : vector<1x128xf32> to vector<16x128xf32>
      %mul3A_646 = arith.mulf %mul3A_644, %mul3A_645 : vector<16x128xf32>
      %add3A_647 = arith.addf %scan3A_614, %mul3A_646 : vector<16x128xf32>
      scf.yield %add3A_647 : vector<16x128xf32>
    }
    %scan3A_209 = arith.constant 128 : i32
    %reshape3A_210 = vector.shape_cast %scan3A_208 : vector<16x128xf32> to vector<1x16x128xf32>
    %swap3A_211 = arith.constant 1 : index
    %swap3A_212 = arith.constant 0 : index
    %swap3A_213 = arith.constant 0 : index
    %swap3A_214 = vector.load %arg9[%swap3A_211, %swap3A_212, %swap3A_213] : memref<16x16x128xf32, #tpu.memory_space<vmem>>, vector<1x16x128xf32>
    tpu.vector_store %arg9[%swap3A_211, %swap3A_212, %swap3A_213], %reshape3A_210 {strides = array<i32>} : memref<16x16x128xf32, #tpu.memory_space<vmem>>, vector<1x16x128xf32>,
    %slice3A_215 = vector.extract_strided_slice %get3A_8 {offsets = [2, 0], sizes = [1, 128], strides = [1, 1]} : vector<16x128xi32> to vector<1x128xi32>
    %broadcast_in_dim3A_216 = arith.constant 0.000000e+00 : f32
    %broadcast_in_dim3A_217 = vector.broadcast %broadcast_in_dim3A_216 : f32 to vector<16x128xf32>
    %scan3A_218 = arith.constant 0 : i32
    %scan3A_219 = arith.constant 128 : i32
    %scan3A_220 = arith.addi %scan3A_218, %scan3A_219 : i32
    %scan3A_221 = arith.constant 1 : i32
    %scan3A_222 = scf.for %scan3A_613 = %scan3A_218 to %scan3A_220 step %scan3A_221 iter_args(%scan3A_614 = %broadcast_in_dim3A_217) -> (vector<16x128xf32>)  : i32 {
      %eq3A_615 = vector.broadcast %scan3A_613 : i32 to vector<1x128xi32>
      %eq3A_616 = arith.cmpi eq, %iota3A_190, %eq3A_615 : vector<1x128xi32>
      %jit3A_617 = arith.constant 0 : i32
      %broadcast_in_dim3A_618 = vector.broadcast %jit3A_617 : i32 to vector<1x128xi32>
      %select_n3A_619 = arith.select %eq3A_616, %slice3A_215, %broadcast_in_dim3A_618 : vector<1x128xi1>, vector<1x128xi32>
      %reduce_sum3A = vector.shape_cast %select_n3A_619 : vector<1x128xi32> to vector<1x1x128xi32>
      %reduce_sum3A_620 = arith.constant dense<0> : vector<1xi32>
      %reduce_sum3A_621 = vector.multi_reduction <add>, %reduce_sum3A, %reduce_sum3A_620 [1, 2] : vector<1x1x128xi32> to vector<1xi32>
      %reduce_sum3A_622 = vector.shape_cast %reduce_sum3A_621 : vector<1xi32> to vector<1x1x1xi32>
      %reduce_sum3A_623 = vector.extract %reduce_sum3A_622[0, 0, 0] : i32 from vector<1x1x1xi32>
      %shift_right_arithmetic3A = arith.constant 7 : i32
      %shift_right_arithmetic3A_624 = arith.shrsi %reduce_sum3A_623, %shift_right_arithmetic3A : i32
      %and3A = arith.constant 127 : i32
      %and3A_625 = arith.andi %reduce_sum3A_623, %and3A : i32
      %get3A_626 = arith.index_cast %shift_right_arithmetic3A_624 : i32 to index
      %get3A_627 = arith.constant 0 : index
      %get3A_628 = arith.constant 0 : index
      %get3A_629 = vector.load %arg8[%get3A_626, %get3A_627, %get3A_628] : memref<512x16x128xf32, #tpu.memory_space<vmem>>, vector<1x16x128xf32>
      %squeeze3A_630 = vector.shape_cast %get3A_629 : vector<1x16x128xf32> to vector<16x128xf32>
      %eq3A_631 = vector.broadcast %and3A_625 : i32 to vector<1x128xi32>
      %eq3A_632 = arith.cmpi eq, %iota3A_190, %eq3A_631 : vector<1x128xi32>
      %convert_element_type3A_633 = arith.extui %eq3A_632 : vector<1x128xi1> to vector<1x128xi32>
      %convert_element_type3A_634 = arith.sitofp %convert_element_type3A_633 : vector<1x128xi32> to vector<1x128xf32>
      %mul3A_635 = vector.broadcast %convert_element_type3A_634 : vector<1x128xf32> to vector<16x128xf32>
      %mul3A_636 = arith.mulf %squeeze3A_630, %mul3A_635 : vector<16x128xf32>
      %reduce_sum3A_637 = arith.constant dense<0.000000e+00> : vector<16xf32>
      %reduce_sum3A_638 = vector.multi_reduction <add>, %mul3A_636, %reduce_sum3A_637 [1] : vector<16x128xf32> to vector<16xf32>
      %broadcast_in_dim3A_639 = vector.shape_cast %reduce_sum3A_638 : vector<16xf32> to vector<16x1xf32>
      %eq3A_640 = vector.broadcast %scan3A_613 : i32 to vector<1x128xi32>
      %eq3A_641 = arith.cmpi eq, %iota3A_190, %eq3A_640 : vector<1x128xi32>
      %convert_element_type3A_642 = arith.extui %eq3A_641 : vector<1x128xi1> to vector<1x128xi32>
      %convert_element_type3A_643 = arith.sitofp %convert_element_type3A_642 : vector<1x128xi32> to vector<1x128xf32>
      %mul3A_644 = vector.broadcast %broadcast_in_dim3A_639 : vector<16x1xf32> to vector<16x128xf32>
      %mul3A_645 = vector.broadcast %convert_element_type3A_643 : vector<1x128xf32> to vector<16x128xf32>
      %mul3A_646 = arith.mulf %mul3A_644, %mul3A_645 : vector<16x128xf32>
      %add3A_647 = arith.addf %scan3A_614, %mul3A_646 : vector<16x128xf32>
      scf.yield %add3A_647 : vector<16x128xf32>
    }
    %scan3A_223 = arith.constant 128 : i32
    %reshape3A_224 = vector.shape_cast %scan3A_222 : vector<16x128xf32> to vector<1x16x128xf32>
    %swap3A_225 = arith.constant 2 : index
    %swap3A_226 = arith.constant 0 : index
    %swap3A_227 = arith.constant 0 : index
    %swap3A_228 = vector.load %arg9[%swap3A_225, %swap3A_226, %swap3A_227] : memref<16x16x128xf32, #tpu.memory_space<vmem>>, vector<1x16x128xf32>
    tpu.vector_store %arg9[%swap3A_225, %swap3A_226, %swap3A_227], %reshape3A_224 {strides = array<i32>} : memref<16x16x128xf32, #tpu.memory_space<vmem>>, vector<1x16x128xf32>,
    %slice3A_229 = vector.extract_strided_slice %get3A_8 {offsets = [3, 0], sizes = [1, 128], strides = [1, 1]} : vector<16x128xi32> to vector<1x128xi32>
    %broadcast_in_dim3A_230 = arith.constant 0.000000e+00 : f32
    %broadcast_in_dim3A_231 = vector.broadcast %broadcast_in_dim3A_230 : f32 to vector<16x128xf32>
    %scan3A_232 = arith.constant 0 : i32
    %scan3A_233 = arith.constant 128 : i32
    %scan3A_234 = arith.addi %scan3A_232, %scan3A_233 : i32
    %scan3A_235 = arith.constant 1 : i32
    %scan3A_236 = scf.for %scan3A_613 = %scan3A_232 to %scan3A_234 step %scan3A_235 iter_args(%scan3A_614 = %broadcast_in_dim3A_231) -> (vector<16x128xf32>)  : i32 {
      %eq3A_615 = vector.broadcast %scan3A_613 : i32 to vector<1x128xi32>
      %eq3A_616 = arith.cmpi eq, %iota3A_190, %eq3A_615 : vector<1x128xi32>
      %jit3A_617 = arith.constant 0 : i32
      %broadcast_in_dim3A_618 = vector.broadcast %jit3A_617 : i32 to vector<1x128xi32>
      %select_n3A_619 = arith.select %eq3A_616, %slice3A_229, %broadcast_in_dim3A_618 : vector<1x128xi1>, vector<1x128xi32>
      %reduce_sum3A = vector.shape_cast %select_n3A_619 : vector<1x128xi32> to vector<1x1x128xi32>
      %reduce_sum3A_620 = arith.constant dense<0> : vector<1xi32>
      %reduce_sum3A_621 = vector.multi_reduction <add>, %reduce_sum3A, %reduce_sum3A_620 [1, 2] : vector<1x1x128xi32> to vector<1xi32>
      %reduce_sum3A_622 = vector.shape_cast %reduce_sum3A_621 : vector<1xi32> to vector<1x1x1xi32>
      %reduce_sum3A_623 = vector.extract %reduce_sum3A_622[0, 0, 0] : i32 from vector<1x1x1xi32>
      %shift_right_arithmetic3A = arith.constant 7 : i32
      %shift_right_arithmetic3A_624 = arith.shrsi %reduce_sum3A_623, %shift_right_arithmetic3A : i32
      %and3A = arith.constant 127 : i32
      %and3A_625 = arith.andi %reduce_sum3A_623, %and3A : i32
      %get3A_626 = arith.index_cast %shift_right_arithmetic3A_624 : i32 to index
      %get3A_627 = arith.constant 0 : index
      %get3A_628 = arith.constant 0 : index
      %get3A_629 = vector.load %arg8[%get3A_626, %get3A_627, %get3A_628] : memref<512x16x128xf32, #tpu.memory_space<vmem>>, vector<1x16x128xf32>
      %squeeze3A_630 = vector.shape_cast %get3A_629 : vector<1x16x128xf32> to vector<16x128xf32>
      %eq3A_631 = vector.broadcast %and3A_625 : i32 to vector<1x128xi32>
      %eq3A_632 = arith.cmpi eq, %iota3A_190, %eq3A_631 : vector<1x128xi32>
      %convert_element_type3A_633 = arith.extui %eq3A_632 : vector<1x128xi1> to vector<1x128xi32>
      %convert_element_type3A_634 = arith.sitofp %convert_element_type3A_633 : vector<1x128xi32> to vector<1x128xf32>
      %mul3A_635 = vector.broadcast %convert_element_type3A_634 : vector<1x128xf32> to vector<16x128xf32>
      %mul3A_636 = arith.mulf %squeeze3A_630, %mul3A_635 : vector<16x128xf32>
      %reduce_sum3A_637 = arith.constant dense<0.000000e+00> : vector<16xf32>
      %reduce_sum3A_638 = vector.multi_reduction <add>, %mul3A_636, %reduce_sum3A_637 [1] : vector<16x128xf32> to vector<16xf32>
      %broadcast_in_dim3A_639 = vector.shape_cast %reduce_sum3A_638 : vector<16xf32> to vector<16x1xf32>
      %eq3A_640 = vector.broadcast %scan3A_613 : i32 to vector<1x128xi32>
      %eq3A_641 = arith.cmpi eq, %iota3A_190, %eq3A_640 : vector<1x128xi32>
      %convert_element_type3A_642 = arith.extui %eq3A_641 : vector<1x128xi1> to vector<1x128xi32>
      %convert_element_type3A_643 = arith.sitofp %convert_element_type3A_642 : vector<1x128xi32> to vector<1x128xf32>
      %mul3A_644 = vector.broadcast %broadcast_in_dim3A_639 : vector<16x1xf32> to vector<16x128xf32>
      %mul3A_645 = vector.broadcast %convert_element_type3A_643 : vector<1x128xf32> to vector<16x128xf32>
      %mul3A_646 = arith.mulf %mul3A_644, %mul3A_645 : vector<16x128xf32>
      %add3A_647 = arith.addf %scan3A_614, %mul3A_646 : vector<16x128xf32>
      scf.yield %add3A_647 : vector<16x128xf32>
    }
    %scan3A_237 = arith.constant 128 : i32
    %reshape3A_238 = vector.shape_cast %scan3A_236 : vector<16x128xf32> to vector<1x16x128xf32>
    %swap3A_239 = arith.constant 3 : index
    %swap3A_240 = arith.constant 0 : index
    %swap3A_241 = arith.constant 0 : index
    %swap3A_242 = vector.load %arg9[%swap3A_239, %swap3A_240, %swap3A_241] : memref<16x16x128xf32, #tpu.memory_space<vmem>>, vector<1x16x128xf32>
    tpu.vector_store %arg9[%swap3A_239, %swap3A_240, %swap3A_241], %reshape3A_238 {strides = array<i32>} : memref<16x16x128xf32, #tpu.memory_space<vmem>>, vector<1x16x128xf32>,
    %slice3A_243 = vector.extract_strided_slice %get3A_8 {offsets = [4, 0], sizes = [1, 128], strides = [1, 1]} : vector<16x128xi32> to vector<1x128xi32>
    %broadcast_in_dim3A_244 = arith.constant 0.000000e+00 : f32
    %broadcast_in_dim3A_245 = vector.broadcast %broadcast_in_dim3A_244 : f32 to vector<16x128xf32>
    %scan3A_246 = arith.constant 0 : i32
    %scan3A_247 = arith.constant 128 : i32
    %scan3A_248 = arith.addi %scan3A_246, %scan3A_247 : i32
    %scan3A_249 = arith.constant 1 : i32
    %scan3A_250 = scf.for %scan3A_613 = %scan3A_246 to %scan3A_248 step %scan3A_249 iter_args(%scan3A_614 = %broadcast_in_dim3A_245) -> (vector<16x128xf32>)  : i32 {
      %eq3A_615 = vector.broadcast %scan3A_613 : i32 to vector<1x128xi32>
      %eq3A_616 = arith.cmpi eq, %iota3A_190, %eq3A_615 : vector<1x128xi32>
      %jit3A_617 = arith.constant 0 : i32
      %broadcast_in_dim3A_618 = vector.broadcast %jit3A_617 : i32 to vector<1x128xi32>
      %select_n3A_619 = arith.select %eq3A_616, %slice3A_243, %broadcast_in_dim3A_618 : vector<1x128xi1>, vector<1x128xi32>
      %reduce_sum3A = vector.shape_cast %select_n3A_619 : vector<1x128xi32> to vector<1x1x128xi32>
      %reduce_sum3A_620 = arith.constant dense<0> : vector<1xi32>
      %reduce_sum3A_621 = vector.multi_reduction <add>, %reduce_sum3A, %reduce_sum3A_620 [1, 2] : vector<1x1x128xi32> to vector<1xi32>
      %reduce_sum3A_622 = vector.shape_cast %reduce_sum3A_621 : vector<1xi32> to vector<1x1x1xi32>
      %reduce_sum3A_623 = vector.extract %reduce_sum3A_622[0, 0, 0] : i32 from vector<1x1x1xi32>
      %shift_right_arithmetic3A = arith.constant 7 : i32
      %shift_right_arithmetic3A_624 = arith.shrsi %reduce_sum3A_623, %shift_right_arithmetic3A : i32
      %and3A = arith.constant 127 : i32
      %and3A_625 = arith.andi %reduce_sum3A_623, %and3A : i32
      %get3A_626 = arith.index_cast %shift_right_arithmetic3A_624 : i32 to index
      %get3A_627 = arith.constant 0 : index
      %get3A_628 = arith.constant 0 : index
      %get3A_629 = vector.load %arg8[%get3A_626, %get3A_627, %get3A_628] : memref<512x16x128xf32, #tpu.memory_space<vmem>>, vector<1x16x128xf32>
      %squeeze3A_630 = vector.shape_cast %get3A_629 : vector<1x16x128xf32> to vector<16x128xf32>
      %eq3A_631 = vector.broadcast %and3A_625 : i32 to vector<1x128xi32>
      %eq3A_632 = arith.cmpi eq, %iota3A_190, %eq3A_631 : vector<1x128xi32>
      %convert_element_type3A_633 = arith.extui %eq3A_632 : vector<1x128xi1> to vector<1x128xi32>
      %convert_element_type3A_634 = arith.sitofp %convert_element_type3A_633 : vector<1x128xi32> to vector<1x128xf32>
      %mul3A_635 = vector.broadcast %convert_element_type3A_634 : vector<1x128xf32> to vector<16x128xf32>
      %mul3A_636 = arith.mulf %squeeze3A_630, %mul3A_635 : vector<16x128xf32>
      %reduce_sum3A_637 = arith.constant dense<0.000000e+00> : vector<16xf32>
      %reduce_sum3A_638 = vector.multi_reduction <add>, %mul3A_636, %reduce_sum3A_637 [1] : vector<16x128xf32> to vector<16xf32>
      %broadcast_in_dim3A_639 = vector.shape_cast %reduce_sum3A_638 : vector<16xf32> to vector<16x1xf32>
      %eq3A_640 = vector.broadcast %scan3A_613 : i32 to vector<1x128xi32>
      %eq3A_641 = arith.cmpi eq, %iota3A_190, %eq3A_640 : vector<1x128xi32>
      %convert_element_type3A_642 = arith.extui %eq3A_641 : vector<1x128xi1> to vector<1x128xi32>
      %convert_element_type3A_643 = arith.sitofp %convert_element_type3A_642 : vector<1x128xi32> to vector<1x128xf32>
      %mul3A_644 = vector.broadcast %broadcast_in_dim3A_639 : vector<16x1xf32> to vector<16x128xf32>
      %mul3A_645 = vector.broadcast %convert_element_type3A_643 : vector<1x128xf32> to vector<16x128xf32>
      %mul3A_646 = arith.mulf %mul3A_644, %mul3A_645 : vector<16x128xf32>
      %add3A_647 = arith.addf %scan3A_614, %mul3A_646 : vector<16x128xf32>
      scf.yield %add3A_647 : vector<16x128xf32>
    }
    %scan3A_251 = arith.constant 128 : i32
    %reshape3A_252 = vector.shape_cast %scan3A_250 : vector<16x128xf32> to vector<1x16x128xf32>
    %swap3A_253 = arith.constant 4 : index
    %swap3A_254 = arith.constant 0 : index
    %swap3A_255 = arith.constant 0 : index
    %swap3A_256 = vector.load %arg9[%swap3A_253, %swap3A_254, %swap3A_255] : memref<16x16x128xf32, #tpu.memory_space<vmem>>, vector<1x16x128xf32>
    tpu.vector_store %arg9[%swap3A_253, %swap3A_254, %swap3A_255], %reshape3A_252 {strides = array<i32>} : memref<16x16x128xf32, #tpu.memory_space<vmem>>, vector<1x16x128xf32>,
    %slice3A_257 = vector.extract_strided_slice %get3A_8 {offsets = [5, 0], sizes = [1, 128], strides = [1, 1]} : vector<16x128xi32> to vector<1x128xi32>
    %broadcast_in_dim3A_258 = arith.constant 0.000000e+00 : f32
    %broadcast_in_dim3A_259 = vector.broadcast %broadcast_in_dim3A_258 : f32 to vector<16x128xf32>
    %scan3A_260 = arith.constant 0 : i32
    %scan3A_261 = arith.constant 128 : i32
    %scan3A_262 = arith.addi %scan3A_260, %scan3A_261 : i32
    %scan3A_263 = arith.constant 1 : i32
    %scan3A_264 = scf.for %scan3A_613 = %scan3A_260 to %scan3A_262 step %scan3A_263 iter_args(%scan3A_614 = %broadcast_in_dim3A_259) -> (vector<16x128xf32>)  : i32 {
      %eq3A_615 = vector.broadcast %scan3A_613 : i32 to vector<1x128xi32>
      %eq3A_616 = arith.cmpi eq, %iota3A_190, %eq3A_615 : vector<1x128xi32>
      %jit3A_617 = arith.constant 0 : i32
      %broadcast_in_dim3A_618 = vector.broadcast %jit3A_617 : i32 to vector<1x128xi32>
      %select_n3A_619 = arith.select %eq3A_616, %slice3A_257, %broadcast_in_dim3A_618 : vector<1x128xi1>, vector<1x128xi32>
      %reduce_sum3A = vector.shape_cast %select_n3A_619 : vector<1x128xi32> to vector<1x1x128xi32>
      %reduce_sum3A_620 = arith.constant dense<0> : vector<1xi32>
      %reduce_sum3A_621 = vector.multi_reduction <add>, %reduce_sum3A, %reduce_sum3A_620 [1, 2] : vector<1x1x128xi32> to vector<1xi32>
      %reduce_sum3A_622 = vector.shape_cast %reduce_sum3A_621 : vector<1xi32> to vector<1x1x1xi32>
      %reduce_sum3A_623 = vector.extract %reduce_sum3A_622[0, 0, 0] : i32 from vector<1x1x1xi32>
      %shift_right_arithmetic3A = arith.constant 7 : i32
      %shift_right_arithmetic3A_624 = arith.shrsi %reduce_sum3A_623, %shift_right_arithmetic3A : i32
      %and3A = arith.constant 127 : i32
      %and3A_625 = arith.andi %reduce_sum3A_623, %and3A : i32
      %get3A_626 = arith.index_cast %shift_right_arithmetic3A_624 : i32 to index
      %get3A_627 = arith.constant 0 : index
      %get3A_628 = arith.constant 0 : index
      %get3A_629 = vector.load %arg8[%get3A_626, %get3A_627, %get3A_628] : memref<512x16x128xf32, #tpu.memory_space<vmem>>, vector<1x16x128xf32>
      %squeeze3A_630 = vector.shape_cast %get3A_629 : vector<1x16x128xf32> to vector<16x128xf32>
      %eq3A_631 = vector.broadcast %and3A_625 : i32 to vector<1x128xi32>
      %eq3A_632 = arith.cmpi eq, %iota3A_190, %eq3A_631 : vector<1x128xi32>
      %convert_element_type3A_633 = arith.extui %eq3A_632 : vector<1x128xi1> to vector<1x128xi32>
      %convert_element_type3A_634 = arith.sitofp %convert_element_type3A_633 : vector<1x128xi32> to vector<1x128xf32>
      %mul3A_635 = vector.broadcast %convert_element_type3A_634 : vector<1x128xf32> to vector<16x128xf32>
      %mul3A_636 = arith.mulf %squeeze3A_630, %mul3A_635 : vector<16x128xf32>
      %reduce_sum3A_637 = arith.constant dense<0.000000e+00> : vector<16xf32>
      %reduce_sum3A_638 = vector.multi_reduction <add>, %mul3A_636, %reduce_sum3A_637 [1] : vector<16x128xf32> to vector<16xf32>
      %broadcast_in_dim3A_639 = vector.shape_cast %reduce_sum3A_638 : vector<16xf32> to vector<16x1xf32>
      %eq3A_640 = vector.broadcast %scan3A_613 : i32 to vector<1x128xi32>
      %eq3A_641 = arith.cmpi eq, %iota3A_190, %eq3A_640 : vector<1x128xi32>
      %convert_element_type3A_642 = arith.extui %eq3A_641 : vector<1x128xi1> to vector<1x128xi32>
      %convert_element_type3A_643 = arith.sitofp %convert_element_type3A_642 : vector<1x128xi32> to vector<1x128xf32>
      %mul3A_644 = vector.broadcast %broadcast_in_dim3A_639 : vector<16x1xf32> to vector<16x128xf32>
      %mul3A_645 = vector.broadcast %convert_element_type3A_643 : vector<1x128xf32> to vector<16x128xf32>
      %mul3A_646 = arith.mulf %mul3A_644, %mul3A_645 : vector<16x128xf32>
      %add3A_647 = arith.addf %scan3A_614, %mul3A_646 : vector<16x128xf32>
      scf.yield %add3A_647 : vector<16x128xf32>
    }
    %scan3A_265 = arith.constant 128 : i32
    %reshape3A_266 = vector.shape_cast %scan3A_264 : vector<16x128xf32> to vector<1x16x128xf32>
    %swap3A_267 = arith.constant 5 : index
    %swap3A_268 = arith.constant 0 : index
    %swap3A_269 = arith.constant 0 : index
    %swap3A_270 = vector.load %arg9[%swap3A_267, %swap3A_268, %swap3A_269] : memref<16x16x128xf32, #tpu.memory_space<vmem>>, vector<1x16x128xf32>
    tpu.vector_store %arg9[%swap3A_267, %swap3A_268, %swap3A_269], %reshape3A_266 {strides = array<i32>} : memref<16x16x128xf32, #tpu.memory_space<vmem>>, vector<1x16x128xf32>,
    %slice3A_271 = vector.extract_strided_slice %get3A_8 {offsets = [6, 0], sizes = [1, 128], strides = [1, 1]} : vector<16x128xi32> to vector<1x128xi32>
    %broadcast_in_dim3A_272 = arith.constant 0.000000e+00 : f32
    %broadcast_in_dim3A_273 = vector.broadcast %broadcast_in_dim3A_272 : f32 to vector<16x128xf32>
    %scan3A_274 = arith.constant 0 : i32
    %scan3A_275 = arith.constant 128 : i32
    %scan3A_276 = arith.addi %scan3A_274, %scan3A_275 : i32
    %scan3A_277 = arith.constant 1 : i32
    %scan3A_278 = scf.for %scan3A_613 = %scan3A_274 to %scan3A_276 step %scan3A_277 iter_args(%scan3A_614 = %broadcast_in_dim3A_273) -> (vector<16x128xf32>)  : i32 {
      %eq3A_615 = vector.broadcast %scan3A_613 : i32 to vector<1x128xi32>
      %eq3A_616 = arith.cmpi eq, %iota3A_190, %eq3A_615 : vector<1x128xi32>
      %jit3A_617 = arith.constant 0 : i32
      %broadcast_in_dim3A_618 = vector.broadcast %jit3A_617 : i32 to vector<1x128xi32>
      %select_n3A_619 = arith.select %eq3A_616, %slice3A_271, %broadcast_in_dim3A_618 : vector<1x128xi1>, vector<1x128xi32>
      %reduce_sum3A = vector.shape_cast %select_n3A_619 : vector<1x128xi32> to vector<1x1x128xi32>
      %reduce_sum3A_620 = arith.constant dense<0> : vector<1xi32>
      %reduce_sum3A_621 = vector.multi_reduction <add>, %reduce_sum3A, %reduce_sum3A_620 [1, 2] : vector<1x1x128xi32> to vector<1xi32>
      %reduce_sum3A_622 = vector.shape_cast %reduce_sum3A_621 : vector<1xi32> to vector<1x1x1xi32>
      %reduce_sum3A_623 = vector.extract %reduce_sum3A_622[0, 0, 0] : i32 from vector<1x1x1xi32>
      %shift_right_arithmetic3A = arith.constant 7 : i32
      %shift_right_arithmetic3A_624 = arith.shrsi %reduce_sum3A_623, %shift_right_arithmetic3A : i32
      %and3A = arith.constant 127 : i32
      %and3A_625 = arith.andi %reduce_sum3A_623, %and3A : i32
      %get3A_626 = arith.index_cast %shift_right_arithmetic3A_624 : i32 to index
      %get3A_627 = arith.constant 0 : index
      %get3A_628 = arith.constant 0 : index
      %get3A_629 = vector.load %arg8[%get3A_626, %get3A_627, %get3A_628] : memref<512x16x128xf32, #tpu.memory_space<vmem>>, vector<1x16x128xf32>
      %squeeze3A_630 = vector.shape_cast %get3A_629 : vector<1x16x128xf32> to vector<16x128xf32>
      %eq3A_631 = vector.broadcast %and3A_625 : i32 to vector<1x128xi32>
      %eq3A_632 = arith.cmpi eq, %iota3A_190, %eq3A_631 : vector<1x128xi32>
      %convert_element_type3A_633 = arith.extui %eq3A_632 : vector<1x128xi1> to vector<1x128xi32>
      %convert_element_type3A_634 = arith.sitofp %convert_element_type3A_633 : vector<1x128xi32> to vector<1x128xf32>
      %mul3A_635 = vector.broadcast %convert_element_type3A_634 : vector<1x128xf32> to vector<16x128xf32>
      %mul3A_636 = arith.mulf %squeeze3A_630, %mul3A_635 : vector<16x128xf32>
      %reduce_sum3A_637 = arith.constant dense<0.000000e+00> : vector<16xf32>
      %reduce_sum3A_638 = vector.multi_reduction <add>, %mul3A_636, %reduce_sum3A_637 [1] : vector<16x128xf32> to vector<16xf32>
      %broadcast_in_dim3A_639 = vector.shape_cast %reduce_sum3A_638 : vector<16xf32> to vector<16x1xf32>
      %eq3A_640 = vector.broadcast %scan3A_613 : i32 to vector<1x128xi32>
      %eq3A_641 = arith.cmpi eq, %iota3A_190, %eq3A_640 : vector<1x128xi32>
      %convert_element_type3A_642 = arith.extui %eq3A_641 : vector<1x128xi1> to vector<1x128xi32>
      %convert_element_type3A_643 = arith.sitofp %convert_element_type3A_642 : vector<1x128xi32> to vector<1x128xf32>
      %mul3A_644 = vector.broadcast %broadcast_in_dim3A_639 : vector<16x1xf32> to vector<16x128xf32>
      %mul3A_645 = vector.broadcast %convert_element_type3A_643 : vector<1x128xf32> to vector<16x128xf32>
      %mul3A_646 = arith.mulf %mul3A_644, %mul3A_645 : vector<16x128xf32>
      %add3A_647 = arith.addf %scan3A_614, %mul3A_646 : vector<16x128xf32>
      scf.yield %add3A_647 : vector<16x128xf32>
    }
    %scan3A_279 = arith.constant 128 : i32
    %reshape3A_280 = vector.shape_cast %scan3A_278 : vector<16x128xf32> to vector<1x16x128xf32>
    %swap3A_281 = arith.constant 6 : index
    %swap3A_282 = arith.constant 0 : index
    %swap3A_283 = arith.constant 0 : index
    %swap3A_284 = vector.load %arg9[%swap3A_281, %swap3A_282, %swap3A_283] : memref<16x16x128xf32, #tpu.memory_space<vmem>>, vector<1x16x128xf32>
    tpu.vector_store %arg9[%swap3A_281, %swap3A_282, %swap3A_283], %reshape3A_280 {strides = array<i32>} : memref<16x16x128xf32, #tpu.memory_space<vmem>>, vector<1x16x128xf32>,
    %slice3A_285 = vector.extract_strided_slice %get3A_8 {offsets = [7, 0], sizes = [1, 128], strides = [1, 1]} : vector<16x128xi32> to vector<1x128xi32>
    %broadcast_in_dim3A_286 = arith.constant 0.000000e+00 : f32
    %broadcast_in_dim3A_287 = vector.broadcast %broadcast_in_dim3A_286 : f32 to vector<16x128xf32>
    %scan3A_288 = arith.constant 0 : i32
    %scan3A_289 = arith.constant 128 : i32
    %scan3A_290 = arith.addi %scan3A_288, %scan3A_289 : i32
    %scan3A_291 = arith.constant 1 : i32
    %scan3A_292 = scf.for %scan3A_613 = %scan3A_288 to %scan3A_290 step %scan3A_291 iter_args(%scan3A_614 = %broadcast_in_dim3A_287) -> (vector<16x128xf32>)  : i32 {
      %eq3A_615 = vector.broadcast %scan3A_613 : i32 to vector<1x128xi32>
      %eq3A_616 = arith.cmpi eq, %iota3A_190, %eq3A_615 : vector<1x128xi32>
      %jit3A_617 = arith.constant 0 : i32
      %broadcast_in_dim3A_618 = vector.broadcast %jit3A_617 : i32 to vector<1x128xi32>
      %select_n3A_619 = arith.select %eq3A_616, %slice3A_285, %broadcast_in_dim3A_618 : vector<1x128xi1>, vector<1x128xi32>
      %reduce_sum3A = vector.shape_cast %select_n3A_619 : vector<1x128xi32> to vector<1x1x128xi32>
      %reduce_sum3A_620 = arith.constant dense<0> : vector<1xi32>
      %reduce_sum3A_621 = vector.multi_reduction <add>, %reduce_sum3A, %reduce_sum3A_620 [1, 2] : vector<1x1x128xi32> to vector<1xi32>
      %reduce_sum3A_622 = vector.shape_cast %reduce_sum3A_621 : vector<1xi32> to vector<1x1x1xi32>
      %reduce_sum3A_623 = vector.extract %reduce_sum3A_622[0, 0, 0] : i32 from vector<1x1x1xi32>
      %shift_right_arithmetic3A = arith.constant 7 : i32
      %shift_right_arithmetic3A_624 = arith.shrsi %reduce_sum3A_623, %shift_right_arithmetic3A : i32
      %and3A = arith.constant 127 : i32
      %and3A_625 = arith.andi %reduce_sum3A_623, %and3A : i32
      %get3A_626 = arith.index_cast %shift_right_arithmetic3A_624 : i32 to index
      %get3A_627 = arith.constant 0 : index
      %get3A_628 = arith.constant 0 : index
      %get3A_629 = vector.load %arg8[%get3A_626, %get3A_627, %get3A_628] : memref<512x16x128xf32, #tpu.memory_space<vmem>>, vector<1x16x128xf32>
      %squeeze3A_630 = vector.shape_cast %get3A_629 : vector<1x16x128xf32> to vector<16x128xf32>
      %eq3A_631 = vector.broadcast %and3A_625 : i32 to vector<1x128xi32>
      %eq3A_632 = arith.cmpi eq, %iota3A_190, %eq3A_631 : vector<1x128xi32>
      %convert_element_type3A_633 = arith.extui %eq3A_632 : vector<1x128xi1> to vector<1x128xi32>
      %convert_element_type3A_634 = arith.sitofp %convert_element_type3A_633 : vector<1x128xi32> to vector<1x128xf32>
      %mul3A_635 = vector.broadcast %convert_element_type3A_634 : vector<1x128xf32> to vector<16x128xf32>
      %mul3A_636 = arith.mulf %squeeze3A_630, %mul3A_635 : vector<16x128xf32>
      %reduce_sum3A_637 = arith.constant dense<0.000000e+00> : vector<16xf32>
      %reduce_sum3A_638 = vector.multi_reduction <add>, %mul3A_636, %reduce_sum3A_637 [1] : vector<16x128xf32> to vector<16xf32>
      %broadcast_in_dim3A_639 = vector.shape_cast %reduce_sum3A_638 : vector<16xf32> to vector<16x1xf32>
      %eq3A_640 = vector.broadcast %scan3A_613 : i32 to vector<1x128xi32>
      %eq3A_641 = arith.cmpi eq, %iota3A_190, %eq3A_640 : vector<1x128xi32>
      %convert_element_type3A_642 = arith.extui %eq3A_641 : vector<1x128xi1> to vector<1x128xi32>
      %convert_element_type3A_643 = arith.sitofp %convert_element_type3A_642 : vector<1x128xi32> to vector<1x128xf32>
      %mul3A_644 = vector.broadcast %broadcast_in_dim3A_639 : vector<16x1xf32> to vector<16x128xf32>
      %mul3A_645 = vector.broadcast %convert_element_type3A_643 : vector<1x128xf32> to vector<16x128xf32>
      %mul3A_646 = arith.mulf %mul3A_644, %mul3A_645 : vector<16x128xf32>
      %add3A_647 = arith.addf %scan3A_614, %mul3A_646 : vector<16x128xf32>
      scf.yield %add3A_647 : vector<16x128xf32>
    }
    %scan3A_293 = arith.constant 128 : i32
    %reshape3A_294 = vector.shape_cast %scan3A_292 : vector<16x128xf32> to vector<1x16x128xf32>
    %swap3A_295 = arith.constant 7 : index
    %swap3A_296 = arith.constant 0 : index
    %swap3A_297 = arith.constant 0 : index
    %swap3A_298 = vector.load %arg9[%swap3A_295, %swap3A_296, %swap3A_297] : memref<16x16x128xf32, #tpu.memory_space<vmem>>, vector<1x16x128xf32>
    tpu.vector_store %arg9[%swap3A_295, %swap3A_296, %swap3A_297], %reshape3A_294 {strides = array<i32>} : memref<16x16x128xf32, #tpu.memory_space<vmem>>, vector<1x16x128xf32>,
    %slice3A_299 = vector.extract_strided_slice %get3A_8 {offsets = [8, 0], sizes = [1, 128], strides = [1, 1]} : vector<16x128xi32> to vector<1x128xi32>
    %broadcast_in_dim3A_300 = arith.constant 0.000000e+00 : f32
    %broadcast_in_dim3A_301 = vector.broadcast %broadcast_in_dim3A_300 : f32 to vector<16x128xf32>
    %scan3A_302 = arith.constant 0 : i32
    %scan3A_303 = arith.constant 128 : i32
    %scan3A_304 = arith.addi %scan3A_302, %scan3A_303 : i32
    %scan3A_305 = arith.constant 1 : i32
    %scan3A_306 = scf.for %scan3A_613 = %scan3A_302 to %scan3A_304 step %scan3A_305 iter_args(%scan3A_614 = %broadcast_in_dim3A_301) -> (vector<16x128xf32>)  : i32 {
      %eq3A_615 = vector.broadcast %scan3A_613 : i32 to vector<1x128xi32>
      %eq3A_616 = arith.cmpi eq, %iota3A_190, %eq3A_615 : vector<1x128xi32>
      %jit3A_617 = arith.constant 0 : i32
      %broadcast_in_dim3A_618 = vector.broadcast %jit3A_617 : i32 to vector<1x128xi32>
      %select_n3A_619 = arith.select %eq3A_616, %slice3A_299, %broadcast_in_dim3A_618 : vector<1x128xi1>, vector<1x128xi32>
      %reduce_sum3A = vector.shape_cast %select_n3A_619 : vector<1x128xi32> to vector<1x1x128xi32>
      %reduce_sum3A_620 = arith.constant dense<0> : vector<1xi32>
      %reduce_sum3A_621 = vector.multi_reduction <add>, %reduce_sum3A, %reduce_sum3A_620 [1, 2] : vector<1x1x128xi32> to vector<1xi32>
      %reduce_sum3A_622 = vector.shape_cast %reduce_sum3A_621 : vector<1xi32> to vector<1x1x1xi32>
      %reduce_sum3A_623 = vector.extract %reduce_sum3A_622[0, 0, 0] : i32 from vector<1x1x1xi32>
      %shift_right_arithmetic3A = arith.constant 7 : i32
      %shift_right_arithmetic3A_624 = arith.shrsi %reduce_sum3A_623, %shift_right_arithmetic3A : i32
      %and3A = arith.constant 127 : i32
      %and3A_625 = arith.andi %reduce_sum3A_623, %and3A : i32
      %get3A_626 = arith.index_cast %shift_right_arithmetic3A_624 : i32 to index
      %get3A_627 = arith.constant 0 : index
      %get3A_628 = arith.constant 0 : index
      %get3A_629 = vector.load %arg8[%get3A_626, %get3A_627, %get3A_628] : memref<512x16x128xf32, #tpu.memory_space<vmem>>, vector<1x16x128xf32>
      %squeeze3A_630 = vector.shape_cast %get3A_629 : vector<1x16x128xf32> to vector<16x128xf32>
      %eq3A_631 = vector.broadcast %and3A_625 : i32 to vector<1x128xi32>
      %eq3A_632 = arith.cmpi eq, %iota3A_190, %eq3A_631 : vector<1x128xi32>
      %convert_element_type3A_633 = arith.extui %eq3A_632 : vector<1x128xi1> to vector<1x128xi32>
      %convert_element_type3A_634 = arith.sitofp %convert_element_type3A_633 : vector<1x128xi32> to vector<1x128xf32>
      %mul3A_635 = vector.broadcast %convert_element_type3A_634 : vector<1x128xf32> to vector<16x128xf32>
      %mul3A_636 = arith.mulf %squeeze3A_630, %mul3A_635 : vector<16x128xf32>
      %reduce_sum3A_637 = arith.constant dense<0.000000e+00> : vector<16xf32>
      %reduce_sum3A_638 = vector.multi_reduction <add>, %mul3A_636, %reduce_sum3A_637 [1] : vector<16x128xf32> to vector<16xf32>
      %broadcast_in_dim3A_639 = vector.shape_cast %reduce_sum3A_638 : vector<16xf32> to vector<16x1xf32>
      %eq3A_640 = vector.broadcast %scan3A_613 : i32 to vector<1x128xi32>
      %eq3A_641 = arith.cmpi eq, %iota3A_190, %eq3A_640 : vector<1x128xi32>
      %convert_element_type3A_642 = arith.extui %eq3A_641 : vector<1x128xi1> to vector<1x128xi32>
      %convert_element_type3A_643 = arith.sitofp %convert_element_type3A_642 : vector<1x128xi32> to vector<1x128xf32>
      %mul3A_644 = vector.broadcast %broadcast_in_dim3A_639 : vector<16x1xf32> to vector<16x128xf32>
      %mul3A_645 = vector.broadcast %convert_element_type3A_643 : vector<1x128xf32> to vector<16x128xf32>
      %mul3A_646 = arith.mulf %mul3A_644, %mul3A_645 : vector<16x128xf32>
      %add3A_647 = arith.addf %scan3A_614, %mul3A_646 : vector<16x128xf32>
      scf.yield %add3A_647 : vector<16x128xf32>
    }
    %scan3A_307 = arith.constant 128 : i32
    %reshape3A_308 = vector.shape_cast %scan3A_306 : vector<16x128xf32> to vector<1x16x128xf32>
    %swap3A_309 = arith.constant 8 : index
    %swap3A_310 = arith.constant 0 : index
    %swap3A_311 = arith.constant 0 : index
    %swap3A_312 = vector.load %arg9[%swap3A_309, %swap3A_310, %swap3A_311] : memref<16x16x128xf32, #tpu.memory_space<vmem>>, vector<1x16x128xf32>
    tpu.vector_store %arg9[%swap3A_309, %swap3A_310, %swap3A_311], %reshape3A_308 {strides = array<i32>} : memref<16x16x128xf32, #tpu.memory_space<vmem>>, vector<1x16x128xf32>,
    %slice3A_313 = vector.extract_strided_slice %get3A_8 {offsets = [9, 0], sizes = [1, 128], strides = [1, 1]} : vector<16x128xi32> to vector<1x128xi32>
    %broadcast_in_dim3A_314 = arith.constant 0.000000e+00 : f32
    %broadcast_in_dim3A_315 = vector.broadcast %broadcast_in_dim3A_314 : f32 to vector<16x128xf32>
    %scan3A_316 = arith.constant 0 : i32
    %scan3A_317 = arith.constant 128 : i32
    %scan3A_318 = arith.addi %scan3A_316, %scan3A_317 : i32
    %scan3A_319 = arith.constant 1 : i32
    %scan3A_320 = scf.for %scan3A_613 = %scan3A_316 to %scan3A_318 step %scan3A_319 iter_args(%scan3A_614 = %broadcast_in_dim3A_315) -> (vector<16x128xf32>)  : i32 {
      %eq3A_615 = vector.broadcast %scan3A_613 : i32 to vector<1x128xi32>
      %eq3A_616 = arith.cmpi eq, %iota3A_190, %eq3A_615 : vector<1x128xi32>
      %jit3A_617 = arith.constant 0 : i32
      %broadcast_in_dim3A_618 = vector.broadcast %jit3A_617 : i32 to vector<1x128xi32>
      %select_n3A_619 = arith.select %eq3A_616, %slice3A_313, %broadcast_in_dim3A_618 : vector<1x128xi1>, vector<1x128xi32>
      %reduce_sum3A = vector.shape_cast %select_n3A_619 : vector<1x128xi32> to vector<1x1x128xi32>
      %reduce_sum3A_620 = arith.constant dense<0> : vector<1xi32>
      %reduce_sum3A_621 = vector.multi_reduction <add>, %reduce_sum3A, %reduce_sum3A_620 [1, 2] : vector<1x1x128xi32> to vector<1xi32>
      %reduce_sum3A_622 = vector.shape_cast %reduce_sum3A_621 : vector<1xi32> to vector<1x1x1xi32>
      %reduce_sum3A_623 = vector.extract %reduce_sum3A_622[0, 0, 0] : i32 from vector<1x1x1xi32>
      %shift_right_arithmetic3A = arith.constant 7 : i32
      %shift_right_arithmetic3A_624 = arith.shrsi %reduce_sum3A_623, %shift_right_arithmetic3A : i32
      %and3A = arith.constant 127 : i32
      %and3A_625 = arith.andi %reduce_sum3A_623, %and3A : i32
      %get3A_626 = arith.index_cast %shift_right_arithmetic3A_624 : i32 to index
      %get3A_627 = arith.constant 0 : index
      %get3A_628 = arith.constant 0 : index
      %get3A_629 = vector.load %arg8[%get3A_626, %get3A_627, %get3A_628] : memref<512x16x128xf32, #tpu.memory_space<vmem>>, vector<1x16x128xf32>
      %squeeze3A_630 = vector.shape_cast %get3A_629 : vector<1x16x128xf32> to vector<16x128xf32>
      %eq3A_631 = vector.broadcast %and3A_625 : i32 to vector<1x128xi32>
      %eq3A_632 = arith.cmpi eq, %iota3A_190, %eq3A_631 : vector<1x128xi32>
      %convert_element_type3A_633 = arith.extui %eq3A_632 : vector<1x128xi1> to vector<1x128xi32>
      %convert_element_type3A_634 = arith.sitofp %convert_element_type3A_633 : vector<1x128xi32> to vector<1x128xf32>
      %mul3A_635 = vector.broadcast %convert_element_type3A_634 : vector<1x128xf32> to vector<16x128xf32>
      %mul3A_636 = arith.mulf %squeeze3A_630, %mul3A_635 : vector<16x128xf32>
      %reduce_sum3A_637 = arith.constant dense<0.000000e+00> : vector<16xf32>
      %reduce_sum3A_638 = vector.multi_reduction <add>, %mul3A_636, %reduce_sum3A_637 [1] : vector<16x128xf32> to vector<16xf32>
      %broadcast_in_dim3A_639 = vector.shape_cast %reduce_sum3A_638 : vector<16xf32> to vector<16x1xf32>
      %eq3A_640 = vector.broadcast %scan3A_613 : i32 to vector<1x128xi32>
      %eq3A_641 = arith.cmpi eq, %iota3A_190, %eq3A_640 : vector<1x128xi32>
      %convert_element_type3A_642 = arith.extui %eq3A_641 : vector<1x128xi1> to vector<1x128xi32>
      %convert_element_type3A_643 = arith.sitofp %convert_element_type3A_642 : vector<1x128xi32> to vector<1x128xf32>
      %mul3A_644 = vector.broadcast %broadcast_in_dim3A_639 : vector<16x1xf32> to vector<16x128xf32>
      %mul3A_645 = vector.broadcast %convert_element_type3A_643 : vector<1x128xf32> to vector<16x128xf32>
      %mul3A_646 = arith.mulf %mul3A_644, %mul3A_645 : vector<16x128xf32>
      %add3A_647 = arith.addf %scan3A_614, %mul3A_646 : vector<16x128xf32>
      scf.yield %add3A_647 : vector<16x128xf32>
    }
    %scan3A_321 = arith.constant 128 : i32
    %reshape3A_322 = vector.shape_cast %scan3A_320 : vector<16x128xf32> to vector<1x16x128xf32>
    %swap3A_323 = arith.constant 9 : index
    %swap3A_324 = arith.constant 0 : index
    %swap3A_325 = arith.constant 0 : index
    %swap3A_326 = vector.load %arg9[%swap3A_323, %swap3A_324, %swap3A_325] : memref<16x16x128xf32, #tpu.memory_space<vmem>>, vector<1x16x128xf32>
    tpu.vector_store %arg9[%swap3A_323, %swap3A_324, %swap3A_325], %reshape3A_322 {strides = array<i32>} : memref<16x16x128xf32, #tpu.memory_space<vmem>>, vector<1x16x128xf32>,
    %slice3A_327 = vector.extract_strided_slice %get3A_8 {offsets = [10, 0], sizes = [1, 128], strides = [1, 1]} : vector<16x128xi32> to vector<1x128xi32>
    %broadcast_in_dim3A_328 = arith.constant 0.000000e+00 : f32
    %broadcast_in_dim3A_329 = vector.broadcast %broadcast_in_dim3A_328 : f32 to vector<16x128xf32>
    %scan3A_330 = arith.constant 0 : i32
    %scan3A_331 = arith.constant 128 : i32
    %scan3A_332 = arith.addi %scan3A_330, %scan3A_331 : i32
    %scan3A_333 = arith.constant 1 : i32
    %scan3A_334 = scf.for %scan3A_613 = %scan3A_330 to %scan3A_332 step %scan3A_333 iter_args(%scan3A_614 = %broadcast_in_dim3A_329) -> (vector<16x128xf32>)  : i32 {
      %eq3A_615 = vector.broadcast %scan3A_613 : i32 to vector<1x128xi32>
      %eq3A_616 = arith.cmpi eq, %iota3A_190, %eq3A_615 : vector<1x128xi32>
      %jit3A_617 = arith.constant 0 : i32
      %broadcast_in_dim3A_618 = vector.broadcast %jit3A_617 : i32 to vector<1x128xi32>
      %select_n3A_619 = arith.select %eq3A_616, %slice3A_327, %broadcast_in_dim3A_618 : vector<1x128xi1>, vector<1x128xi32>
      %reduce_sum3A = vector.shape_cast %select_n3A_619 : vector<1x128xi32> to vector<1x1x128xi32>
      %reduce_sum3A_620 = arith.constant dense<0> : vector<1xi32>
      %reduce_sum3A_621 = vector.multi_reduction <add>, %reduce_sum3A, %reduce_sum3A_620 [1, 2] : vector<1x1x128xi32> to vector<1xi32>
      %reduce_sum3A_622 = vector.shape_cast %reduce_sum3A_621 : vector<1xi32> to vector<1x1x1xi32>
      %reduce_sum3A_623 = vector.extract %reduce_sum3A_622[0, 0, 0] : i32 from vector<1x1x1xi32>
      %shift_right_arithmetic3A = arith.constant 7 : i32
      %shift_right_arithmetic3A_624 = arith.shrsi %reduce_sum3A_623, %shift_right_arithmetic3A : i32
      %and3A = arith.constant 127 : i32
      %and3A_625 = arith.andi %reduce_sum3A_623, %and3A : i32
      %get3A_626 = arith.index_cast %shift_right_arithmetic3A_624 : i32 to index
      %get3A_627 = arith.constant 0 : index
      %get3A_628 = arith.constant 0 : index
      %get3A_629 = vector.load %arg8[%get3A_626, %get3A_627, %get3A_628] : memref<512x16x128xf32, #tpu.memory_space<vmem>>, vector<1x16x128xf32>
      %squeeze3A_630 = vector.shape_cast %get3A_629 : vector<1x16x128xf32> to vector<16x128xf32>
      %eq3A_631 = vector.broadcast %and3A_625 : i32 to vector<1x128xi32>
      %eq3A_632 = arith.cmpi eq, %iota3A_190, %eq3A_631 : vector<1x128xi32>
      %convert_element_type3A_633 = arith.extui %eq3A_632 : vector<1x128xi1> to vector<1x128xi32>
      %convert_element_type3A_634 = arith.sitofp %convert_element_type3A_633 : vector<1x128xi32> to vector<1x128xf32>
      %mul3A_635 = vector.broadcast %convert_element_type3A_634 : vector<1x128xf32> to vector<16x128xf32>
      %mul3A_636 = arith.mulf %squeeze3A_630, %mul3A_635 : vector<16x128xf32>
      %reduce_sum3A_637 = arith.constant dense<0.000000e+00> : vector<16xf32>
      %reduce_sum3A_638 = vector.multi_reduction <add>, %mul3A_636, %reduce_sum3A_637 [1] : vector<16x128xf32> to vector<16xf32>
      %broadcast_in_dim3A_639 = vector.shape_cast %reduce_sum3A_638 : vector<16xf32> to vector<16x1xf32>
      %eq3A_640 = vector.broadcast %scan3A_613 : i32 to vector<1x128xi32>
      %eq3A_641 = arith.cmpi eq, %iota3A_190, %eq3A_640 : vector<1x128xi32>
      %convert_element_type3A_642 = arith.extui %eq3A_641 : vector<1x128xi1> to vector<1x128xi32>
      %convert_element_type3A_643 = arith.sitofp %convert_element_type3A_642 : vector<1x128xi32> to vector<1x128xf32>
      %mul3A_644 = vector.broadcast %broadcast_in_dim3A_639 : vector<16x1xf32> to vector<16x128xf32>
      %mul3A_645 = vector.broadcast %convert_element_type3A_643 : vector<1x128xf32> to vector<16x128xf32>
      %mul3A_646 = arith.mulf %mul3A_644, %mul3A_645 : vector<16x128xf32>
      %add3A_647 = arith.addf %scan3A_614, %mul3A_646 : vector<16x128xf32>
      scf.yield %add3A_647 : vector<16x128xf32>
    }
    %scan3A_335 = arith.constant 128 : i32
    %reshape3A_336 = vector.shape_cast %scan3A_334 : vector<16x128xf32> to vector<1x16x128xf32>
    %swap3A_337 = arith.constant 10 : index
    %swap3A_338 = arith.constant 0 : index
    %swap3A_339 = arith.constant 0 : index
    %swap3A_340 = vector.load %arg9[%swap3A_337, %swap3A_338, %swap3A_339] : memref<16x16x128xf32, #tpu.memory_space<vmem>>, vector<1x16x128xf32>
    tpu.vector_store %arg9[%swap3A_337, %swap3A_338, %swap3A_339], %reshape3A_336 {strides = array<i32>} : memref<16x16x128xf32, #tpu.memory_space<vmem>>, vector<1x16x128xf32>,
    %slice3A_341 = vector.extract_strided_slice %get3A_8 {offsets = [11, 0], sizes = [1, 128], strides = [1, 1]} : vector<16x128xi32> to vector<1x128xi32>
    %broadcast_in_dim3A_342 = arith.constant 0.000000e+00 : f32
    %broadcast_in_dim3A_343 = vector.broadcast %broadcast_in_dim3A_342 : f32 to vector<16x128xf32>
    %scan3A_344 = arith.constant 0 : i32
    %scan3A_345 = arith.constant 128 : i32
    %scan3A_346 = arith.addi %scan3A_344, %scan3A_345 : i32
    %scan3A_347 = arith.constant 1 : i32
    %scan3A_348 = scf.for %scan3A_613 = %scan3A_344 to %scan3A_346 step %scan3A_347 iter_args(%scan3A_614 = %broadcast_in_dim3A_343) -> (vector<16x128xf32>)  : i32 {
      %eq3A_615 = vector.broadcast %scan3A_613 : i32 to vector<1x128xi32>
      %eq3A_616 = arith.cmpi eq, %iota3A_190, %eq3A_615 : vector<1x128xi32>
      %jit3A_617 = arith.constant 0 : i32
      %broadcast_in_dim3A_618 = vector.broadcast %jit3A_617 : i32 to vector<1x128xi32>
      %select_n3A_619 = arith.select %eq3A_616, %slice3A_341, %broadcast_in_dim3A_618 : vector<1x128xi1>, vector<1x128xi32>
      %reduce_sum3A = vector.shape_cast %select_n3A_619 : vector<1x128xi32> to vector<1x1x128xi32>
      %reduce_sum3A_620 = arith.constant dense<0> : vector<1xi32>
      %reduce_sum3A_621 = vector.multi_reduction <add>, %reduce_sum3A, %reduce_sum3A_620 [1, 2] : vector<1x1x128xi32> to vector<1xi32>
      %reduce_sum3A_622 = vector.shape_cast %reduce_sum3A_621 : vector<1xi32> to vector<1x1x1xi32>
      %reduce_sum3A_623 = vector.extract %reduce_sum3A_622[0, 0, 0] : i32 from vector<1x1x1xi32>
      %shift_right_arithmetic3A = arith.constant 7 : i32
      %shift_right_arithmetic3A_624 = arith.shrsi %reduce_sum3A_623, %shift_right_arithmetic3A : i32
      %and3A = arith.constant 127 : i32
      %and3A_625 = arith.andi %reduce_sum3A_623, %and3A : i32
      %get3A_626 = arith.index_cast %shift_right_arithmetic3A_624 : i32 to index
      %get3A_627 = arith.constant 0 : index
      %get3A_628 = arith.constant 0 : index
      %get3A_629 = vector.load %arg8[%get3A_626, %get3A_627, %get3A_628] : memref<512x16x128xf32, #tpu.memory_space<vmem>>, vector<1x16x128xf32>
      %squeeze3A_630 = vector.shape_cast %get3A_629 : vector<1x16x128xf32> to vector<16x128xf32>
      %eq3A_631 = vector.broadcast %and3A_625 : i32 to vector<1x128xi32>
      %eq3A_632 = arith.cmpi eq, %iota3A_190, %eq3A_631 : vector<1x128xi32>
      %convert_element_type3A_633 = arith.extui %eq3A_632 : vector<1x128xi1> to vector<1x128xi32>
      %convert_element_type3A_634 = arith.sitofp %convert_element_type3A_633 : vector<1x128xi32> to vector<1x128xf32>
      %mul3A_635 = vector.broadcast %convert_element_type3A_634 : vector<1x128xf32> to vector<16x128xf32>
      %mul3A_636 = arith.mulf %squeeze3A_630, %mul3A_635 : vector<16x128xf32>
      %reduce_sum3A_637 = arith.constant dense<0.000000e+00> : vector<16xf32>
      %reduce_sum3A_638 = vector.multi_reduction <add>, %mul3A_636, %reduce_sum3A_637 [1] : vector<16x128xf32> to vector<16xf32>
      %broadcast_in_dim3A_639 = vector.shape_cast %reduce_sum3A_638 : vector<16xf32> to vector<16x1xf32>
      %eq3A_640 = vector.broadcast %scan3A_613 : i32 to vector<1x128xi32>
      %eq3A_641 = arith.cmpi eq, %iota3A_190, %eq3A_640 : vector<1x128xi32>
      %convert_element_type3A_642 = arith.extui %eq3A_641 : vector<1x128xi1> to vector<1x128xi32>
      %convert_element_type3A_643 = arith.sitofp %convert_element_type3A_642 : vector<1x128xi32> to vector<1x128xf32>
      %mul3A_644 = vector.broadcast %broadcast_in_dim3A_639 : vector<16x1xf32> to vector<16x128xf32>
      %mul3A_645 = vector.broadcast %convert_element_type3A_643 : vector<1x128xf32> to vector<16x128xf32>
      %mul3A_646 = arith.mulf %mul3A_644, %mul3A_645 : vector<16x128xf32>
      %add3A_647 = arith.addf %scan3A_614, %mul3A_646 : vector<16x128xf32>
      scf.yield %add3A_647 : vector<16x128xf32>
    }
    %scan3A_349 = arith.constant 128 : i32
    %reshape3A_350 = vector.shape_cast %scan3A_348 : vector<16x128xf32> to vector<1x16x128xf32>
    %swap3A_351 = arith.constant 11 : index
    %swap3A_352 = arith.constant 0 : index
    %swap3A_353 = arith.constant 0 : index
    %swap3A_354 = vector.load %arg9[%swap3A_351, %swap3A_352, %swap3A_353] : memref<16x16x128xf32, #tpu.memory_space<vmem>>, vector<1x16x128xf32>
    tpu.vector_store %arg9[%swap3A_351, %swap3A_352, %swap3A_353], %reshape3A_350 {strides = array<i32>} : memref<16x16x128xf32, #tpu.memory_space<vmem>>, vector<1x16x128xf32>,
    %slice3A_355 = vector.extract_strided_slice %get3A_8 {offsets = [12, 0], sizes = [1, 128], strides = [1, 1]} : vector<16x128xi32> to vector<1x128xi32>
    %broadcast_in_dim3A_356 = arith.constant 0.000000e+00 : f32
    %broadcast_in_dim3A_357 = vector.broadcast %broadcast_in_dim3A_356 : f32 to vector<16x128xf32>
    %scan3A_358 = arith.constant 0 : i32
    %scan3A_359 = arith.constant 128 : i32
    %scan3A_360 = arith.addi %scan3A_358, %scan3A_359 : i32
    %scan3A_361 = arith.constant 1 : i32
    %scan3A_362 = scf.for %scan3A_613 = %scan3A_358 to %scan3A_360 step %scan3A_361 iter_args(%scan3A_614 = %broadcast_in_dim3A_357) -> (vector<16x128xf32>)  : i32 {
      %eq3A_615 = vector.broadcast %scan3A_613 : i32 to vector<1x128xi32>
      %eq3A_616 = arith.cmpi eq, %iota3A_190, %eq3A_615 : vector<1x128xi32>
      %jit3A_617 = arith.constant 0 : i32
      %broadcast_in_dim3A_618 = vector.broadcast %jit3A_617 : i32 to vector<1x128xi32>
      %select_n3A_619 = arith.select %eq3A_616, %slice3A_355, %broadcast_in_dim3A_618 : vector<1x128xi1>, vector<1x128xi32>
      %reduce_sum3A = vector.shape_cast %select_n3A_619 : vector<1x128xi32> to vector<1x1x128xi32>
      %reduce_sum3A_620 = arith.constant dense<0> : vector<1xi32>
      %reduce_sum3A_621 = vector.multi_reduction <add>, %reduce_sum3A, %reduce_sum3A_620 [1, 2] : vector<1x1x128xi32> to vector<1xi32>
      %reduce_sum3A_622 = vector.shape_cast %reduce_sum3A_621 : vector<1xi32> to vector<1x1x1xi32>
      %reduce_sum3A_623 = vector.extract %reduce_sum3A_622[0, 0, 0] : i32 from vector<1x1x1xi32>
      %shift_right_arithmetic3A = arith.constant 7 : i32
      %shift_right_arithmetic3A_624 = arith.shrsi %reduce_sum3A_623, %shift_right_arithmetic3A : i32
      %and3A = arith.constant 127 : i32
      %and3A_625 = arith.andi %reduce_sum3A_623, %and3A : i32
      %get3A_626 = arith.index_cast %shift_right_arithmetic3A_624 : i32 to index
      %get3A_627 = arith.constant 0 : index
      %get3A_628 = arith.constant 0 : index
      %get3A_629 = vector.load %arg8[%get3A_626, %get3A_627, %get3A_628] : memref<512x16x128xf32, #tpu.memory_space<vmem>>, vector<1x16x128xf32>
      %squeeze3A_630 = vector.shape_cast %get3A_629 : vector<1x16x128xf32> to vector<16x128xf32>
      %eq3A_631 = vector.broadcast %and3A_625 : i32 to vector<1x128xi32>
      %eq3A_632 = arith.cmpi eq, %iota3A_190, %eq3A_631 : vector<1x128xi32>
      %convert_element_type3A_633 = arith.extui %eq3A_632 : vector<1x128xi1> to vector<1x128xi32>
      %convert_element_type3A_634 = arith.sitofp %convert_element_type3A_633 : vector<1x128xi32> to vector<1x128xf32>
      %mul3A_635 = vector.broadcast %convert_element_type3A_634 : vector<1x128xf32> to vector<16x128xf32>
      %mul3A_636 = arith.mulf %squeeze3A_630, %mul3A_635 : vector<16x128xf32>
      %reduce_sum3A_637 = arith.constant dense<0.000000e+00> : vector<16xf32>
      %reduce_sum3A_638 = vector.multi_reduction <add>, %mul3A_636, %reduce_sum3A_637 [1] : vector<16x128xf32> to vector<16xf32>
      %broadcast_in_dim3A_639 = vector.shape_cast %reduce_sum3A_638 : vector<16xf32> to vector<16x1xf32>
      %eq3A_640 = vector.broadcast %scan3A_613 : i32 to vector<1x128xi32>
      %eq3A_641 = arith.cmpi eq, %iota3A_190, %eq3A_640 : vector<1x128xi32>
      %convert_element_type3A_642 = arith.extui %eq3A_641 : vector<1x128xi1> to vector<1x128xi32>
      %convert_element_type3A_643 = arith.sitofp %convert_element_type3A_642 : vector<1x128xi32> to vector<1x128xf32>
      %mul3A_644 = vector.broadcast %broadcast_in_dim3A_639 : vector<16x1xf32> to vector<16x128xf32>
      %mul3A_645 = vector.broadcast %convert_element_type3A_643 : vector<1x128xf32> to vector<16x128xf32>
      %mul3A_646 = arith.mulf %mul3A_644, %mul3A_645 : vector<16x128xf32>
      %add3A_647 = arith.addf %scan3A_614, %mul3A_646 : vector<16x128xf32>
      scf.yield %add3A_647 : vector<16x128xf32>
    }
    %scan3A_363 = arith.constant 128 : i32
    %reshape3A_364 = vector.shape_cast %scan3A_362 : vector<16x128xf32> to vector<1x16x128xf32>
    %swap3A_365 = arith.constant 12 : index
    %swap3A_366 = arith.constant 0 : index
    %swap3A_367 = arith.constant 0 : index
    %swap3A_368 = vector.load %arg9[%swap3A_365, %swap3A_366, %swap3A_367] : memref<16x16x128xf32, #tpu.memory_space<vmem>>, vector<1x16x128xf32>
    tpu.vector_store %arg9[%swap3A_365, %swap3A_366, %swap3A_367], %reshape3A_364 {strides = array<i32>} : memref<16x16x128xf32, #tpu.memory_space<vmem>>, vector<1x16x128xf32>,
    %slice3A_369 = vector.extract_strided_slice %get3A_8 {offsets = [13, 0], sizes = [1, 128], strides = [1, 1]} : vector<16x128xi32> to vector<1x128xi32>
    %broadcast_in_dim3A_370 = arith.constant 0.000000e+00 : f32
    %broadcast_in_dim3A_371 = vector.broadcast %broadcast_in_dim3A_370 : f32 to vector<16x128xf32>
    %scan3A_372 = arith.constant 0 : i32
    %scan3A_373 = arith.constant 128 : i32
    %scan3A_374 = arith.addi %scan3A_372, %scan3A_373 : i32
    %scan3A_375 = arith.constant 1 : i32
    %scan3A_376 = scf.for %scan3A_613 = %scan3A_372 to %scan3A_374 step %scan3A_375 iter_args(%scan3A_614 = %broadcast_in_dim3A_371) -> (vector<16x128xf32>)  : i32 {
      %eq3A_615 = vector.broadcast %scan3A_613 : i32 to vector<1x128xi32>
      %eq3A_616 = arith.cmpi eq, %iota3A_190, %eq3A_615 : vector<1x128xi32>
      %jit3A_617 = arith.constant 0 : i32
      %broadcast_in_dim3A_618 = vector.broadcast %jit3A_617 : i32 to vector<1x128xi32>
      %select_n3A_619 = arith.select %eq3A_616, %slice3A_369, %broadcast_in_dim3A_618 : vector<1x128xi1>, vector<1x128xi32>
      %reduce_sum3A = vector.shape_cast %select_n3A_619 : vector<1x128xi32> to vector<1x1x128xi32>
      %reduce_sum3A_620 = arith.constant dense<0> : vector<1xi32>
      %reduce_sum3A_621 = vector.multi_reduction <add>, %reduce_sum3A, %reduce_sum3A_620 [1, 2] : vector<1x1x128xi32> to vector<1xi32>
      %reduce_sum3A_622 = vector.shape_cast %reduce_sum3A_621 : vector<1xi32> to vector<1x1x1xi32>
      %reduce_sum3A_623 = vector.extract %reduce_sum3A_622[0, 0, 0] : i32 from vector<1x1x1xi32>
      %shift_right_arithmetic3A = arith.constant 7 : i32
      %shift_right_arithmetic3A_624 = arith.shrsi %reduce_sum3A_623, %shift_right_arithmetic3A : i32
      %and3A = arith.constant 127 : i32
      %and3A_625 = arith.andi %reduce_sum3A_623, %and3A : i32
      %get3A_626 = arith.index_cast %shift_right_arithmetic3A_624 : i32 to index
      %get3A_627 = arith.constant 0 : index
      %get3A_628 = arith.constant 0 : index
      %get3A_629 = vector.load %arg8[%get3A_626, %get3A_627, %get3A_628] : memref<512x16x128xf32, #tpu.memory_space<vmem>>, vector<1x16x128xf32>
      %squeeze3A_630 = vector.shape_cast %get3A_629 : vector<1x16x128xf32> to vector<16x128xf32>
      %eq3A_631 = vector.broadcast %and3A_625 : i32 to vector<1x128xi32>
      %eq3A_632 = arith.cmpi eq, %iota3A_190, %eq3A_631 : vector<1x128xi32>
      %convert_element_type3A_633 = arith.extui %eq3A_632 : vector<1x128xi1> to vector<1x128xi32>
      %convert_element_type3A_634 = arith.sitofp %convert_element_type3A_633 : vector<1x128xi32> to vector<1x128xf32>
      %mul3A_635 = vector.broadcast %convert_element_type3A_634 : vector<1x128xf32> to vector<16x128xf32>
      %mul3A_636 = arith.mulf %squeeze3A_630, %mul3A_635 : vector<16x128xf32>
      %reduce_sum3A_637 = arith.constant dense<0.000000e+00> : vector<16xf32>
      %reduce_sum3A_638 = vector.multi_reduction <add>, %mul3A_636, %reduce_sum3A_637 [1] : vector<16x128xf32> to vector<16xf32>
      %broadcast_in_dim3A_639 = vector.shape_cast %reduce_sum3A_638 : vector<16xf32> to vector<16x1xf32>
      %eq3A_640 = vector.broadcast %scan3A_613 : i32 to vector<1x128xi32>
      %eq3A_641 = arith.cmpi eq, %iota3A_190, %eq3A_640 : vector<1x128xi32>
      %convert_element_type3A_642 = arith.extui %eq3A_641 : vector<1x128xi1> to vector<1x128xi32>
      %convert_element_type3A_643 = arith.sitofp %convert_element_type3A_642 : vector<1x128xi32> to vector<1x128xf32>
      %mul3A_644 = vector.broadcast %broadcast_in_dim3A_639 : vector<16x1xf32> to vector<16x128xf32>
      %mul3A_645 = vector.broadcast %convert_element_type3A_643 : vector<1x128xf32> to vector<16x128xf32>
      %mul3A_646 = arith.mulf %mul3A_644, %mul3A_645 : vector<16x128xf32>
      %add3A_647 = arith.addf %scan3A_614, %mul3A_646 : vector<16x128xf32>
      scf.yield %add3A_647 : vector<16x128xf32>
    }
    %scan3A_377 = arith.constant 128 : i32
    %reshape3A_378 = vector.shape_cast %scan3A_376 : vector<16x128xf32> to vector<1x16x128xf32>
    %swap3A_379 = arith.constant 13 : index
    %swap3A_380 = arith.constant 0 : index
    %swap3A_381 = arith.constant 0 : index
    %swap3A_382 = vector.load %arg9[%swap3A_379, %swap3A_380, %swap3A_381] : memref<16x16x128xf32, #tpu.memory_space<vmem>>, vector<1x16x128xf32>
    tpu.vector_store %arg9[%swap3A_379, %swap3A_380, %swap3A_381], %reshape3A_378 {strides = array<i32>} : memref<16x16x128xf32, #tpu.memory_space<vmem>>, vector<1x16x128xf32>,
    %slice3A_383 = vector.extract_strided_slice %get3A_8 {offsets = [14, 0], sizes = [1, 128], strides = [1, 1]} : vector<16x128xi32> to vector<1x128xi32>
    %broadcast_in_dim3A_384 = arith.constant 0.000000e+00 : f32
    %broadcast_in_dim3A_385 = vector.broadcast %broadcast_in_dim3A_384 : f32 to vector<16x128xf32>
    %scan3A_386 = arith.constant 0 : i32
    %scan3A_387 = arith.constant 128 : i32
    %scan3A_388 = arith.addi %scan3A_386, %scan3A_387 : i32
    %scan3A_389 = arith.constant 1 : i32
    %scan3A_390 = scf.for %scan3A_613 = %scan3A_386 to %scan3A_388 step %scan3A_389 iter_args(%scan3A_614 = %broadcast_in_dim3A_385) -> (vector<16x128xf32>)  : i32 {
      %eq3A_615 = vector.broadcast %scan3A_613 : i32 to vector<1x128xi32>
      %eq3A_616 = arith.cmpi eq, %iota3A_190, %eq3A_615 : vector<1x128xi32>
      %jit3A_617 = arith.constant 0 : i32
      %broadcast_in_dim3A_618 = vector.broadcast %jit3A_617 : i32 to vector<1x128xi32>
      %select_n3A_619 = arith.select %eq3A_616, %slice3A_383, %broadcast_in_dim3A_618 : vector<1x128xi1>, vector<1x128xi32>
      %reduce_sum3A = vector.shape_cast %select_n3A_619 : vector<1x128xi32> to vector<1x1x128xi32>
      %reduce_sum3A_620 = arith.constant dense<0> : vector<1xi32>
      %reduce_sum3A_621 = vector.multi_reduction <add>, %reduce_sum3A, %reduce_sum3A_620 [1, 2] : vector<1x1x128xi32> to vector<1xi32>
      %reduce_sum3A_622 = vector.shape_cast %reduce_sum3A_621 : vector<1xi32> to vector<1x1x1xi32>
      %reduce_sum3A_623 = vector.extract %reduce_sum3A_622[0, 0, 0] : i32 from vector<1x1x1xi32>
      %shift_right_arithmetic3A = arith.constant 7 : i32
      %shift_right_arithmetic3A_624 = arith.shrsi %reduce_sum3A_623, %shift_right_arithmetic3A : i32
      %and3A = arith.constant 127 : i32
      %and3A_625 = arith.andi %reduce_sum3A_623, %and3A : i32
      %get3A_626 = arith.index_cast %shift_right_arithmetic3A_624 : i32 to index
      %get3A_627 = arith.constant 0 : index
      %get3A_628 = arith.constant 0 : index
      %get3A_629 = vector.load %arg8[%get3A_626, %get3A_627, %get3A_628] : memref<512x16x128xf32, #tpu.memory_space<vmem>>, vector<1x16x128xf32>
      %squeeze3A_630 = vector.shape_cast %get3A_629 : vector<1x16x128xf32> to vector<16x128xf32>
      %eq3A_631 = vector.broadcast %and3A_625 : i32 to vector<1x128xi32>
      %eq3A_632 = arith.cmpi eq, %iota3A_190, %eq3A_631 : vector<1x128xi32>
      %convert_element_type3A_633 = arith.extui %eq3A_632 : vector<1x128xi1> to vector<1x128xi32>
      %convert_element_type3A_634 = arith.sitofp %convert_element_type3A_633 : vector<1x128xi32> to vector<1x128xf32>
      %mul3A_635 = vector.broadcast %convert_element_type3A_634 : vector<1x128xf32> to vector<16x128xf32>
      %mul3A_636 = arith.mulf %squeeze3A_630, %mul3A_635 : vector<16x128xf32>
      %reduce_sum3A_637 = arith.constant dense<0.000000e+00> : vector<16xf32>
      %reduce_sum3A_638 = vector.multi_reduction <add>, %mul3A_636, %reduce_sum3A_637 [1] : vector<16x128xf32> to vector<16xf32>
      %broadcast_in_dim3A_639 = vector.shape_cast %reduce_sum3A_638 : vector<16xf32> to vector<16x1xf32>
      %eq3A_640 = vector.broadcast %scan3A_613 : i32 to vector<1x128xi32>
      %eq3A_641 = arith.cmpi eq, %iota3A_190, %eq3A_640 : vector<1x128xi32>
      %convert_element_type3A_642 = arith.extui %eq3A_641 : vector<1x128xi1> to vector<1x128xi32>
      %convert_element_type3A_643 = arith.sitofp %convert_element_type3A_642 : vector<1x128xi32> to vector<1x128xf32>
      %mul3A_644 = vector.broadcast %broadcast_in_dim3A_639 : vector<16x1xf32> to vector<16x128xf32>
      %mul3A_645 = vector.broadcast %convert_element_type3A_643 : vector<1x128xf32> to vector<16x128xf32>
      %mul3A_646 = arith.mulf %mul3A_644, %mul3A_645 : vector<16x128xf32>
      %add3A_647 = arith.addf %scan3A_614, %mul3A_646 : vector<16x128xf32>
      scf.yield %add3A_647 : vector<16x128xf32>
    }
    %scan3A_391 = arith.constant 128 : i32
    %reshape3A_392 = vector.shape_cast %scan3A_390 : vector<16x128xf32> to vector<1x16x128xf32>
    %swap3A_393 = arith.constant 14 : index
    %swap3A_394 = arith.constant 0 : index
    %swap3A_395 = arith.constant 0 : index
    %swap3A_396 = vector.load %arg9[%swap3A_393, %swap3A_394, %swap3A_395] : memref<16x16x128xf32, #tpu.memory_space<vmem>>, vector<1x16x128xf32>
    tpu.vector_store %arg9[%swap3A_393, %swap3A_394, %swap3A_395], %reshape3A_392 {strides = array<i32>} : memref<16x16x128xf32, #tpu.memory_space<vmem>>, vector<1x16x128xf32>,
    %slice3A_397 = vector.extract_strided_slice %get3A_8 {offsets = [15, 0], sizes = [1, 128], strides = [1, 1]} : vector<16x128xi32> to vector<1x128xi32>
    %broadcast_in_dim3A_398 = arith.constant 0.000000e+00 : f32
    %broadcast_in_dim3A_399 = vector.broadcast %broadcast_in_dim3A_398 : f32 to vector<16x128xf32>
    %scan3A_400 = arith.constant 0 : i32
    %scan3A_401 = arith.constant 128 : i32
    %scan3A_402 = arith.addi %scan3A_400, %scan3A_401 : i32
    %scan3A_403 = arith.constant 1 : i32
    %scan3A_404 = scf.for %scan3A_613 = %scan3A_400 to %scan3A_402 step %scan3A_403 iter_args(%scan3A_614 = %broadcast_in_dim3A_399) -> (vector<16x128xf32>)  : i32 {
      %eq3A_615 = vector.broadcast %scan3A_613 : i32 to vector<1x128xi32>
      %eq3A_616 = arith.cmpi eq, %iota3A_190, %eq3A_615 : vector<1x128xi32>
      %jit3A_617 = arith.constant 0 : i32
      %broadcast_in_dim3A_618 = vector.broadcast %jit3A_617 : i32 to vector<1x128xi32>
      %select_n3A_619 = arith.select %eq3A_616, %slice3A_397, %broadcast_in_dim3A_618 : vector<1x128xi1>, vector<1x128xi32>
      %reduce_sum3A = vector.shape_cast %select_n3A_619 : vector<1x128xi32> to vector<1x1x128xi32>
      %reduce_sum3A_620 = arith.constant dense<0> : vector<1xi32>
      %reduce_sum3A_621 = vector.multi_reduction <add>, %reduce_sum3A, %reduce_sum3A_620 [1, 2] : vector<1x1x128xi32> to vector<1xi32>
      %reduce_sum3A_622 = vector.shape_cast %reduce_sum3A_621 : vector<1xi32> to vector<1x1x1xi32>
      %reduce_sum3A_623 = vector.extract %reduce_sum3A_622[0, 0, 0] : i32 from vector<1x1x1xi32>
      %shift_right_arithmetic3A = arith.constant 7 : i32
      %shift_right_arithmetic3A_624 = arith.shrsi %reduce_sum3A_623, %shift_right_arithmetic3A : i32
      %and3A = arith.constant 127 : i32
      %and3A_625 = arith.andi %reduce_sum3A_623, %and3A : i32
      %get3A_626 = arith.index_cast %shift_right_arithmetic3A_624 : i32 to index
      %get3A_627 = arith.constant 0 : index
      %get3A_628 = arith.constant 0 : index
      %get3A_629 = vector.load %arg8[%get3A_626, %get3A_627, %get3A_628] : memref<512x16x128xf32, #tpu.memory_space<vmem>>, vector<1x16x128xf32>
      %squeeze3A_630 = vector.shape_cast %get3A_629 : vector<1x16x128xf32> to vector<16x128xf32>
      %eq3A_631 = vector.broadcast %and3A_625 : i32 to vector<1x128xi32>
      %eq3A_632 = arith.cmpi eq, %iota3A_190, %eq3A_631 : vector<1x128xi32>
      %convert_element_type3A_633 = arith.extui %eq3A_632 : vector<1x128xi1> to vector<1x128xi32>
      %convert_element_type3A_634 = arith.sitofp %convert_element_type3A_633 : vector<1x128xi32> to vector<1x128xf32>
      %mul3A_635 = vector.broadcast %convert_element_type3A_634 : vector<1x128xf32> to vector<16x128xf32>
      %mul3A_636 = arith.mulf %squeeze3A_630, %mul3A_635 : vector<16x128xf32>
      %reduce_sum3A_637 = arith.constant dense<0.000000e+00> : vector<16xf32>
      %reduce_sum3A_638 = vector.multi_reduction <add>, %mul3A_636, %reduce_sum3A_637 [1] : vector<16x128xf32> to vector<16xf32>
      %broadcast_in_dim3A_639 = vector.shape_cast %reduce_sum3A_638 : vector<16xf32> to vector<16x1xf32>
      %eq3A_640 = vector.broadcast %scan3A_613 : i32 to vector<1x128xi32>
      %eq3A_641 = arith.cmpi eq, %iota3A_190, %eq3A_640 : vector<1x128xi32>
      %convert_element_type3A_642 = arith.extui %eq3A_641 : vector<1x128xi1> to vector<1x128xi32>
      %convert_element_type3A_643 = arith.sitofp %convert_element_type3A_642 : vector<1x128xi32> to vector<1x128xf32>
      %mul3A_644 = vector.broadcast %broadcast_in_dim3A_639 : vector<16x1xf32> to vector<16x128xf32>
      %mul3A_645 = vector.broadcast %convert_element_type3A_643 : vector<1x128xf32> to vector<16x128xf32>
      %mul3A_646 = arith.mulf %mul3A_644, %mul3A_645 : vector<16x128xf32>
      %add3A_647 = arith.addf %scan3A_614, %mul3A_646 : vector<16x128xf32>
      scf.yield %add3A_647 : vector<16x128xf32>
    }
    %scan3A_405 = arith.constant 128 : i32
    %reshape3A_406 = vector.shape_cast %scan3A_404 : vector<16x128xf32> to vector<1x16x128xf32>
    %swap3A_407 = arith.constant 15 : index
    %swap3A_408 = arith.constant 0 : index
    %swap3A_409 = arith.constant 0 : index
    %swap3A_410 = vector.load %arg9[%swap3A_407, %swap3A_408, %swap3A_409] : memref<16x16x128xf32, #tpu.memory_space<vmem>>, vector<1x16x128xf32>
    tpu.vector_store %arg9[%swap3A_407, %swap3A_408, %swap3A_409], %reshape3A_406 {strides = array<i32>} : memref<16x16x128xf32, #tpu.memory_space<vmem>>, vector<1x16x128xf32>,
    %get3A_411 = arith.constant 0 : index
    %get3A_412 = arith.constant 0 : index
    %get3A_413 = arith.constant 0 : index
    %get3A_414 = vector.load %arg9[%get3A_411, %get3A_412, %get3A_413] : memref<16x16x128xf32, #tpu.memory_space<vmem>>, vector<16x16x128xf32>
    %convert_element_type3A = arith.sitofp %get3A_13 : vector<16x128xi32> to vector<16x128xf32>
    %mul3A_415 = arith.constant 1.000000e+04 : f32
    %mul3A_416 = vector.broadcast %mul3A_415 : f32 to vector<16x128xf32>
    %mul3A_417 = arith.mulf %convert_element_type3A, %mul3A_416 : vector<16x128xf32>
    %slice3A_418 = vector.extract_strided_slice %get3A_414 {offsets = [0, 5, 0], sizes = [16, 1, 128], strides = [1, 1, 1]} : vector<16x16x128xf32> to vector<16x1x128xf32>
    %squeeze3A = vector.shape_cast %slice3A_418 : vector<16x1x128xf32> to vector<16x128xf32>
    %add3A_419 = arith.addf %squeeze3A, %mul3A_417 : vector<16x128xf32>
    %slice3A_420 = vector.extract_strided_slice %get3A_414 {offsets = [0, 6, 0], sizes = [16, 1, 128], strides = [1, 1, 1]} : vector<16x16x128xf32> to vector<16x1x128xf32>
    %squeeze3A_421 = vector.shape_cast %slice3A_420 : vector<16x1x128xf32> to vector<16x128xf32>
    %add3A_422 = arith.addf %squeeze3A_421, %mul3A_417 : vector<16x128xf32>
    %slice3A_423 = vector.extract_strided_slice %get3A_414 {offsets = [0, 7, 0], sizes = [16, 1, 128], strides = [1, 1, 1]} : vector<16x16x128xf32> to vector<16x1x128xf32>
    %squeeze3A_424 = vector.shape_cast %slice3A_423 : vector<16x1x128xf32> to vector<16x128xf32>
    %add3A_425 = arith.addf %squeeze3A_424, %mul3A_417 : vector<16x128xf32>
    %slice3A_426 = vector.extract_strided_slice %get3A_414 {offsets = [0, 8, 0], sizes = [16, 1, 128], strides = [1, 1, 1]} : vector<16x16x128xf32> to vector<16x1x128xf32>
    %squeeze3A_427 = vector.shape_cast %slice3A_426 : vector<16x1x128xf32> to vector<16x128xf32>
    %add3A_428 = arith.addf %squeeze3A_427, %mul3A_417 : vector<16x128xf32>
    %sub3A_429 = arith.subf %add3A_425, %add3A_419 : vector<16x128xf32>
    %max3A_430 = arith.constant 0.000000e+00 : f32
    %max3A_431 = vector.broadcast %max3A_430 : f32 to vector<16x128xf32>
    %max3A_432 = arith.maximumf %sub3A_429, %max3A_431 : vector<16x128xf32>
    %sub3A_433 = arith.subf %add3A_428, %add3A_422 : vector<16x128xf32>
    %max3A_434 = arith.constant 0.000000e+00 : f32
    %max3A_435 = vector.broadcast %max3A_434 : f32 to vector<16x128xf32>
    %max3A_436 = arith.maximumf %sub3A_433, %max3A_435 : vector<16x128xf32>
    %mul3A_437 = arith.mulf %max3A_432, %max3A_436 : vector<16x128xf32>
    %max3A_438 = arith.constant 9.99999996E-13 : f32
    %max3A_439 = vector.broadcast %max3A_438 : f32 to vector<16x128xf32>
    %max3A_440 = arith.maximumf %get3A_3, %max3A_439 : vector<16x128xf32>
    %sqrt3A = math.sqrt %max3A_440 : vector<16x128xf32>
    %gt3A = arith.constant 0.000000e+00 : f32
    %gt3A_441 = vector.broadcast %gt3A : f32 to vector<16x128xf32>
    %gt3A_442 = arith.cmpf ogt, %get3A_3, %gt3A_441 : vector<16x128xf32>
    %jit3A = arith.constant -1.000000e+00 : f32
    %broadcast_in_dim3A_443 = vector.broadcast %jit3A : f32 to vector<16x128xf32>
    %select_n3A = arith.select %gt3A_442, %sqrt3A, %broadcast_in_dim3A_443 : vector<16x128xi1>, vector<16x128xf32>
    %jit3A_444 = arith.constant 1.000000e+00 : f32
    %jit3A_445 = arith.constant 0.000000e+00 : f32
    %broadcast_in_dim3A_446 = vector.broadcast %jit3A_444 : f32 to vector<16x128xf32>
    %broadcast_in_dim3A_447 = vector.broadcast %jit3A_445 : f32 to vector<16x128xf32>
    %select_n3A_448 = arith.select %gt3A_442, %broadcast_in_dim3A_446, %broadcast_in_dim3A_447 : vector<16x128xi1>, vector<16x128xf32>
    %scan3A_449 = arith.constant 0 : i32
    %scan3A_450 = arith.constant 2000 : i32
    %scan3A_451 = arith.addi %scan3A_449, %scan3A_450 : i32
    %scan3A_452 = arith.constant 1 : i32
    %scan3A_453 = scf.for %scan3A_613 = %scan3A_449 to %scan3A_451 step %scan3A_452 iter_args(%scan3A_614 = %select_n3A_448) -> (vector<16x128xf32>)  : i32 {
      %eq3A_615 = vector.broadcast %scan3A_613 : i32 to vector<16x128xi32>
      %eq3A_616 = arith.cmpi eq, %add3A_189, %eq3A_615 : vector<16x128xi32>
      %jit3A_617 = arith.constant 0.000000e+00 : f32
      %broadcast_in_dim3A_618 = vector.broadcast %jit3A_617 : f32 to vector<16x128xf32>
      %select_n3A_619 = arith.select %eq3A_616, %scan3A_614, %broadcast_in_dim3A_618 : vector<16x128xi1>, vector<16x128xf32>
      %reduce_sum3A = vector.shape_cast %select_n3A_619 : vector<16x128xf32> to vector<1x16x128xf32>
      %reduce_sum3A_620 = arith.constant dense<0.000000e+00> : vector<1xf32>
      %reduce_sum3A_621 = vector.multi_reduction <add>, %reduce_sum3A, %reduce_sum3A_620 [1, 2] : vector<1x16x128xf32> to vector<1xf32>
      %reduce_sum3A_622 = vector.shape_cast %reduce_sum3A_621 : vector<1xf32> to vector<1x1x1xf32>
      %reduce_sum3A_623 = vector.extract %reduce_sum3A_622[0, 0, 0] : f32 from vector<1x1x1xf32>
      %jit3A_624 = arith.constant 0 : i32
      %broadcast_in_dim3A_625 = vector.broadcast %jit3A_624 : i32 to vector<16x128xi32>
      %select_n3A_626 = arith.select %eq3A_616, %get3A_13, %broadcast_in_dim3A_625 : vector<16x128xi1>, vector<16x128xi32>
      %reduce_sum3A_627 = vector.shape_cast %select_n3A_626 : vector<16x128xi32> to vector<1x16x128xi32>
      %reduce_sum3A_628 = arith.constant dense<0> : vector<1xi32>
      %reduce_sum3A_629 = vector.multi_reduction <add>, %reduce_sum3A_627, %reduce_sum3A_628 [1, 2] : vector<1x16x128xi32> to vector<1xi32>
      %reduce_sum3A_630 = vector.shape_cast %reduce_sum3A_629 : vector<1xi32> to vector<1x1x1xi32>
      %reduce_sum3A_631 = vector.extract %reduce_sum3A_630[0, 0, 0] : i32 from vector<1x1x1xi32>
      %convert_element_type3A_632 = arith.sitofp %reduce_sum3A_631 : i32 to f32
      %mul3A_633 = arith.constant 1.000000e+04 : f32
      %mul3A_634 = arith.mulf %convert_element_type3A_632, %mul3A_633 : f32
      %shift_right_arithmetic3A = arith.constant 7 : i32
      %shift_right_arithmetic3A_635 = arith.shrsi %scan3A_613, %shift_right_arithmetic3A : i32
      %and3A = arith.constant 127 : i32
      %and3A_636 = arith.andi %scan3A_613, %and3A : i32
      %get3A_637 = arith.index_cast %shift_right_arithmetic3A_635 : i32 to index
      %get3A_638 = arith.constant 0 : index
      %get3A_639 = arith.constant 0 : index
      %get3A_640 = vector.load %arg9[%get3A_637, %get3A_638, %get3A_639] : memref<16x16x128xf32, #tpu.memory_space<vmem>>, vector<1x16x128xf32>
      %squeeze3A_641 = vector.shape_cast %get3A_640 : vector<1x16x128xf32> to vector<16x128xf32>
      %eq3A_642 = vector.broadcast %and3A_636 : i32 to vector<1x128xi32>
      %eq3A_643 = arith.cmpi eq, %iota3A_190, %eq3A_642 : vector<1x128xi32>
      %convert_element_type3A_644 = arith.extui %eq3A_643 : vector<1x128xi1> to vector<1x128xi32>
      %convert_element_type3A_645 = arith.sitofp %convert_element_type3A_644 : vector<1x128xi32> to vector<1x128xf32>
      %mul3A_646 = vector.broadcast %convert_element_type3A_645 : vector<1x128xf32> to vector<16x128xf32>
      %mul3A_647 = arith.mulf %squeeze3A_641, %mul3A_646 : vector<16x128xf32>
      %reduce_sum3A_648 = arith.constant dense<0.000000e+00> : vector<16xf32>
      %reduce_sum3A_649 = vector.multi_reduction <add>, %mul3A_647, %reduce_sum3A_648 [1] : vector<16x128xf32> to vector<16xf32>
      %broadcast_in_dim3A_650 = vector.shape_cast %reduce_sum3A_649 : vector<16xf32> to vector<16x1xf32>
      %slice3A_651 = vector.extract_strided_slice %broadcast_in_dim3A_650 {offsets = [5, 0], sizes = [1, 1], strides = [1, 1]} : vector<16x1xf32> to vector<1x1xf32>
      %squeeze3A_652 = vector.extract %slice3A_651[0, 0] : f32 from vector<1x1xf32>
      %add3A_653 = arith.addf %squeeze3A_652, %mul3A_634 : f32
      %slice3A_654 = vector.extract_strided_slice %broadcast_in_dim3A_650 {offsets = [6, 0], sizes = [1, 1], strides = [1, 1]} : vector<16x1xf32> to vector<1x1xf32>
      %squeeze3A_655 = vector.extract %slice3A_654[0, 0] : f32 from vector<1x1xf32>
      %add3A_656 = arith.addf %squeeze3A_655, %mul3A_634 : f32
      %slice3A_657 = vector.extract_strided_slice %broadcast_in_dim3A_650 {offsets = [7, 0], sizes = [1, 1], strides = [1, 1]} : vector<16x1xf32> to vector<1x1xf32>
      %squeeze3A_658 = vector.extract %slice3A_657[0, 0] : f32 from vector<1x1xf32>
      %add3A_659 = arith.addf %squeeze3A_658, %mul3A_634 : f32
      %slice3A_660 = vector.extract_strided_slice %broadcast_in_dim3A_650 {offsets = [8, 0], sizes = [1, 1], strides = [1, 1]} : vector<16x1xf32> to vector<1x1xf32>
      %squeeze3A_661 = vector.extract %slice3A_660[0, 0] : f32 from vector<1x1xf32>
      %add3A_662 = arith.addf %squeeze3A_661, %mul3A_634 : f32
      %sub3A_663 = arith.subf %add3A_659, %add3A_653 : f32
      %max3A_664 = arith.constant 0.000000e+00 : f32
      %max3A_665 = arith.maximumf %sub3A_663, %max3A_664 : f32
      %sub3A_666 = arith.subf %add3A_662, %add3A_656 : f32
      %max3A_667 = arith.constant 0.000000e+00 : f32
      %max3A_668 = arith.maximumf %sub3A_666, %max3A_667 : f32
      %mul3A_669 = arith.mulf %max3A_665, %max3A_668 : f32
      %min3A_670 = vector.broadcast %add3A_659 : f32 to vector<16x128xf32>
      %min3A_671 = arith.minimumf %min3A_670, %add3A_425 : vector<16x128xf32>
      %max3A_672 = vector.broadcast %add3A_653 : f32 to vector<16x128xf32>
      %max3A_673 = arith.maximumf %max3A_672, %add3A_419 : vector<16x128xf32>
      %sub3A_674 = arith.subf %min3A_671, %max3A_673 : vector<16x128xf32>
      %max3A_675 = arith.constant 0.000000e+00 : f32
      %max3A_676 = vector.broadcast %max3A_675 : f32 to vector<16x128xf32>
      %max3A_677 = arith.maximumf %sub3A_674, %max3A_676 : vector<16x128xf32>
      %min3A_678 = vector.broadcast %add3A_662 : f32 to vector<16x128xf32>
      %min3A_679 = arith.minimumf %min3A_678, %add3A_428 : vector<16x128xf32>
      %max3A_680 = vector.broadcast %add3A_656 : f32 to vector<16x128xf32>
      %max3A_681 = arith.maximumf %max3A_680, %add3A_422 : vector<16x128xf32>
      %sub3A_682 = arith.subf %min3A_679, %max3A_681 : vector<16x128xf32>
      %max3A_683 = arith.constant 0.000000e+00 : f32
      %max3A_684 = vector.broadcast %max3A_683 : f32 to vector<16x128xf32>
      %max3A_685 = arith.maximumf %sub3A_682, %max3A_684 : vector<16x128xf32>
      %mul3A_686 = arith.mulf %max3A_677, %max3A_685 : vector<16x128xf32>
      %add3A_687 = vector.broadcast %mul3A_669 : f32 to vector<16x128xf32>
      %add3A_688 = arith.addf %add3A_687, %mul3A_437 : vector<16x128xf32>
      %sub3A_689 = arith.subf %add3A_688, %mul3A_686 : vector<16x128xf32>
      %max3A_690 = arith.constant 9.99999971E-10 : f32
      %max3A_691 = vector.broadcast %max3A_690 : f32 to vector<16x128xf32>
      %max3A_692 = arith.maximumf %sub3A_689, %max3A_691 : vector<16x128xf32>
      %div3A_693 = arith.divf %mul3A_686, %max3A_692 : vector<16x128xf32>
      %gt3A_694 = arith.constant 5.000000e-01 : f32
      %gt3A_695 = vector.broadcast %gt3A_694 : f32 to vector<16x128xf32>
      %gt3A_696 = arith.cmpf ogt, %div3A_693, %gt3A_695 : vector<16x128xf32>
      %gt3A_697 = vector.broadcast %scan3A_613 : i32 to vector<16x128xi32>
      %gt3A_698 = arith.cmpi sgt, %add3A_189, %gt3A_697 : vector<16x128xi32>
      %and3A_699 = arith.andi %gt3A_696, %gt3A_698 : vector<16x128xi1>
      %gt3A_700 = arith.constant 0.000000e+00 : f32
      %gt3A_701 = arith.cmpf ogt, %reduce_sum3A_623, %gt3A_700 : f32
      %and3A_702 = vector.broadcast %gt3A_701 : i1 to vector<16x128xi1>
      %and3A_703 = arith.andi %and3A_699, %and3A_702 : vector<16x128xi1>
      %jit3A_704 = arith.constant 0.000000e+00 : f32
      %broadcast_in_dim3A_705 = vector.broadcast %jit3A_704 : f32 to vector<16x128xf32>
      %select_n3A_706 = arith.select %and3A_703, %broadcast_in_dim3A_705, %scan3A_614 : vector<16x128xi1>, vector<16x128xf32>
      scf.yield %select_n3A_706 : vector<16x128xf32>
    }
    %scan3A_454 = arith.constant 2000 : i32
    %gt3A_455 = arith.constant 0.000000e+00 : f32
    %gt3A_456 = vector.broadcast %gt3A_455 : f32 to vector<16x128xf32>
    %gt3A_457 = arith.cmpf ogt, %scan3A_453, %gt3A_456 : vector<16x128xf32>
    %jit3A_458 = arith.constant -1.000000e+00 : f32
    %broadcast_in_dim3A_459 = vector.broadcast %jit3A_458 : f32 to vector<16x128xf32>
    %select_n3A_460 = arith.select %gt3A_457, %select_n3A, %broadcast_in_dim3A_459 : vector<16x128xi1>, vector<16x128xf32>
    %iota3A_461 = tpu.iota {dimensions = array<i32: 0>} : vector<8x1xi32>
    %eq3A = arith.constant 0 : i32
    %eq3A_462 = vector.broadcast %eq3A : i32 to vector<8x1xi32>
    %eq3A_463 = arith.cmpi eq, %iota3A_461, %eq3A_462 : vector<8x1xi32>
    %convert_element_type3A_464 = arith.extui %eq3A_463 : vector<8x1xi1> to vector<8x1xi32>
    %convert_element_type3A_465 = arith.sitofp %convert_element_type3A_464 : vector<8x1xi32> to vector<8x1xf32>
    %eq3A_466 = arith.constant 1 : i32
    %eq3A_467 = vector.broadcast %eq3A_466 : i32 to vector<8x1xi32>
    %eq3A_468 = arith.cmpi eq, %iota3A_461, %eq3A_467 : vector<8x1xi32>
    %convert_element_type3A_469 = arith.extui %eq3A_468 : vector<8x1xi1> to vector<8x1xi32>
    %convert_element_type3A_470 = arith.sitofp %convert_element_type3A_469 : vector<8x1xi32> to vector<8x1xf32>
    %eq3A_471 = arith.constant 2 : i32
    %eq3A_472 = vector.broadcast %eq3A_471 : i32 to vector<8x1xi32>
    %eq3A_473 = arith.cmpi eq, %iota3A_461, %eq3A_472 : vector<8x1xi32>
    %convert_element_type3A_474 = arith.extui %eq3A_473 : vector<8x1xi1> to vector<8x1xi32>
    %convert_element_type3A_475 = arith.sitofp %convert_element_type3A_474 : vector<8x1xi32> to vector<8x1xf32>
    %eq3A_476 = arith.constant 3 : i32
    %eq3A_477 = vector.broadcast %eq3A_476 : i32 to vector<8x1xi32>
    %eq3A_478 = arith.cmpi eq, %iota3A_461, %eq3A_477 : vector<8x1xi32>
    %convert_element_type3A_479 = arith.extui %eq3A_478 : vector<8x1xi1> to vector<8x1xi32>
    %convert_element_type3A_480 = arith.sitofp %convert_element_type3A_479 : vector<8x1xi32> to vector<8x1xf32>
    %eq3A_481 = arith.constant 4 : i32
    %eq3A_482 = vector.broadcast %eq3A_481 : i32 to vector<8x1xi32>
    %eq3A_483 = arith.cmpi eq, %iota3A_461, %eq3A_482 : vector<8x1xi32>
    %convert_element_type3A_484 = arith.extui %eq3A_483 : vector<8x1xi1> to vector<8x1xi32>
    %convert_element_type3A_485 = arith.sitofp %convert_element_type3A_484 : vector<8x1xi32> to vector<8x1xf32>
    %eq3A_486 = arith.constant 5 : i32
    %eq3A_487 = vector.broadcast %eq3A_486 : i32 to vector<8x1xi32>
    %eq3A_488 = arith.cmpi eq, %iota3A_461, %eq3A_487 : vector<8x1xi32>
    %convert_element_type3A_489 = arith.extui %eq3A_488 : vector<8x1xi1> to vector<8x1xi32>
    %convert_element_type3A_490 = arith.sitofp %convert_element_type3A_489 : vector<8x1xi32> to vector<8x1xf32>
    %eq3A_491 = arith.constant 6 : i32
    %eq3A_492 = vector.broadcast %eq3A_491 : i32 to vector<8x1xi32>
    %eq3A_493 = arith.cmpi eq, %iota3A_461, %eq3A_492 : vector<8x1xi32>
    %convert_element_type3A_494 = arith.extui %eq3A_493 : vector<8x1xi1> to vector<8x1xi32>
    %convert_element_type3A_495 = arith.sitofp %convert_element_type3A_494 : vector<8x1xi32> to vector<8x1xf32>
    %eq3A_496 = arith.constant 7 : i32
    %eq3A_497 = vector.broadcast %eq3A_496 : i32 to vector<8x1xi32>
    %eq3A_498 = arith.cmpi eq, %iota3A_461, %eq3A_497 : vector<8x1xi32>
    %convert_element_type3A_499 = arith.extui %eq3A_498 : vector<8x1xi1> to vector<8x1xi32>
    %convert_element_type3A_500 = arith.sitofp %convert_element_type3A_499 : vector<8x1xi32> to vector<8x1xf32>
    %broadcast_in_dim3A_501 = arith.constant 0.000000e+00 : f32
    %broadcast_in_dim3A_502 = vector.broadcast %broadcast_in_dim3A_501 : f32 to vector<8x128xf32>
    %scan3A_503 = arith.constant 0 : i32
    %scan3A_504 = arith.constant 128 : i32
    %scan3A_505 = arith.addi %scan3A_503, %scan3A_504 : i32
    %scan3A_506 = arith.constant 1 : i32
    %scan3A_507:2 = scf.for %scan3A_613 = %scan3A_503 to %scan3A_505 step %scan3A_506 iter_args(%scan3A_614 = %select_n3A_460, %scan3A_615 = %broadcast_in_dim3A_502) -> (vector<16x128xf32>, vector<8x128xf32>)  : i32 {
      %reduce_max3A = vector.shape_cast %scan3A_614 : vector<16x128xf32> to vector<1x16x128xf32>
      %reduce_max3A_616 = arith.constant dense<0xFF800000> : vector<1xf32>
      %reduce_max3A_617 = vector.multi_reduction <maximumf>, %reduce_max3A, %reduce_max3A_616 [1, 2] : vector<1x16x128xf32> to vector<1xf32>
      %reduce_max3A_618 = vector.shape_cast %reduce_max3A_617 : vector<1xf32> to vector<1x1x1xf32>
      %reduce_max3A_619 = vector.extract %reduce_max3A_618[0, 0, 0] : f32 from vector<1x1x1xf32>
      %eq3A_620 = vector.broadcast %reduce_max3A_619 : f32 to vector<16x128xf32>
      %eq3A_621 = arith.cmpf oeq, %scan3A_614, %eq3A_620 : vector<16x128xf32>
      %jit3A_622 = arith.constant 99999 : i32
      %broadcast_in_dim3A_623 = vector.broadcast %jit3A_622 : i32 to vector<16x128xi32>
      %select_n3A_624 = arith.select %eq3A_621, %add3A_189, %broadcast_in_dim3A_623 : vector<16x128xi1>, vector<16x128xi32>
      %reduce_min3A = vector.shape_cast %select_n3A_624 : vector<16x128xi32> to vector<1x16x128xi32>
      %reduce_min3A_625 = arith.constant dense<2147483647> : vector<1xi32>
      %reduce_min3A_626 = vector.multi_reduction <minsi>, %reduce_min3A, %reduce_min3A_625 [1, 2] : vector<1x16x128xi32> to vector<1xi32>
      %reduce_min3A_627 = vector.shape_cast %reduce_min3A_626 : vector<1xi32> to vector<1x1x1xi32>
      %reduce_min3A_628 = vector.extract %reduce_min3A_627[0, 0, 0] : i32 from vector<1x1x1xi32>
      %shift_right_arithmetic3A = arith.constant 7 : i32
      %shift_right_arithmetic3A_629 = arith.shrsi %reduce_min3A_628, %shift_right_arithmetic3A : i32
      %and3A = arith.constant 127 : i32
      %and3A_630 = arith.andi %reduce_min3A_628, %and3A : i32
      %get3A_631 = arith.index_cast %shift_right_arithmetic3A_629 : i32 to index
      %get3A_632 = arith.constant 0 : index
      %get3A_633 = arith.constant 0 : index
      %get3A_634 = vector.load %arg9[%get3A_631, %get3A_632, %get3A_633] : memref<16x16x128xf32, #tpu.memory_space<vmem>>, vector<1x16x128xf32>
      %squeeze3A_635 = vector.shape_cast %get3A_634 : vector<1x16x128xf32> to vector<16x128xf32>
      %eq3A_636 = vector.broadcast %and3A_630 : i32 to vector<1x128xi32>
      %eq3A_637 = arith.cmpi eq, %iota3A_190, %eq3A_636 : vector<1x128xi32>
      %convert_element_type3A_638 = arith.extui %eq3A_637 : vector<1x128xi1> to vector<1x128xi32>
      %convert_element_type3A_639 = arith.sitofp %convert_element_type3A_638 : vector<1x128xi32> to vector<1x128xf32>
      %mul3A_640 = vector.broadcast %convert_element_type3A_639 : vector<1x128xf32> to vector<16x128xf32>
      %mul3A_641 = arith.mulf %squeeze3A_635, %mul3A_640 : vector<16x128xf32>
      %reduce_sum3A = arith.constant dense<0.000000e+00> : vector<16xf32>
      %reduce_sum3A_642 = vector.multi_reduction <add>, %mul3A_641, %reduce_sum3A [1] : vector<16x128xf32> to vector<16xf32>
      %broadcast_in_dim3A_643 = vector.shape_cast %reduce_sum3A_642 : vector<16xf32> to vector<16x1xf32>
      %eq3A_644 = vector.broadcast %reduce_min3A_628 : i32 to vector<16x128xi32>
      %eq3A_645 = arith.cmpi eq, %add3A_189, %eq3A_644 : vector<16x128xi32>
      %jit3A_646 = arith.constant 0 : i32
      %broadcast_in_dim3A_647 = vector.broadcast %jit3A_646 : i32 to vector<16x128xi32>
      %select_n3A_648 = arith.select %eq3A_645, %get3A_13, %broadcast_in_dim3A_647 : vector<16x128xi1>, vector<16x128xi32>
      %reduce_sum3A_649 = vector.shape_cast %select_n3A_648 : vector<16x128xi32> to vector<1x16x128xi32>
      %reduce_sum3A_650 = arith.constant dense<0> : vector<1xi32>
      %reduce_sum3A_651 = vector.multi_reduction <add>, %reduce_sum3A_649, %reduce_sum3A_650 [1, 2] : vector<1x16x128xi32> to vector<1xi32>
      %reduce_sum3A_652 = vector.shape_cast %reduce_sum3A_651 : vector<1xi32> to vector<1x1x1xi32>
      %reduce_sum3A_653 = vector.extract %reduce_sum3A_652[0, 0, 0] : i32 from vector<1x1x1xi32>
      %convert_element_type3A_654 = arith.sitofp %reduce_sum3A_653 : i32 to f32
      %slice3A_655 = vector.extract_strided_slice %broadcast_in_dim3A_643 {offsets = [0, 0], sizes = [1, 1], strides = [1, 1]} : vector<16x1xf32> to vector<1x1xf32>
      %squeeze3A_656 = vector.extract %slice3A_655[0, 0] : f32 from vector<1x1xf32>
      %mul3A_657 = vector.broadcast %squeeze3A_656 : f32 to vector<8x1xf32>
      %mul3A_658 = arith.mulf %mul3A_657, %convert_element_type3A_465 : vector<8x1xf32>
      %slice3A_659 = vector.extract_strided_slice %broadcast_in_dim3A_643 {offsets = [1, 0], sizes = [1, 1], strides = [1, 1]} : vector<16x1xf32> to vector<1x1xf32>
      %squeeze3A_660 = vector.extract %slice3A_659[0, 0] : f32 from vector<1x1xf32>
      %mul3A_661 = vector.broadcast %squeeze3A_660 : f32 to vector<8x1xf32>
      %mul3A_662 = arith.mulf %mul3A_661, %convert_element_type3A_470 : vector<8x1xf32>
      %add3A_663 = arith.addf %mul3A_658, %mul3A_662 : vector<8x1xf32>
      %slice3A_664 = vector.extract_strided_slice %broadcast_in_dim3A_643 {offsets = [2, 0], sizes = [1, 1], strides = [1, 1]} : vector<16x1xf32> to vector<1x1xf32>
      %squeeze3A_665 = vector.extract %slice3A_664[0, 0] : f32 from vector<1x1xf32>
      %mul3A_666 = vector.broadcast %squeeze3A_665 : f32 to vector<8x1xf32>
      %mul3A_667 = arith.mulf %mul3A_666, %convert_element_type3A_475 : vector<8x1xf32>
      %add3A_668 = arith.addf %add3A_663, %mul3A_667 : vector<8x1xf32>
      %slice3A_669 = vector.extract_strided_slice %broadcast_in_dim3A_643 {offsets = [3, 0], sizes = [1, 1], strides = [1, 1]} : vector<16x1xf32> to vector<1x1xf32>
      %squeeze3A_670 = vector.extract %slice3A_669[0, 0] : f32 from vector<1x1xf32>
      %mul3A_671 = vector.broadcast %squeeze3A_670 : f32 to vector<8x1xf32>
      %mul3A_672 = arith.mulf %mul3A_671, %convert_element_type3A_480 : vector<8x1xf32>
      %add3A_673 = arith.addf %add3A_668, %mul3A_672 : vector<8x1xf32>
      %slice3A_674 = vector.extract_strided_slice %broadcast_in_dim3A_643 {offsets = [4, 0], sizes = [1, 1], strides = [1, 1]} : vector<16x1xf32> to vector<1x1xf32>
      %squeeze3A_675 = vector.extract %slice3A_674[0, 0] : f32 from vector<1x1xf32>
      %mul3A_676 = vector.broadcast %squeeze3A_675 : f32 to vector<8x1xf32>
      %mul3A_677 = arith.mulf %mul3A_676, %convert_element_type3A_485 : vector<8x1xf32>
      %add3A_678 = arith.addf %add3A_673, %mul3A_677 : vector<8x1xf32>
      %max3A_679 = arith.constant 0.000000e+00 : f32
      %max3A_680 = arith.maximumf %reduce_max3A_619, %max3A_679 : f32
      %mul3A_681 = vector.broadcast %max3A_680 : f32 to vector<8x1xf32>
      %mul3A_682 = arith.mulf %mul3A_681, %convert_element_type3A_490 : vector<8x1xf32>
      %add3A_683 = arith.addf %add3A_678, %mul3A_682 : vector<8x1xf32>
      %mul3A_684 = vector.broadcast %convert_element_type3A_654 : f32 to vector<8x1xf32>
      %mul3A_685 = arith.mulf %mul3A_684, %convert_element_type3A_495 : vector<8x1xf32>
      %add3A_686 = arith.addf %add3A_683, %mul3A_685 : vector<8x1xf32>
      %gt3A_687 = arith.constant 0.000000e+00 : f32
      %gt3A_688 = arith.cmpf ogt, %reduce_max3A_619, %gt3A_687 : f32
      %convert_element_type3A_689 = arith.extui %gt3A_688 : i1 to i32
      %convert_element_type3A_690 = arith.sitofp %convert_element_type3A_689 : i32 to f32
      %mul3A_691 = vector.broadcast %convert_element_type3A_690 : f32 to vector<8x1xf32>
      %mul3A_692 = arith.mulf %mul3A_691, %convert_element_type3A_500 : vector<8x1xf32>
      %add3A_693 = arith.addf %add3A_686, %mul3A_692 : vector<8x1xf32>
      %eq3A_694 = vector.broadcast %scan3A_613 : i32 to vector<1x128xi32>
      %eq3A_695 = arith.cmpi eq, %iota3A_190, %eq3A_694 : vector<1x128xi32>
      %convert_element_type3A_696 = arith.extui %eq3A_695 : vector<1x128xi1> to vector<1x128xi32>
      %convert_element_type3A_697 = arith.sitofp %convert_element_type3A_696 : vector<1x128xi32> to vector<1x128xf32>
      %mul3A_698 = vector.broadcast %add3A_693 : vector<8x1xf32> to vector<8x128xf32>
      %mul3A_699 = vector.broadcast %convert_element_type3A_697 : vector<1x128xf32> to vector<8x128xf32>
      %mul3A_700 = arith.mulf %mul3A_698, %mul3A_699 : vector<8x128xf32>
      %add3A_701 = arith.addf %scan3A_615, %mul3A_700 : vector<8x128xf32>
      %eq3A_702 = vector.broadcast %reduce_min3A_628 : i32 to vector<16x128xi32>
      %eq3A_703 = arith.cmpi eq, %add3A_189, %eq3A_702 : vector<16x128xi32>
      %jit3A_704 = arith.constant -2.000000e+00 : f32
      %broadcast_in_dim3A_705 = vector.broadcast %jit3A_704 : f32 to vector<16x128xf32>
      %select_n3A_706 = arith.select %eq3A_703, %broadcast_in_dim3A_705, %scan3A_614 : vector<16x128xi1>, vector<16x128xf32>
      scf.yield %select_n3A_706, %add3A_701 : vector<16x128xf32>, vector<8x128xf32>
    }
    %scan3A_508 = arith.constant 128 : i32
    %reshape3A_509 = vector.shape_cast %scan3A_507#1 : vector<8x128xf32> to vector<1x1x8x128xf32>
    %swap3A_510 = arith.constant 0 : index
    %swap3A_511 = arith.constant 0 : index
    %swap3A_512 = arith.constant 0 : index
    %swap3A_513 = arith.constant 0 : index
    %swap3A_514 = vector.load %arg7[%swap3A_510, %swap3A_511, %swap3A_512, %swap3A_513] : memref<1x8x8x128xf32, #tpu.memory_space<vmem>>, vector<1x1x8x128xf32>
    tpu.vector_store %arg7[%swap3A_510, %swap3A_511, %swap3A_512, %swap3A_513], %reshape3A_509 {strides = array<i32>} : memref<1x8x8x128xf32, #tpu.memory_space<vmem>>, vector<1x1x8x128xf32>,
    %broadcast_in_dim3A_515 = arith.constant 0.000000e+00 : f32
    %broadcast_in_dim3A_516 = vector.broadcast %broadcast_in_dim3A_515 : f32 to vector<8x128xf32>
    %scan3A_517 = arith.constant 0 : i32
    %scan3A_518 = arith.constant 128 : i32
    %scan3A_519 = arith.addi %scan3A_517, %scan3A_518 : i32
    %scan3A_520 = arith.constant 1 : i32
    %scan3A_521:2 = scf.for %scan3A_613 = %scan3A_517 to %scan3A_519 step %scan3A_520 iter_args(%scan3A_614 = %scan3A_507#0, %scan3A_615 = %broadcast_in_dim3A_516) -> (vector<16x128xf32>, vector<8x128xf32>)  : i32 {
      %reduce_max3A = vector.shape_cast %scan3A_614 : vector<16x128xf32> to vector<1x16x128xf32>
      %reduce_max3A_616 = arith.constant dense<0xFF800000> : vector<1xf32>
      %reduce_max3A_617 = vector.multi_reduction <maximumf>, %reduce_max3A, %reduce_max3A_616 [1, 2] : vector<1x16x128xf32> to vector<1xf32>
      %reduce_max3A_618 = vector.shape_cast %reduce_max3A_617 : vector<1xf32> to vector<1x1x1xf32>
      %reduce_max3A_619 = vector.extract %reduce_max3A_618[0, 0, 0] : f32 from vector<1x1x1xf32>
      %eq3A_620 = vector.broadcast %reduce_max3A_619 : f32 to vector<16x128xf32>
      %eq3A_621 = arith.cmpf oeq, %scan3A_614, %eq3A_620 : vector<16x128xf32>
      %jit3A_622 = arith.constant 99999 : i32
      %broadcast_in_dim3A_623 = vector.broadcast %jit3A_622 : i32 to vector<16x128xi32>
      %select_n3A_624 = arith.select %eq3A_621, %add3A_189, %broadcast_in_dim3A_623 : vector<16x128xi1>, vector<16x128xi32>
      %reduce_min3A = vector.shape_cast %select_n3A_624 : vector<16x128xi32> to vector<1x16x128xi32>
      %reduce_min3A_625 = arith.constant dense<2147483647> : vector<1xi32>
      %reduce_min3A_626 = vector.multi_reduction <minsi>, %reduce_min3A, %reduce_min3A_625 [1, 2] : vector<1x16x128xi32> to vector<1xi32>
      %reduce_min3A_627 = vector.shape_cast %reduce_min3A_626 : vector<1xi32> to vector<1x1x1xi32>
      %reduce_min3A_628 = vector.extract %reduce_min3A_627[0, 0, 0] : i32 from vector<1x1x1xi32>
      %shift_right_arithmetic3A = arith.constant 7 : i32
      %shift_right_arithmetic3A_629 = arith.shrsi %reduce_min3A_628, %shift_right_arithmetic3A : i32
      %and3A = arith.constant 127 : i32
      %and3A_630 = arith.andi %reduce_min3A_628, %and3A : i32
      %get3A_631 = arith.index_cast %shift_right_arithmetic3A_629 : i32 to index
      %get3A_632 = arith.constant 0 : index
      %get3A_633 = arith.constant 0 : index
      %get3A_634 = vector.load %arg9[%get3A_631, %get3A_632, %get3A_633] : memref<16x16x128xf32, #tpu.memory_space<vmem>>, vector<1x16x128xf32>
      %squeeze3A_635 = vector.shape_cast %get3A_634 : vector<1x16x128xf32> to vector<16x128xf32>
      %eq3A_636 = vector.broadcast %and3A_630 : i32 to vector<1x128xi32>
      %eq3A_637 = arith.cmpi eq, %iota3A_190, %eq3A_636 : vector<1x128xi32>
      %convert_element_type3A_638 = arith.extui %eq3A_637 : vector<1x128xi1> to vector<1x128xi32>
      %convert_element_type3A_639 = arith.sitofp %convert_element_type3A_638 : vector<1x128xi32> to vector<1x128xf32>
      %mul3A_640 = vector.broadcast %convert_element_type3A_639 : vector<1x128xf32> to vector<16x128xf32>
      %mul3A_641 = arith.mulf %squeeze3A_635, %mul3A_640 : vector<16x128xf32>
      %reduce_sum3A = arith.constant dense<0.000000e+00> : vector<16xf32>
      %reduce_sum3A_642 = vector.multi_reduction <add>, %mul3A_641, %reduce_sum3A [1] : vector<16x128xf32> to vector<16xf32>
      %broadcast_in_dim3A_643 = vector.shape_cast %reduce_sum3A_642 : vector<16xf32> to vector<16x1xf32>
      %eq3A_644 = vector.broadcast %reduce_min3A_628 : i32 to vector<16x128xi32>
      %eq3A_645 = arith.cmpi eq, %add3A_189, %eq3A_644 : vector<16x128xi32>
      %jit3A_646 = arith.constant 0 : i32
      %broadcast_in_dim3A_647 = vector.broadcast %jit3A_646 : i32 to vector<16x128xi32>
      %select_n3A_648 = arith.select %eq3A_645, %get3A_13, %broadcast_in_dim3A_647 : vector<16x128xi1>, vector<16x128xi32>
      %reduce_sum3A_649 = vector.shape_cast %select_n3A_648 : vector<16x128xi32> to vector<1x16x128xi32>
      %reduce_sum3A_650 = arith.constant dense<0> : vector<1xi32>
      %reduce_sum3A_651 = vector.multi_reduction <add>, %reduce_sum3A_649, %reduce_sum3A_650 [1, 2] : vector<1x16x128xi32> to vector<1xi32>
      %reduce_sum3A_652 = vector.shape_cast %reduce_sum3A_651 : vector<1xi32> to vector<1x1x1xi32>
      %reduce_sum3A_653 = vector.extract %reduce_sum3A_652[0, 0, 0] : i32 from vector<1x1x1xi32>
      %convert_element_type3A_654 = arith.sitofp %reduce_sum3A_653 : i32 to f32
      %slice3A_655 = vector.extract_strided_slice %broadcast_in_dim3A_643 {offsets = [0, 0], sizes = [1, 1], strides = [1, 1]} : vector<16x1xf32> to vector<1x1xf32>
      %squeeze3A_656 = vector.extract %slice3A_655[0, 0] : f32 from vector<1x1xf32>
      %mul3A_657 = vector.broadcast %squeeze3A_656 : f32 to vector<8x1xf32>
      %mul3A_658 = arith.mulf %mul3A_657, %convert_element_type3A_465 : vector<8x1xf32>
      %slice3A_659 = vector.extract_strided_slice %broadcast_in_dim3A_643 {offsets = [1, 0], sizes = [1, 1], strides = [1, 1]} : vector<16x1xf32> to vector<1x1xf32>
      %squeeze3A_660 = vector.extract %slice3A_659[0, 0] : f32 from vector<1x1xf32>
      %mul3A_661 = vector.broadcast %squeeze3A_660 : f32 to vector<8x1xf32>
      %mul3A_662 = arith.mulf %mul3A_661, %convert_element_type3A_470 : vector<8x1xf32>
      %add3A_663 = arith.addf %mul3A_658, %mul3A_662 : vector<8x1xf32>
      %slice3A_664 = vector.extract_strided_slice %broadcast_in_dim3A_643 {offsets = [2, 0], sizes = [1, 1], strides = [1, 1]} : vector<16x1xf32> to vector<1x1xf32>
      %squeeze3A_665 = vector.extract %slice3A_664[0, 0] : f32 from vector<1x1xf32>
      %mul3A_666 = vector.broadcast %squeeze3A_665 : f32 to vector<8x1xf32>
      %mul3A_667 = arith.mulf %mul3A_666, %convert_element_type3A_475 : vector<8x1xf32>
      %add3A_668 = arith.addf %add3A_663, %mul3A_667 : vector<8x1xf32>
      %slice3A_669 = vector.extract_strided_slice %broadcast_in_dim3A_643 {offsets = [3, 0], sizes = [1, 1], strides = [1, 1]} : vector<16x1xf32> to vector<1x1xf32>
      %squeeze3A_670 = vector.extract %slice3A_669[0, 0] : f32 from vector<1x1xf32>
      %mul3A_671 = vector.broadcast %squeeze3A_670 : f32 to vector<8x1xf32>
      %mul3A_672 = arith.mulf %mul3A_671, %convert_element_type3A_480 : vector<8x1xf32>
      %add3A_673 = arith.addf %add3A_668, %mul3A_672 : vector<8x1xf32>
      %slice3A_674 = vector.extract_strided_slice %broadcast_in_dim3A_643 {offsets = [4, 0], sizes = [1, 1], strides = [1, 1]} : vector<16x1xf32> to vector<1x1xf32>
      %squeeze3A_675 = vector.extract %slice3A_674[0, 0] : f32 from vector<1x1xf32>
      %mul3A_676 = vector.broadcast %squeeze3A_675 : f32 to vector<8x1xf32>
      %mul3A_677 = arith.mulf %mul3A_676, %convert_element_type3A_485 : vector<8x1xf32>
      %add3A_678 = arith.addf %add3A_673, %mul3A_677 : vector<8x1xf32>
      %max3A_679 = arith.constant 0.000000e+00 : f32
      %max3A_680 = arith.maximumf %reduce_max3A_619, %max3A_679 : f32
      %mul3A_681 = vector.broadcast %max3A_680 : f32 to vector<8x1xf32>
      %mul3A_682 = arith.mulf %mul3A_681, %convert_element_type3A_490 : vector<8x1xf32>
      %add3A_683 = arith.addf %add3A_678, %mul3A_682 : vector<8x1xf32>
      %mul3A_684 = vector.broadcast %convert_element_type3A_654 : f32 to vector<8x1xf32>
      %mul3A_685 = arith.mulf %mul3A_684, %convert_element_type3A_495 : vector<8x1xf32>
      %add3A_686 = arith.addf %add3A_683, %mul3A_685 : vector<8x1xf32>
      %gt3A_687 = arith.constant 0.000000e+00 : f32
      %gt3A_688 = arith.cmpf ogt, %reduce_max3A_619, %gt3A_687 : f32
      %convert_element_type3A_689 = arith.extui %gt3A_688 : i1 to i32
      %convert_element_type3A_690 = arith.sitofp %convert_element_type3A_689 : i32 to f32
      %mul3A_691 = vector.broadcast %convert_element_type3A_690 : f32 to vector<8x1xf32>
      %mul3A_692 = arith.mulf %mul3A_691, %convert_element_type3A_500 : vector<8x1xf32>
      %add3A_693 = arith.addf %add3A_686, %mul3A_692 : vector<8x1xf32>
      %eq3A_694 = vector.broadcast %scan3A_613 : i32 to vector<1x128xi32>
      %eq3A_695 = arith.cmpi eq, %iota3A_190, %eq3A_694 : vector<1x128xi32>
      %convert_element_type3A_696 = arith.extui %eq3A_695 : vector<1x128xi1> to vector<1x128xi32>
      %convert_element_type3A_697 = arith.sitofp %convert_element_type3A_696 : vector<1x128xi32> to vector<1x128xf32>
      %mul3A_698 = vector.broadcast %add3A_693 : vector<8x1xf32> to vector<8x128xf32>
      %mul3A_699 = vector.broadcast %convert_element_type3A_697 : vector<1x128xf32> to vector<8x128xf32>
      %mul3A_700 = arith.mulf %mul3A_698, %mul3A_699 : vector<8x128xf32>
      %add3A_701 = arith.addf %scan3A_615, %mul3A_700 : vector<8x128xf32>
      %eq3A_702 = vector.broadcast %reduce_min3A_628 : i32 to vector<16x128xi32>
      %eq3A_703 = arith.cmpi eq, %add3A_189, %eq3A_702 : vector<16x128xi32>
      %jit3A_704 = arith.constant -2.000000e+00 : f32
      %broadcast_in_dim3A_705 = vector.broadcast %jit3A_704 : f32 to vector<16x128xf32>
      %select_n3A_706 = arith.select %eq3A_703, %broadcast_in_dim3A_705, %scan3A_614 : vector<16x128xi1>, vector<16x128xf32>
      scf.yield %select_n3A_706, %add3A_701 : vector<16x128xf32>, vector<8x128xf32>
    }
    %scan3A_522 = arith.constant 128 : i32
    %reshape3A_523 = vector.shape_cast %scan3A_521#1 : vector<8x128xf32> to vector<1x1x8x128xf32>
    %swap3A_524 = arith.constant 0 : index
    %swap3A_525 = arith.constant 1 : index
    %swap3A_526 = arith.constant 0 : index
    %swap3A_527 = arith.constant 0 : index
    %swap3A_528 = vector.load %arg7[%swap3A_524, %swap3A_525, %swap3A_526, %swap3A_527] : memref<1x8x8x128xf32, #tpu.memory_space<vmem>>, vector<1x1x8x128xf32>
    tpu.vector_store %arg7[%swap3A_524, %swap3A_525, %swap3A_526, %swap3A_527], %reshape3A_523 {strides = array<i32>} : memref<1x8x8x128xf32, #tpu.memory_space<vmem>>, vector<1x1x8x128xf32>,
    %broadcast_in_dim3A_529 = arith.constant 0.000000e+00 : f32
    %broadcast_in_dim3A_530 = vector.broadcast %broadcast_in_dim3A_529 : f32 to vector<8x128xf32>
    %scan3A_531 = arith.constant 0 : i32
    %scan3A_532 = arith.constant 128 : i32
    %scan3A_533 = arith.addi %scan3A_531, %scan3A_532 : i32
    %scan3A_534 = arith.constant 1 : i32
    %scan3A_535:2 = scf.for %scan3A_613 = %scan3A_531 to %scan3A_533 step %scan3A_534 iter_args(%scan3A_614 = %scan3A_521#0, %scan3A_615 = %broadcast_in_dim3A_530) -> (vector<16x128xf32>, vector<8x128xf32>)  : i32 {
      %reduce_max3A = vector.shape_cast %scan3A_614 : vector<16x128xf32> to vector<1x16x128xf32>
      %reduce_max3A_616 = arith.constant dense<0xFF800000> : vector<1xf32>
      %reduce_max3A_617 = vector.multi_reduction <maximumf>, %reduce_max3A, %reduce_max3A_616 [1, 2] : vector<1x16x128xf32> to vector<1xf32>
      %reduce_max3A_618 = vector.shape_cast %reduce_max3A_617 : vector<1xf32> to vector<1x1x1xf32>
      %reduce_max3A_619 = vector.extract %reduce_max3A_618[0, 0, 0] : f32 from vector<1x1x1xf32>
      %eq3A_620 = vector.broadcast %reduce_max3A_619 : f32 to vector<16x128xf32>
      %eq3A_621 = arith.cmpf oeq, %scan3A_614, %eq3A_620 : vector<16x128xf32>
      %jit3A_622 = arith.constant 99999 : i32
      %broadcast_in_dim3A_623 = vector.broadcast %jit3A_622 : i32 to vector<16x128xi32>
      %select_n3A_624 = arith.select %eq3A_621, %add3A_189, %broadcast_in_dim3A_623 : vector<16x128xi1>, vector<16x128xi32>
      %reduce_min3A = vector.shape_cast %select_n3A_624 : vector<16x128xi32> to vector<1x16x128xi32>
      %reduce_min3A_625 = arith.constant dense<2147483647> : vector<1xi32>
      %reduce_min3A_626 = vector.multi_reduction <minsi>, %reduce_min3A, %reduce_min3A_625 [1, 2] : vector<1x16x128xi32> to vector<1xi32>
      %reduce_min3A_627 = vector.shape_cast %reduce_min3A_626 : vector<1xi32> to vector<1x1x1xi32>
      %reduce_min3A_628 = vector.extract %reduce_min3A_627[0, 0, 0] : i32 from vector<1x1x1xi32>
      %shift_right_arithmetic3A = arith.constant 7 : i32
      %shift_right_arithmetic3A_629 = arith.shrsi %reduce_min3A_628, %shift_right_arithmetic3A : i32
      %and3A = arith.constant 127 : i32
      %and3A_630 = arith.andi %reduce_min3A_628, %and3A : i32
      %get3A_631 = arith.index_cast %shift_right_arithmetic3A_629 : i32 to index
      %get3A_632 = arith.constant 0 : index
      %get3A_633 = arith.constant 0 : index
      %get3A_634 = vector.load %arg9[%get3A_631, %get3A_632, %get3A_633] : memref<16x16x128xf32, #tpu.memory_space<vmem>>, vector<1x16x128xf32>
      %squeeze3A_635 = vector.shape_cast %get3A_634 : vector<1x16x128xf32> to vector<16x128xf32>
      %eq3A_636 = vector.broadcast %and3A_630 : i32 to vector<1x128xi32>
      %eq3A_637 = arith.cmpi eq, %iota3A_190, %eq3A_636 : vector<1x128xi32>
      %convert_element_type3A_638 = arith.extui %eq3A_637 : vector<1x128xi1> to vector<1x128xi32>
      %convert_element_type3A_639 = arith.sitofp %convert_element_type3A_638 : vector<1x128xi32> to vector<1x128xf32>
      %mul3A_640 = vector.broadcast %convert_element_type3A_639 : vector<1x128xf32> to vector<16x128xf32>
      %mul3A_641 = arith.mulf %squeeze3A_635, %mul3A_640 : vector<16x128xf32>
      %reduce_sum3A = arith.constant dense<0.000000e+00> : vector<16xf32>
      %reduce_sum3A_642 = vector.multi_reduction <add>, %mul3A_641, %reduce_sum3A [1] : vector<16x128xf32> to vector<16xf32>
      %broadcast_in_dim3A_643 = vector.shape_cast %reduce_sum3A_642 : vector<16xf32> to vector<16x1xf32>
      %eq3A_644 = vector.broadcast %reduce_min3A_628 : i32 to vector<16x128xi32>
      %eq3A_645 = arith.cmpi eq, %add3A_189, %eq3A_644 : vector<16x128xi32>
      %jit3A_646 = arith.constant 0 : i32
      %broadcast_in_dim3A_647 = vector.broadcast %jit3A_646 : i32 to vector<16x128xi32>
      %select_n3A_648 = arith.select %eq3A_645, %get3A_13, %broadcast_in_dim3A_647 : vector<16x128xi1>, vector<16x128xi32>
      %reduce_sum3A_649 = vector.shape_cast %select_n3A_648 : vector<16x128xi32> to vector<1x16x128xi32>
      %reduce_sum3A_650 = arith.constant dense<0> : vector<1xi32>
      %reduce_sum3A_651 = vector.multi_reduction <add>, %reduce_sum3A_649, %reduce_sum3A_650 [1, 2] : vector<1x16x128xi32> to vector<1xi32>
      %reduce_sum3A_652 = vector.shape_cast %reduce_sum3A_651 : vector<1xi32> to vector<1x1x1xi32>
      %reduce_sum3A_653 = vector.extract %reduce_sum3A_652[0, 0, 0] : i32 from vector<1x1x1xi32>
      %convert_element_type3A_654 = arith.sitofp %reduce_sum3A_653 : i32 to f32
      %slice3A_655 = vector.extract_strided_slice %broadcast_in_dim3A_643 {offsets = [0, 0], sizes = [1, 1], strides = [1, 1]} : vector<16x1xf32> to vector<1x1xf32>
      %squeeze3A_656 = vector.extract %slice3A_655[0, 0] : f32 from vector<1x1xf32>
      %mul3A_657 = vector.broadcast %squeeze3A_656 : f32 to vector<8x1xf32>
      %mul3A_658 = arith.mulf %mul3A_657, %convert_element_type3A_465 : vector<8x1xf32>
      %slice3A_659 = vector.extract_strided_slice %broadcast_in_dim3A_643 {offsets = [1, 0], sizes = [1, 1], strides = [1, 1]} : vector<16x1xf32> to vector<1x1xf32>
      %squeeze3A_660 = vector.extract %slice3A_659[0, 0] : f32 from vector<1x1xf32>
      %mul3A_661 = vector.broadcast %squeeze3A_660 : f32 to vector<8x1xf32>
      %mul3A_662 = arith.mulf %mul3A_661, %convert_element_type3A_470 : vector<8x1xf32>
      %add3A_663 = arith.addf %mul3A_658, %mul3A_662 : vector<8x1xf32>
      %slice3A_664 = vector.extract_strided_slice %broadcast_in_dim3A_643 {offsets = [2, 0], sizes = [1, 1], strides = [1, 1]} : vector<16x1xf32> to vector<1x1xf32>
      %squeeze3A_665 = vector.extract %slice3A_664[0, 0] : f32 from vector<1x1xf32>
      %mul3A_666 = vector.broadcast %squeeze3A_665 : f32 to vector<8x1xf32>
      %mul3A_667 = arith.mulf %mul3A_666, %convert_element_type3A_475 : vector<8x1xf32>
      %add3A_668 = arith.addf %add3A_663, %mul3A_667 : vector<8x1xf32>
      %slice3A_669 = vector.extract_strided_slice %broadcast_in_dim3A_643 {offsets = [3, 0], sizes = [1, 1], strides = [1, 1]} : vector<16x1xf32> to vector<1x1xf32>
      %squeeze3A_670 = vector.extract %slice3A_669[0, 0] : f32 from vector<1x1xf32>
      %mul3A_671 = vector.broadcast %squeeze3A_670 : f32 to vector<8x1xf32>
      %mul3A_672 = arith.mulf %mul3A_671, %convert_element_type3A_480 : vector<8x1xf32>
      %add3A_673 = arith.addf %add3A_668, %mul3A_672 : vector<8x1xf32>
      %slice3A_674 = vector.extract_strided_slice %broadcast_in_dim3A_643 {offsets = [4, 0], sizes = [1, 1], strides = [1, 1]} : vector<16x1xf32> to vector<1x1xf32>
      %squeeze3A_675 = vector.extract %slice3A_674[0, 0] : f32 from vector<1x1xf32>
      %mul3A_676 = vector.broadcast %squeeze3A_675 : f32 to vector<8x1xf32>
      %mul3A_677 = arith.mulf %mul3A_676, %convert_element_type3A_485 : vector<8x1xf32>
      %add3A_678 = arith.addf %add3A_673, %mul3A_677 : vector<8x1xf32>
      %max3A_679 = arith.constant 0.000000e+00 : f32
      %max3A_680 = arith.maximumf %reduce_max3A_619, %max3A_679 : f32
      %mul3A_681 = vector.broadcast %max3A_680 : f32 to vector<8x1xf32>
      %mul3A_682 = arith.mulf %mul3A_681, %convert_element_type3A_490 : vector<8x1xf32>
      %add3A_683 = arith.addf %add3A_678, %mul3A_682 : vector<8x1xf32>
      %mul3A_684 = vector.broadcast %convert_element_type3A_654 : f32 to vector<8x1xf32>
      %mul3A_685 = arith.mulf %mul3A_684, %convert_element_type3A_495 : vector<8x1xf32>
      %add3A_686 = arith.addf %add3A_683, %mul3A_685 : vector<8x1xf32>
      %gt3A_687 = arith.constant 0.000000e+00 : f32
      %gt3A_688 = arith.cmpf ogt, %reduce_max3A_619, %gt3A_687 : f32
      %convert_element_type3A_689 = arith.extui %gt3A_688 : i1 to i32
      %convert_element_type3A_690 = arith.sitofp %convert_element_type3A_689 : i32 to f32
      %mul3A_691 = vector.broadcast %convert_element_type3A_690 : f32 to vector<8x1xf32>
      %mul3A_692 = arith.mulf %mul3A_691, %convert_element_type3A_500 : vector<8x1xf32>
      %add3A_693 = arith.addf %add3A_686, %mul3A_692 : vector<8x1xf32>
      %eq3A_694 = vector.broadcast %scan3A_613 : i32 to vector<1x128xi32>
      %eq3A_695 = arith.cmpi eq, %iota3A_190, %eq3A_694 : vector<1x128xi32>
      %convert_element_type3A_696 = arith.extui %eq3A_695 : vector<1x128xi1> to vector<1x128xi32>
      %convert_element_type3A_697 = arith.sitofp %convert_element_type3A_696 : vector<1x128xi32> to vector<1x128xf32>
      %mul3A_698 = vector.broadcast %add3A_693 : vector<8x1xf32> to vector<8x128xf32>
      %mul3A_699 = vector.broadcast %convert_element_type3A_697 : vector<1x128xf32> to vector<8x128xf32>
      %mul3A_700 = arith.mulf %mul3A_698, %mul3A_699 : vector<8x128xf32>
      %add3A_701 = arith.addf %scan3A_615, %mul3A_700 : vector<8x128xf32>
      %eq3A_702 = vector.broadcast %reduce_min3A_628 : i32 to vector<16x128xi32>
      %eq3A_703 = arith.cmpi eq, %add3A_189, %eq3A_702 : vector<16x128xi32>
      %jit3A_704 = arith.constant -2.000000e+00 : f32
      %broadcast_in_dim3A_705 = vector.broadcast %jit3A_704 : f32 to vector<16x128xf32>
      %select_n3A_706 = arith.select %eq3A_703, %broadcast_in_dim3A_705, %scan3A_614 : vector<16x128xi1>, vector<16x128xf32>
      scf.yield %select_n3A_706, %add3A_701 : vector<16x128xf32>, vector<8x128xf32>
    }
    %scan3A_536 = arith.constant 128 : i32
    %reshape3A_537 = vector.shape_cast %scan3A_535#1 : vector<8x128xf32> to vector<1x1x8x128xf32>
    %swap3A_538 = arith.constant 0 : index
    %swap3A_539 = arith.constant 2 : index
    %swap3A_540 = arith.constant 0 : index
    %swap3A_541 = arith.constant 0 : index
    %swap3A_542 = vector.load %arg7[%swap3A_538, %swap3A_539, %swap3A_540, %swap3A_541] : memref<1x8x8x128xf32, #tpu.memory_space<vmem>>, vector<1x1x8x128xf32>
    tpu.vector_store %arg7[%swap3A_538, %swap3A_539, %swap3A_540, %swap3A_541], %reshape3A_537 {strides = array<i32>} : memref<1x8x8x128xf32, #tpu.memory_space<vmem>>, vector<1x1x8x128xf32>,
    %broadcast_in_dim3A_543 = arith.constant 0.000000e+00 : f32
    %broadcast_in_dim3A_544 = vector.broadcast %broadcast_in_dim3A_543 : f32 to vector<8x128xf32>
    %scan3A_545 = arith.constant 0 : i32
    %scan3A_546 = arith.constant 128 : i32
    %scan3A_547 = arith.addi %scan3A_545, %scan3A_546 : i32
    %scan3A_548 = arith.constant 1 : i32
    %scan3A_549:2 = scf.for %scan3A_613 = %scan3A_545 to %scan3A_547 step %scan3A_548 iter_args(%scan3A_614 = %scan3A_535#0, %scan3A_615 = %broadcast_in_dim3A_544) -> (vector<16x128xf32>, vector<8x128xf32>)  : i32 {
      %reduce_max3A = vector.shape_cast %scan3A_614 : vector<16x128xf32> to vector<1x16x128xf32>
      %reduce_max3A_616 = arith.constant dense<0xFF800000> : vector<1xf32>
      %reduce_max3A_617 = vector.multi_reduction <maximumf>, %reduce_max3A, %reduce_max3A_616 [1, 2] : vector<1x16x128xf32> to vector<1xf32>
      %reduce_max3A_618 = vector.shape_cast %reduce_max3A_617 : vector<1xf32> to vector<1x1x1xf32>
      %reduce_max3A_619 = vector.extract %reduce_max3A_618[0, 0, 0] : f32 from vector<1x1x1xf32>
      %eq3A_620 = vector.broadcast %reduce_max3A_619 : f32 to vector<16x128xf32>
      %eq3A_621 = arith.cmpf oeq, %scan3A_614, %eq3A_620 : vector<16x128xf32>
      %jit3A_622 = arith.constant 99999 : i32
      %broadcast_in_dim3A_623 = vector.broadcast %jit3A_622 : i32 to vector<16x128xi32>
      %select_n3A_624 = arith.select %eq3A_621, %add3A_189, %broadcast_in_dim3A_623 : vector<16x128xi1>, vector<16x128xi32>
      %reduce_min3A = vector.shape_cast %select_n3A_624 : vector<16x128xi32> to vector<1x16x128xi32>
      %reduce_min3A_625 = arith.constant dense<2147483647> : vector<1xi32>
      %reduce_min3A_626 = vector.multi_reduction <minsi>, %reduce_min3A, %reduce_min3A_625 [1, 2] : vector<1x16x128xi32> to vector<1xi32>
      %reduce_min3A_627 = vector.shape_cast %reduce_min3A_626 : vector<1xi32> to vector<1x1x1xi32>
      %reduce_min3A_628 = vector.extract %reduce_min3A_627[0, 0, 0] : i32 from vector<1x1x1xi32>
      %shift_right_arithmetic3A = arith.constant 7 : i32
      %shift_right_arithmetic3A_629 = arith.shrsi %reduce_min3A_628, %shift_right_arithmetic3A : i32
      %and3A = arith.constant 127 : i32
      %and3A_630 = arith.andi %reduce_min3A_628, %and3A : i32
      %get3A_631 = arith.index_cast %shift_right_arithmetic3A_629 : i32 to index
      %get3A_632 = arith.constant 0 : index
      %get3A_633 = arith.constant 0 : index
      %get3A_634 = vector.load %arg9[%get3A_631, %get3A_632, %get3A_633] : memref<16x16x128xf32, #tpu.memory_space<vmem>>, vector<1x16x128xf32>
      %squeeze3A_635 = vector.shape_cast %get3A_634 : vector<1x16x128xf32> to vector<16x128xf32>
      %eq3A_636 = vector.broadcast %and3A_630 : i32 to vector<1x128xi32>
      %eq3A_637 = arith.cmpi eq, %iota3A_190, %eq3A_636 : vector<1x128xi32>
      %convert_element_type3A_638 = arith.extui %eq3A_637 : vector<1x128xi1> to vector<1x128xi32>
      %convert_element_type3A_639 = arith.sitofp %convert_element_type3A_638 : vector<1x128xi32> to vector<1x128xf32>
      %mul3A_640 = vector.broadcast %convert_element_type3A_639 : vector<1x128xf32> to vector<16x128xf32>
      %mul3A_641 = arith.mulf %squeeze3A_635, %mul3A_640 : vector<16x128xf32>
      %reduce_sum3A = arith.constant dense<0.000000e+00> : vector<16xf32>
      %reduce_sum3A_642 = vector.multi_reduction <add>, %mul3A_641, %reduce_sum3A [1] : vector<16x128xf32> to vector<16xf32>
      %broadcast_in_dim3A_643 = vector.shape_cast %reduce_sum3A_642 : vector<16xf32> to vector<16x1xf32>
      %eq3A_644 = vector.broadcast %reduce_min3A_628 : i32 to vector<16x128xi32>
      %eq3A_645 = arith.cmpi eq, %add3A_189, %eq3A_644 : vector<16x128xi32>
      %jit3A_646 = arith.constant 0 : i32
      %broadcast_in_dim3A_647 = vector.broadcast %jit3A_646 : i32 to vector<16x128xi32>
      %select_n3A_648 = arith.select %eq3A_645, %get3A_13, %broadcast_in_dim3A_647 : vector<16x128xi1>, vector<16x128xi32>
      %reduce_sum3A_649 = vector.shape_cast %select_n3A_648 : vector<16x128xi32> to vector<1x16x128xi32>
      %reduce_sum3A_650 = arith.constant dense<0> : vector<1xi32>
      %reduce_sum3A_651 = vector.multi_reduction <add>, %reduce_sum3A_649, %reduce_sum3A_650 [1, 2] : vector<1x16x128xi32> to vector<1xi32>
      %reduce_sum3A_652 = vector.shape_cast %reduce_sum3A_651 : vector<1xi32> to vector<1x1x1xi32>
      %reduce_sum3A_653 = vector.extract %reduce_sum3A_652[0, 0, 0] : i32 from vector<1x1x1xi32>
      %convert_element_type3A_654 = arith.sitofp %reduce_sum3A_653 : i32 to f32
      %slice3A_655 = vector.extract_strided_slice %broadcast_in_dim3A_643 {offsets = [0, 0], sizes = [1, 1], strides = [1, 1]} : vector<16x1xf32> to vector<1x1xf32>
      %squeeze3A_656 = vector.extract %slice3A_655[0, 0] : f32 from vector<1x1xf32>
      %mul3A_657 = vector.broadcast %squeeze3A_656 : f32 to vector<8x1xf32>
      %mul3A_658 = arith.mulf %mul3A_657, %convert_element_type3A_465 : vector<8x1xf32>
      %slice3A_659 = vector.extract_strided_slice %broadcast_in_dim3A_643 {offsets = [1, 0], sizes = [1, 1], strides = [1, 1]} : vector<16x1xf32> to vector<1x1xf32>
      %squeeze3A_660 = vector.extract %slice3A_659[0, 0] : f32 from vector<1x1xf32>
      %mul3A_661 = vector.broadcast %squeeze3A_660 : f32 to vector<8x1xf32>
      %mul3A_662 = arith.mulf %mul3A_661, %convert_element_type3A_470 : vector<8x1xf32>
      %add3A_663 = arith.addf %mul3A_658, %mul3A_662 : vector<8x1xf32>
      %slice3A_664 = vector.extract_strided_slice %broadcast_in_dim3A_643 {offsets = [2, 0], sizes = [1, 1], strides = [1, 1]} : vector<16x1xf32> to vector<1x1xf32>
      %squeeze3A_665 = vector.extract %slice3A_664[0, 0] : f32 from vector<1x1xf32>
      %mul3A_666 = vector.broadcast %squeeze3A_665 : f32 to vector<8x1xf32>
      %mul3A_667 = arith.mulf %mul3A_666, %convert_element_type3A_475 : vector<8x1xf32>
      %add3A_668 = arith.addf %add3A_663, %mul3A_667 : vector<8x1xf32>
      %slice3A_669 = vector.extract_strided_slice %broadcast_in_dim3A_643 {offsets = [3, 0], sizes = [1, 1], strides = [1, 1]} : vector<16x1xf32> to vector<1x1xf32>
      %squeeze3A_670 = vector.extract %slice3A_669[0, 0] : f32 from vector<1x1xf32>
      %mul3A_671 = vector.broadcast %squeeze3A_670 : f32 to vector<8x1xf32>
      %mul3A_672 = arith.mulf %mul3A_671, %convert_element_type3A_480 : vector<8x1xf32>
      %add3A_673 = arith.addf %add3A_668, %mul3A_672 : vector<8x1xf32>
      %slice3A_674 = vector.extract_strided_slice %broadcast_in_dim3A_643 {offsets = [4, 0], sizes = [1, 1], strides = [1, 1]} : vector<16x1xf32> to vector<1x1xf32>
      %squeeze3A_675 = vector.extract %slice3A_674[0, 0] : f32 from vector<1x1xf32>
      %mul3A_676 = vector.broadcast %squeeze3A_675 : f32 to vector<8x1xf32>
      %mul3A_677 = arith.mulf %mul3A_676, %convert_element_type3A_485 : vector<8x1xf32>
      %add3A_678 = arith.addf %add3A_673, %mul3A_677 : vector<8x1xf32>
      %max3A_679 = arith.constant 0.000000e+00 : f32
      %max3A_680 = arith.maximumf %reduce_max3A_619, %max3A_679 : f32
      %mul3A_681 = vector.broadcast %max3A_680 : f32 to vector<8x1xf32>
      %mul3A_682 = arith.mulf %mul3A_681, %convert_element_type3A_490 : vector<8x1xf32>
      %add3A_683 = arith.addf %add3A_678, %mul3A_682 : vector<8x1xf32>
      %mul3A_684 = vector.broadcast %convert_element_type3A_654 : f32 to vector<8x1xf32>
      %mul3A_685 = arith.mulf %mul3A_684, %convert_element_type3A_495 : vector<8x1xf32>
      %add3A_686 = arith.addf %add3A_683, %mul3A_685 : vector<8x1xf32>
      %gt3A_687 = arith.constant 0.000000e+00 : f32
      %gt3A_688 = arith.cmpf ogt, %reduce_max3A_619, %gt3A_687 : f32
      %convert_element_type3A_689 = arith.extui %gt3A_688 : i1 to i32
      %convert_element_type3A_690 = arith.sitofp %convert_element_type3A_689 : i32 to f32
      %mul3A_691 = vector.broadcast %convert_element_type3A_690 : f32 to vector<8x1xf32>
      %mul3A_692 = arith.mulf %mul3A_691, %convert_element_type3A_500 : vector<8x1xf32>
      %add3A_693 = arith.addf %add3A_686, %mul3A_692 : vector<8x1xf32>
      %eq3A_694 = vector.broadcast %scan3A_613 : i32 to vector<1x128xi32>
      %eq3A_695 = arith.cmpi eq, %iota3A_190, %eq3A_694 : vector<1x128xi32>
      %convert_element_type3A_696 = arith.extui %eq3A_695 : vector<1x128xi1> to vector<1x128xi32>
      %convert_element_type3A_697 = arith.sitofp %convert_element_type3A_696 : vector<1x128xi32> to vector<1x128xf32>
      %mul3A_698 = vector.broadcast %add3A_693 : vector<8x1xf32> to vector<8x128xf32>
      %mul3A_699 = vector.broadcast %convert_element_type3A_697 : vector<1x128xf32> to vector<8x128xf32>
      %mul3A_700 = arith.mulf %mul3A_698, %mul3A_699 : vector<8x128xf32>
      %add3A_701 = arith.addf %scan3A_615, %mul3A_700 : vector<8x128xf32>
      %eq3A_702 = vector.broadcast %reduce_min3A_628 : i32 to vector<16x128xi32>
      %eq3A_703 = arith.cmpi eq, %add3A_189, %eq3A_702 : vector<16x128xi32>
      %jit3A_704 = arith.constant -2.000000e+00 : f32
      %broadcast_in_dim3A_705 = vector.broadcast %jit3A_704 : f32 to vector<16x128xf32>
      %select_n3A_706 = arith.select %eq3A_703, %broadcast_in_dim3A_705, %scan3A_614 : vector<16x128xi1>, vector<16x128xf32>
      scf.yield %select_n3A_706, %add3A_701 : vector<16x128xf32>, vector<8x128xf32>
    }
    %scan3A_550 = arith.constant 128 : i32
    %reshape3A_551 = vector.shape_cast %scan3A_549#1 : vector<8x128xf32> to vector<1x1x8x128xf32>
    %swap3A_552 = arith.constant 0 : index
    %swap3A_553 = arith.constant 3 : index
    %swap3A_554 = arith.constant 0 : index
    %swap3A_555 = arith.constant 0 : index
    %swap3A_556 = vector.load %arg7[%swap3A_552, %swap3A_553, %swap3A_554, %swap3A_555] : memref<1x8x8x128xf32, #tpu.memory_space<vmem>>, vector<1x1x8x128xf32>
    tpu.vector_store %arg7[%swap3A_552, %swap3A_553, %swap3A_554, %swap3A_555], %reshape3A_551 {strides = array<i32>} : memref<1x8x8x128xf32, #tpu.memory_space<vmem>>, vector<1x1x8x128xf32>,
    %broadcast_in_dim3A_557 = arith.constant 0.000000e+00 : f32
    %broadcast_in_dim3A_558 = vector.broadcast %broadcast_in_dim3A_557 : f32 to vector<8x128xf32>
    %scan3A_559 = arith.constant 0 : i32
    %scan3A_560 = arith.constant 128 : i32
    %scan3A_561 = arith.addi %scan3A_559, %scan3A_560 : i32
    %scan3A_562 = arith.constant 1 : i32
    %scan3A_563:2 = scf.for %scan3A_613 = %scan3A_559 to %scan3A_561 step %scan3A_562 iter_args(%scan3A_614 = %scan3A_549#0, %scan3A_615 = %broadcast_in_dim3A_558) -> (vector<16x128xf32>, vector<8x128xf32>)  : i32 {
      %reduce_max3A = vector.shape_cast %scan3A_614 : vector<16x128xf32> to vector<1x16x128xf32>
      %reduce_max3A_616 = arith.constant dense<0xFF800000> : vector<1xf32>
      %reduce_max3A_617 = vector.multi_reduction <maximumf>, %reduce_max3A, %reduce_max3A_616 [1, 2] : vector<1x16x128xf32> to vector<1xf32>
      %reduce_max3A_618 = vector.shape_cast %reduce_max3A_617 : vector<1xf32> to vector<1x1x1xf32>
      %reduce_max3A_619 = vector.extract %reduce_max3A_618[0, 0, 0] : f32 from vector<1x1x1xf32>
      %eq3A_620 = vector.broadcast %reduce_max3A_619 : f32 to vector<16x128xf32>
      %eq3A_621 = arith.cmpf oeq, %scan3A_614, %eq3A_620 : vector<16x128xf32>
      %jit3A_622 = arith.constant 99999 : i32
      %broadcast_in_dim3A_623 = vector.broadcast %jit3A_622 : i32 to vector<16x128xi32>
      %select_n3A_624 = arith.select %eq3A_621, %add3A_189, %broadcast_in_dim3A_623 : vector<16x128xi1>, vector<16x128xi32>
      %reduce_min3A = vector.shape_cast %select_n3A_624 : vector<16x128xi32> to vector<1x16x128xi32>
      %reduce_min3A_625 = arith.constant dense<2147483647> : vector<1xi32>
      %reduce_min3A_626 = vector.multi_reduction <minsi>, %reduce_min3A, %reduce_min3A_625 [1, 2] : vector<1x16x128xi32> to vector<1xi32>
      %reduce_min3A_627 = vector.shape_cast %reduce_min3A_626 : vector<1xi32> to vector<1x1x1xi32>
      %reduce_min3A_628 = vector.extract %reduce_min3A_627[0, 0, 0] : i32 from vector<1x1x1xi32>
      %shift_right_arithmetic3A = arith.constant 7 : i32
      %shift_right_arithmetic3A_629 = arith.shrsi %reduce_min3A_628, %shift_right_arithmetic3A : i32
      %and3A = arith.constant 127 : i32
      %and3A_630 = arith.andi %reduce_min3A_628, %and3A : i32
      %get3A_631 = arith.index_cast %shift_right_arithmetic3A_629 : i32 to index
      %get3A_632 = arith.constant 0 : index
      %get3A_633 = arith.constant 0 : index
      %get3A_634 = vector.load %arg9[%get3A_631, %get3A_632, %get3A_633] : memref<16x16x128xf32, #tpu.memory_space<vmem>>, vector<1x16x128xf32>
      %squeeze3A_635 = vector.shape_cast %get3A_634 : vector<1x16x128xf32> to vector<16x128xf32>
      %eq3A_636 = vector.broadcast %and3A_630 : i32 to vector<1x128xi32>
      %eq3A_637 = arith.cmpi eq, %iota3A_190, %eq3A_636 : vector<1x128xi32>
      %convert_element_type3A_638 = arith.extui %eq3A_637 : vector<1x128xi1> to vector<1x128xi32>
      %convert_element_type3A_639 = arith.sitofp %convert_element_type3A_638 : vector<1x128xi32> to vector<1x128xf32>
      %mul3A_640 = vector.broadcast %convert_element_type3A_639 : vector<1x128xf32> to vector<16x128xf32>
      %mul3A_641 = arith.mulf %squeeze3A_635, %mul3A_640 : vector<16x128xf32>
      %reduce_sum3A = arith.constant dense<0.000000e+00> : vector<16xf32>
      %reduce_sum3A_642 = vector.multi_reduction <add>, %mul3A_641, %reduce_sum3A [1] : vector<16x128xf32> to vector<16xf32>
      %broadcast_in_dim3A_643 = vector.shape_cast %reduce_sum3A_642 : vector<16xf32> to vector<16x1xf32>
      %eq3A_644 = vector.broadcast %reduce_min3A_628 : i32 to vector<16x128xi32>
      %eq3A_645 = arith.cmpi eq, %add3A_189, %eq3A_644 : vector<16x128xi32>
      %jit3A_646 = arith.constant 0 : i32
      %broadcast_in_dim3A_647 = vector.broadcast %jit3A_646 : i32 to vector<16x128xi32>
      %select_n3A_648 = arith.select %eq3A_645, %get3A_13, %broadcast_in_dim3A_647 : vector<16x128xi1>, vector<16x128xi32>
      %reduce_sum3A_649 = vector.shape_cast %select_n3A_648 : vector<16x128xi32> to vector<1x16x128xi32>
      %reduce_sum3A_650 = arith.constant dense<0> : vector<1xi32>
      %reduce_sum3A_651 = vector.multi_reduction <add>, %reduce_sum3A_649, %reduce_sum3A_650 [1, 2] : vector<1x16x128xi32> to vector<1xi32>
      %reduce_sum3A_652 = vector.shape_cast %reduce_sum3A_651 : vector<1xi32> to vector<1x1x1xi32>
      %reduce_sum3A_653 = vector.extract %reduce_sum3A_652[0, 0, 0] : i32 from vector<1x1x1xi32>
      %convert_element_type3A_654 = arith.sitofp %reduce_sum3A_653 : i32 to f32
      %slice3A_655 = vector.extract_strided_slice %broadcast_in_dim3A_643 {offsets = [0, 0], sizes = [1, 1], strides = [1, 1]} : vector<16x1xf32> to vector<1x1xf32>
      %squeeze3A_656 = vector.extract %slice3A_655[0, 0] : f32 from vector<1x1xf32>
      %mul3A_657 = vector.broadcast %squeeze3A_656 : f32 to vector<8x1xf32>
      %mul3A_658 = arith.mulf %mul3A_657, %convert_element_type3A_465 : vector<8x1xf32>
      %slice3A_659 = vector.extract_strided_slice %broadcast_in_dim3A_643 {offsets = [1, 0], sizes = [1, 1], strides = [1, 1]} : vector<16x1xf32> to vector<1x1xf32>
      %squeeze3A_660 = vector.extract %slice3A_659[0, 0] : f32 from vector<1x1xf32>
      %mul3A_661 = vector.broadcast %squeeze3A_660 : f32 to vector<8x1xf32>
      %mul3A_662 = arith.mulf %mul3A_661, %convert_element_type3A_470 : vector<8x1xf32>
      %add3A_663 = arith.addf %mul3A_658, %mul3A_662 : vector<8x1xf32>
      %slice3A_664 = vector.extract_strided_slice %broadcast_in_dim3A_643 {offsets = [2, 0], sizes = [1, 1], strides = [1, 1]} : vector<16x1xf32> to vector<1x1xf32>
      %squeeze3A_665 = vector.extract %slice3A_664[0, 0] : f32 from vector<1x1xf32>
      %mul3A_666 = vector.broadcast %squeeze3A_665 : f32 to vector<8x1xf32>
      %mul3A_667 = arith.mulf %mul3A_666, %convert_element_type3A_475 : vector<8x1xf32>
      %add3A_668 = arith.addf %add3A_663, %mul3A_667 : vector<8x1xf32>
      %slice3A_669 = vector.extract_strided_slice %broadcast_in_dim3A_643 {offsets = [3, 0], sizes = [1, 1], strides = [1, 1]} : vector<16x1xf32> to vector<1x1xf32>
      %squeeze3A_670 = vector.extract %slice3A_669[0, 0] : f32 from vector<1x1xf32>
      %mul3A_671 = vector.broadcast %squeeze3A_670 : f32 to vector<8x1xf32>
      %mul3A_672 = arith.mulf %mul3A_671, %convert_element_type3A_480 : vector<8x1xf32>
      %add3A_673 = arith.addf %add3A_668, %mul3A_672 : vector<8x1xf32>
      %slice3A_674 = vector.extract_strided_slice %broadcast_in_dim3A_643 {offsets = [4, 0], sizes = [1, 1], strides = [1, 1]} : vector<16x1xf32> to vector<1x1xf32>
      %squeeze3A_675 = vector.extract %slice3A_674[0, 0] : f32 from vector<1x1xf32>
      %mul3A_676 = vector.broadcast %squeeze3A_675 : f32 to vector<8x1xf32>
      %mul3A_677 = arith.mulf %mul3A_676, %convert_element_type3A_485 : vector<8x1xf32>
      %add3A_678 = arith.addf %add3A_673, %mul3A_677 : vector<8x1xf32>
      %max3A_679 = arith.constant 0.000000e+00 : f32
      %max3A_680 = arith.maximumf %reduce_max3A_619, %max3A_679 : f32
      %mul3A_681 = vector.broadcast %max3A_680 : f32 to vector<8x1xf32>
      %mul3A_682 = arith.mulf %mul3A_681, %convert_element_type3A_490 : vector<8x1xf32>
      %add3A_683 = arith.addf %add3A_678, %mul3A_682 : vector<8x1xf32>
      %mul3A_684 = vector.broadcast %convert_element_type3A_654 : f32 to vector<8x1xf32>
      %mul3A_685 = arith.mulf %mul3A_684, %convert_element_type3A_495 : vector<8x1xf32>
      %add3A_686 = arith.addf %add3A_683, %mul3A_685 : vector<8x1xf32>
      %gt3A_687 = arith.constant 0.000000e+00 : f32
      %gt3A_688 = arith.cmpf ogt, %reduce_max3A_619, %gt3A_687 : f32
      %convert_element_type3A_689 = arith.extui %gt3A_688 : i1 to i32
      %convert_element_type3A_690 = arith.sitofp %convert_element_type3A_689 : i32 to f32
      %mul3A_691 = vector.broadcast %convert_element_type3A_690 : f32 to vector<8x1xf32>
      %mul3A_692 = arith.mulf %mul3A_691, %convert_element_type3A_500 : vector<8x1xf32>
      %add3A_693 = arith.addf %add3A_686, %mul3A_692 : vector<8x1xf32>
      %eq3A_694 = vector.broadcast %scan3A_613 : i32 to vector<1x128xi32>
      %eq3A_695 = arith.cmpi eq, %iota3A_190, %eq3A_694 : vector<1x128xi32>
      %convert_element_type3A_696 = arith.extui %eq3A_695 : vector<1x128xi1> to vector<1x128xi32>
      %convert_element_type3A_697 = arith.sitofp %convert_element_type3A_696 : vector<1x128xi32> to vector<1x128xf32>
      %mul3A_698 = vector.broadcast %add3A_693 : vector<8x1xf32> to vector<8x128xf32>
      %mul3A_699 = vector.broadcast %convert_element_type3A_697 : vector<1x128xf32> to vector<8x128xf32>
      %mul3A_700 = arith.mulf %mul3A_698, %mul3A_699 : vector<8x128xf32>
      %add3A_701 = arith.addf %scan3A_615, %mul3A_700 : vector<8x128xf32>
      %eq3A_702 = vector.broadcast %reduce_min3A_628 : i32 to vector<16x128xi32>
      %eq3A_703 = arith.cmpi eq, %add3A_189, %eq3A_702 : vector<16x128xi32>
      %jit3A_704 = arith.constant -2.000000e+00 : f32
      %broadcast_in_dim3A_705 = vector.broadcast %jit3A_704 : f32 to vector<16x128xf32>
      %select_n3A_706 = arith.select %eq3A_703, %broadcast_in_dim3A_705, %scan3A_614 : vector<16x128xi1>, vector<16x128xf32>
      scf.yield %select_n3A_706, %add3A_701 : vector<16x128xf32>, vector<8x128xf32>
    }
    %scan3A_564 = arith.constant 128 : i32
    %reshape3A_565 = vector.shape_cast %scan3A_563#1 : vector<8x128xf32> to vector<1x1x8x128xf32>
    %swap3A_566 = arith.constant 0 : index
    %swap3A_567 = arith.constant 4 : index
    %swap3A_568 = arith.constant 0 : index
    %swap3A_569 = arith.constant 0 : index
    %swap3A_570 = vector.load %arg7[%swap3A_566, %swap3A_567, %swap3A_568, %swap3A_569] : memref<1x8x8x128xf32, #tpu.memory_space<vmem>>, vector<1x1x8x128xf32>
    tpu.vector_store %arg7[%swap3A_566, %swap3A_567, %swap3A_568, %swap3A_569], %reshape3A_565 {strides = array<i32>} : memref<1x8x8x128xf32, #tpu.memory_space<vmem>>, vector<1x1x8x128xf32>,
    %broadcast_in_dim3A_571 = arith.constant 0.000000e+00 : f32
    %broadcast_in_dim3A_572 = vector.broadcast %broadcast_in_dim3A_571 : f32 to vector<8x128xf32>
    %scan3A_573 = arith.constant 0 : i32
    %scan3A_574 = arith.constant 128 : i32
    %scan3A_575 = arith.addi %scan3A_573, %scan3A_574 : i32
    %scan3A_576 = arith.constant 1 : i32
    %scan3A_577:2 = scf.for %scan3A_613 = %scan3A_573 to %scan3A_575 step %scan3A_576 iter_args(%scan3A_614 = %scan3A_563#0, %scan3A_615 = %broadcast_in_dim3A_572) -> (vector<16x128xf32>, vector<8x128xf32>)  : i32 {
      %reduce_max3A = vector.shape_cast %scan3A_614 : vector<16x128xf32> to vector<1x16x128xf32>
      %reduce_max3A_616 = arith.constant dense<0xFF800000> : vector<1xf32>
      %reduce_max3A_617 = vector.multi_reduction <maximumf>, %reduce_max3A, %reduce_max3A_616 [1, 2] : vector<1x16x128xf32> to vector<1xf32>
      %reduce_max3A_618 = vector.shape_cast %reduce_max3A_617 : vector<1xf32> to vector<1x1x1xf32>
      %reduce_max3A_619 = vector.extract %reduce_max3A_618[0, 0, 0] : f32 from vector<1x1x1xf32>
      %eq3A_620 = vector.broadcast %reduce_max3A_619 : f32 to vector<16x128xf32>
      %eq3A_621 = arith.cmpf oeq, %scan3A_614, %eq3A_620 : vector<16x128xf32>
      %jit3A_622 = arith.constant 99999 : i32
      %broadcast_in_dim3A_623 = vector.broadcast %jit3A_622 : i32 to vector<16x128xi32>
      %select_n3A_624 = arith.select %eq3A_621, %add3A_189, %broadcast_in_dim3A_623 : vector<16x128xi1>, vector<16x128xi32>
      %reduce_min3A = vector.shape_cast %select_n3A_624 : vector<16x128xi32> to vector<1x16x128xi32>
      %reduce_min3A_625 = arith.constant dense<2147483647> : vector<1xi32>
      %reduce_min3A_626 = vector.multi_reduction <minsi>, %reduce_min3A, %reduce_min3A_625 [1, 2] : vector<1x16x128xi32> to vector<1xi32>
      %reduce_min3A_627 = vector.shape_cast %reduce_min3A_626 : vector<1xi32> to vector<1x1x1xi32>
      %reduce_min3A_628 = vector.extract %reduce_min3A_627[0, 0, 0] : i32 from vector<1x1x1xi32>
      %shift_right_arithmetic3A = arith.constant 7 : i32
      %shift_right_arithmetic3A_629 = arith.shrsi %reduce_min3A_628, %shift_right_arithmetic3A : i32
      %and3A = arith.constant 127 : i32
      %and3A_630 = arith.andi %reduce_min3A_628, %and3A : i32
      %get3A_631 = arith.index_cast %shift_right_arithmetic3A_629 : i32 to index
      %get3A_632 = arith.constant 0 : index
      %get3A_633 = arith.constant 0 : index
      %get3A_634 = vector.load %arg9[%get3A_631, %get3A_632, %get3A_633] : memref<16x16x128xf32, #tpu.memory_space<vmem>>, vector<1x16x128xf32>
      %squeeze3A_635 = vector.shape_cast %get3A_634 : vector<1x16x128xf32> to vector<16x128xf32>
      %eq3A_636 = vector.broadcast %and3A_630 : i32 to vector<1x128xi32>
      %eq3A_637 = arith.cmpi eq, %iota3A_190, %eq3A_636 : vector<1x128xi32>
      %convert_element_type3A_638 = arith.extui %eq3A_637 : vector<1x128xi1> to vector<1x128xi32>
      %convert_element_type3A_639 = arith.sitofp %convert_element_type3A_638 : vector<1x128xi32> to vector<1x128xf32>
      %mul3A_640 = vector.broadcast %convert_element_type3A_639 : vector<1x128xf32> to vector<16x128xf32>
      %mul3A_641 = arith.mulf %squeeze3A_635, %mul3A_640 : vector<16x128xf32>
      %reduce_sum3A = arith.constant dense<0.000000e+00> : vector<16xf32>
      %reduce_sum3A_642 = vector.multi_reduction <add>, %mul3A_641, %reduce_sum3A [1] : vector<16x128xf32> to vector<16xf32>
      %broadcast_in_dim3A_643 = vector.shape_cast %reduce_sum3A_642 : vector<16xf32> to vector<16x1xf32>
      %eq3A_644 = vector.broadcast %reduce_min3A_628 : i32 to vector<16x128xi32>
      %eq3A_645 = arith.cmpi eq, %add3A_189, %eq3A_644 : vector<16x128xi32>
      %jit3A_646 = arith.constant 0 : i32
      %broadcast_in_dim3A_647 = vector.broadcast %jit3A_646 : i32 to vector<16x128xi32>
      %select_n3A_648 = arith.select %eq3A_645, %get3A_13, %broadcast_in_dim3A_647 : vector<16x128xi1>, vector<16x128xi32>
      %reduce_sum3A_649 = vector.shape_cast %select_n3A_648 : vector<16x128xi32> to vector<1x16x128xi32>
      %reduce_sum3A_650 = arith.constant dense<0> : vector<1xi32>
      %reduce_sum3A_651 = vector.multi_reduction <add>, %reduce_sum3A_649, %reduce_sum3A_650 [1, 2] : vector<1x16x128xi32> to vector<1xi32>
      %reduce_sum3A_652 = vector.shape_cast %reduce_sum3A_651 : vector<1xi32> to vector<1x1x1xi32>
      %reduce_sum3A_653 = vector.extract %reduce_sum3A_652[0, 0, 0] : i32 from vector<1x1x1xi32>
      %convert_element_type3A_654 = arith.sitofp %reduce_sum3A_653 : i32 to f32
      %slice3A_655 = vector.extract_strided_slice %broadcast_in_dim3A_643 {offsets = [0, 0], sizes = [1, 1], strides = [1, 1]} : vector<16x1xf32> to vector<1x1xf32>
      %squeeze3A_656 = vector.extract %slice3A_655[0, 0] : f32 from vector<1x1xf32>
      %mul3A_657 = vector.broadcast %squeeze3A_656 : f32 to vector<8x1xf32>
      %mul3A_658 = arith.mulf %mul3A_657, %convert_element_type3A_465 : vector<8x1xf32>
      %slice3A_659 = vector.extract_strided_slice %broadcast_in_dim3A_643 {offsets = [1, 0], sizes = [1, 1], strides = [1, 1]} : vector<16x1xf32> to vector<1x1xf32>
      %squeeze3A_660 = vector.extract %slice3A_659[0, 0] : f32 from vector<1x1xf32>
      %mul3A_661 = vector.broadcast %squeeze3A_660 : f32 to vector<8x1xf32>
      %mul3A_662 = arith.mulf %mul3A_661, %convert_element_type3A_470 : vector<8x1xf32>
      %add3A_663 = arith.addf %mul3A_658, %mul3A_662 : vector<8x1xf32>
      %slice3A_664 = vector.extract_strided_slice %broadcast_in_dim3A_643 {offsets = [2, 0], sizes = [1, 1], strides = [1, 1]} : vector<16x1xf32> to vector<1x1xf32>
      %squeeze3A_665 = vector.extract %slice3A_664[0, 0] : f32 from vector<1x1xf32>
      %mul3A_666 = vector.broadcast %squeeze3A_665 : f32 to vector<8x1xf32>
      %mul3A_667 = arith.mulf %mul3A_666, %convert_element_type3A_475 : vector<8x1xf32>
      %add3A_668 = arith.addf %add3A_663, %mul3A_667 : vector<8x1xf32>
      %slice3A_669 = vector.extract_strided_slice %broadcast_in_dim3A_643 {offsets = [3, 0], sizes = [1, 1], strides = [1, 1]} : vector<16x1xf32> to vector<1x1xf32>
      %squeeze3A_670 = vector.extract %slice3A_669[0, 0] : f32 from vector<1x1xf32>
      %mul3A_671 = vector.broadcast %squeeze3A_670 : f32 to vector<8x1xf32>
      %mul3A_672 = arith.mulf %mul3A_671, %convert_element_type3A_480 : vector<8x1xf32>
      %add3A_673 = arith.addf %add3A_668, %mul3A_672 : vector<8x1xf32>
      %slice3A_674 = vector.extract_strided_slice %broadcast_in_dim3A_643 {offsets = [4, 0], sizes = [1, 1], strides = [1, 1]} : vector<16x1xf32> to vector<1x1xf32>
      %squeeze3A_675 = vector.extract %slice3A_674[0, 0] : f32 from vector<1x1xf32>
      %mul3A_676 = vector.broadcast %squeeze3A_675 : f32 to vector<8x1xf32>
      %mul3A_677 = arith.mulf %mul3A_676, %convert_element_type3A_485 : vector<8x1xf32>
      %add3A_678 = arith.addf %add3A_673, %mul3A_677 : vector<8x1xf32>
      %max3A_679 = arith.constant 0.000000e+00 : f32
      %max3A_680 = arith.maximumf %reduce_max3A_619, %max3A_679 : f32
      %mul3A_681 = vector.broadcast %max3A_680 : f32 to vector<8x1xf32>
      %mul3A_682 = arith.mulf %mul3A_681, %convert_element_type3A_490 : vector<8x1xf32>
      %add3A_683 = arith.addf %add3A_678, %mul3A_682 : vector<8x1xf32>
      %mul3A_684 = vector.broadcast %convert_element_type3A_654 : f32 to vector<8x1xf32>
      %mul3A_685 = arith.mulf %mul3A_684, %convert_element_type3A_495 : vector<8x1xf32>
      %add3A_686 = arith.addf %add3A_683, %mul3A_685 : vector<8x1xf32>
      %gt3A_687 = arith.constant 0.000000e+00 : f32
      %gt3A_688 = arith.cmpf ogt, %reduce_max3A_619, %gt3A_687 : f32
      %convert_element_type3A_689 = arith.extui %gt3A_688 : i1 to i32
      %convert_element_type3A_690 = arith.sitofp %convert_element_type3A_689 : i32 to f32
      %mul3A_691 = vector.broadcast %convert_element_type3A_690 : f32 to vector<8x1xf32>
      %mul3A_692 = arith.mulf %mul3A_691, %convert_element_type3A_500 : vector<8x1xf32>
      %add3A_693 = arith.addf %add3A_686, %mul3A_692 : vector<8x1xf32>
      %eq3A_694 = vector.broadcast %scan3A_613 : i32 to vector<1x128xi32>
      %eq3A_695 = arith.cmpi eq, %iota3A_190, %eq3A_694 : vector<1x128xi32>
      %convert_element_type3A_696 = arith.extui %eq3A_695 : vector<1x128xi1> to vector<1x128xi32>
      %convert_element_type3A_697 = arith.sitofp %convert_element_type3A_696 : vector<1x128xi32> to vector<1x128xf32>
      %mul3A_698 = vector.broadcast %add3A_693 : vector<8x1xf32> to vector<8x128xf32>
      %mul3A_699 = vector.broadcast %convert_element_type3A_697 : vector<1x128xf32> to vector<8x128xf32>
      %mul3A_700 = arith.mulf %mul3A_698, %mul3A_699 : vector<8x128xf32>
      %add3A_701 = arith.addf %scan3A_615, %mul3A_700 : vector<8x128xf32>
      %eq3A_702 = vector.broadcast %reduce_min3A_628 : i32 to vector<16x128xi32>
      %eq3A_703 = arith.cmpi eq, %add3A_189, %eq3A_702 : vector<16x128xi32>
      %jit3A_704 = arith.constant -2.000000e+00 : f32
      %broadcast_in_dim3A_705 = vector.broadcast %jit3A_704 : f32 to vector<16x128xf32>
      %select_n3A_706 = arith.select %eq3A_703, %broadcast_in_dim3A_705, %scan3A_614 : vector<16x128xi1>, vector<16x128xf32>
      scf.yield %select_n3A_706, %add3A_701 : vector<16x128xf32>, vector<8x128xf32>
    }
    %scan3A_578 = arith.constant 128 : i32
    %reshape3A_579 = vector.shape_cast %scan3A_577#1 : vector<8x128xf32> to vector<1x1x8x128xf32>
    %swap3A_580 = arith.constant 0 : index
    %swap3A_581 = arith.constant 5 : index
    %swap3A_582 = arith.constant 0 : index
    %swap3A_583 = arith.constant 0 : index
    %swap3A_584 = vector.load %arg7[%swap3A_580, %swap3A_581, %swap3A_582, %swap3A_583] : memref<1x8x8x128xf32, #tpu.memory_space<vmem>>, vector<1x1x8x128xf32>
    tpu.vector_store %arg7[%swap3A_580, %swap3A_581, %swap3A_582, %swap3A_583], %reshape3A_579 {strides = array<i32>} : memref<1x8x8x128xf32, #tpu.memory_space<vmem>>, vector<1x1x8x128xf32>,
    %broadcast_in_dim3A_585 = arith.constant 0.000000e+00 : f32
    %broadcast_in_dim3A_586 = vector.broadcast %broadcast_in_dim3A_585 : f32 to vector<8x128xf32>
    %scan3A_587 = arith.constant 0 : i32
    %scan3A_588 = arith.constant 128 : i32
    %scan3A_589 = arith.addi %scan3A_587, %scan3A_588 : i32
    %scan3A_590 = arith.constant 1 : i32
    %scan3A_591:2 = scf.for %scan3A_613 = %scan3A_587 to %scan3A_589 step %scan3A_590 iter_args(%scan3A_614 = %scan3A_577#0, %scan3A_615 = %broadcast_in_dim3A_586) -> (vector<16x128xf32>, vector<8x128xf32>)  : i32 {
      %reduce_max3A = vector.shape_cast %scan3A_614 : vector<16x128xf32> to vector<1x16x128xf32>
      %reduce_max3A_616 = arith.constant dense<0xFF800000> : vector<1xf32>
      %reduce_max3A_617 = vector.multi_reduction <maximumf>, %reduce_max3A, %reduce_max3A_616 [1, 2] : vector<1x16x128xf32> to vector<1xf32>
      %reduce_max3A_618 = vector.shape_cast %reduce_max3A_617 : vector<1xf32> to vector<1x1x1xf32>
      %reduce_max3A_619 = vector.extract %reduce_max3A_618[0, 0, 0] : f32 from vector<1x1x1xf32>
      %eq3A_620 = vector.broadcast %reduce_max3A_619 : f32 to vector<16x128xf32>
      %eq3A_621 = arith.cmpf oeq, %scan3A_614, %eq3A_620 : vector<16x128xf32>
      %jit3A_622 = arith.constant 99999 : i32
      %broadcast_in_dim3A_623 = vector.broadcast %jit3A_622 : i32 to vector<16x128xi32>
      %select_n3A_624 = arith.select %eq3A_621, %add3A_189, %broadcast_in_dim3A_623 : vector<16x128xi1>, vector<16x128xi32>
      %reduce_min3A = vector.shape_cast %select_n3A_624 : vector<16x128xi32> to vector<1x16x128xi32>
      %reduce_min3A_625 = arith.constant dense<2147483647> : vector<1xi32>
      %reduce_min3A_626 = vector.multi_reduction <minsi>, %reduce_min3A, %reduce_min3A_625 [1, 2] : vector<1x16x128xi32> to vector<1xi32>
      %reduce_min3A_627 = vector.shape_cast %reduce_min3A_626 : vector<1xi32> to vector<1x1x1xi32>
      %reduce_min3A_628 = vector.extract %reduce_min3A_627[0, 0, 0] : i32 from vector<1x1x1xi32>
      %shift_right_arithmetic3A = arith.constant 7 : i32
      %shift_right_arithmetic3A_629 = arith.shrsi %reduce_min3A_628, %shift_right_arithmetic3A : i32
      %and3A = arith.constant 127 : i32
      %and3A_630 = arith.andi %reduce_min3A_628, %and3A : i32
      %get3A_631 = arith.index_cast %shift_right_arithmetic3A_629 : i32 to index
      %get3A_632 = arith.constant 0 : index
      %get3A_633 = arith.constant 0 : index
      %get3A_634 = vector.load %arg9[%get3A_631, %get3A_632, %get3A_633] : memref<16x16x128xf32, #tpu.memory_space<vmem>>, vector<1x16x128xf32>
      %squeeze3A_635 = vector.shape_cast %get3A_634 : vector<1x16x128xf32> to vector<16x128xf32>
      %eq3A_636 = vector.broadcast %and3A_630 : i32 to vector<1x128xi32>
      %eq3A_637 = arith.cmpi eq, %iota3A_190, %eq3A_636 : vector<1x128xi32>
      %convert_element_type3A_638 = arith.extui %eq3A_637 : vector<1x128xi1> to vector<1x128xi32>
      %convert_element_type3A_639 = arith.sitofp %convert_element_type3A_638 : vector<1x128xi32> to vector<1x128xf32>
      %mul3A_640 = vector.broadcast %convert_element_type3A_639 : vector<1x128xf32> to vector<16x128xf32>
      %mul3A_641 = arith.mulf %squeeze3A_635, %mul3A_640 : vector<16x128xf32>
      %reduce_sum3A = arith.constant dense<0.000000e+00> : vector<16xf32>
      %reduce_sum3A_642 = vector.multi_reduction <add>, %mul3A_641, %reduce_sum3A [1] : vector<16x128xf32> to vector<16xf32>
      %broadcast_in_dim3A_643 = vector.shape_cast %reduce_sum3A_642 : vector<16xf32> to vector<16x1xf32>
      %eq3A_644 = vector.broadcast %reduce_min3A_628 : i32 to vector<16x128xi32>
      %eq3A_645 = arith.cmpi eq, %add3A_189, %eq3A_644 : vector<16x128xi32>
      %jit3A_646 = arith.constant 0 : i32
      %broadcast_in_dim3A_647 = vector.broadcast %jit3A_646 : i32 to vector<16x128xi32>
      %select_n3A_648 = arith.select %eq3A_645, %get3A_13, %broadcast_in_dim3A_647 : vector<16x128xi1>, vector<16x128xi32>
      %reduce_sum3A_649 = vector.shape_cast %select_n3A_648 : vector<16x128xi32> to vector<1x16x128xi32>
      %reduce_sum3A_650 = arith.constant dense<0> : vector<1xi32>
      %reduce_sum3A_651 = vector.multi_reduction <add>, %reduce_sum3A_649, %reduce_sum3A_650 [1, 2] : vector<1x16x128xi32> to vector<1xi32>
      %reduce_sum3A_652 = vector.shape_cast %reduce_sum3A_651 : vector<1xi32> to vector<1x1x1xi32>
      %reduce_sum3A_653 = vector.extract %reduce_sum3A_652[0, 0, 0] : i32 from vector<1x1x1xi32>
      %convert_element_type3A_654 = arith.sitofp %reduce_sum3A_653 : i32 to f32
      %slice3A_655 = vector.extract_strided_slice %broadcast_in_dim3A_643 {offsets = [0, 0], sizes = [1, 1], strides = [1, 1]} : vector<16x1xf32> to vector<1x1xf32>
      %squeeze3A_656 = vector.extract %slice3A_655[0, 0] : f32 from vector<1x1xf32>
      %mul3A_657 = vector.broadcast %squeeze3A_656 : f32 to vector<8x1xf32>
      %mul3A_658 = arith.mulf %mul3A_657, %convert_element_type3A_465 : vector<8x1xf32>
      %slice3A_659 = vector.extract_strided_slice %broadcast_in_dim3A_643 {offsets = [1, 0], sizes = [1, 1], strides = [1, 1]} : vector<16x1xf32> to vector<1x1xf32>
      %squeeze3A_660 = vector.extract %slice3A_659[0, 0] : f32 from vector<1x1xf32>
      %mul3A_661 = vector.broadcast %squeeze3A_660 : f32 to vector<8x1xf32>
      %mul3A_662 = arith.mulf %mul3A_661, %convert_element_type3A_470 : vector<8x1xf32>
      %add3A_663 = arith.addf %mul3A_658, %mul3A_662 : vector<8x1xf32>
      %slice3A_664 = vector.extract_strided_slice %broadcast_in_dim3A_643 {offsets = [2, 0], sizes = [1, 1], strides = [1, 1]} : vector<16x1xf32> to vector<1x1xf32>
      %squeeze3A_665 = vector.extract %slice3A_664[0, 0] : f32 from vector<1x1xf32>
      %mul3A_666 = vector.broadcast %squeeze3A_665 : f32 to vector<8x1xf32>
      %mul3A_667 = arith.mulf %mul3A_666, %convert_element_type3A_475 : vector<8x1xf32>
      %add3A_668 = arith.addf %add3A_663, %mul3A_667 : vector<8x1xf32>
      %slice3A_669 = vector.extract_strided_slice %broadcast_in_dim3A_643 {offsets = [3, 0], sizes = [1, 1], strides = [1, 1]} : vector<16x1xf32> to vector<1x1xf32>
      %squeeze3A_670 = vector.extract %slice3A_669[0, 0] : f32 from vector<1x1xf32>
      %mul3A_671 = vector.broadcast %squeeze3A_670 : f32 to vector<8x1xf32>
      %mul3A_672 = arith.mulf %mul3A_671, %convert_element_type3A_480 : vector<8x1xf32>
      %add3A_673 = arith.addf %add3A_668, %mul3A_672 : vector<8x1xf32>
      %slice3A_674 = vector.extract_strided_slice %broadcast_in_dim3A_643 {offsets = [4, 0], sizes = [1, 1], strides = [1, 1]} : vector<16x1xf32> to vector<1x1xf32>
      %squeeze3A_675 = vector.extract %slice3A_674[0, 0] : f32 from vector<1x1xf32>
      %mul3A_676 = vector.broadcast %squeeze3A_675 : f32 to vector<8x1xf32>
      %mul3A_677 = arith.mulf %mul3A_676, %convert_element_type3A_485 : vector<8x1xf32>
      %add3A_678 = arith.addf %add3A_673, %mul3A_677 : vector<8x1xf32>
      %max3A_679 = arith.constant 0.000000e+00 : f32
      %max3A_680 = arith.maximumf %reduce_max3A_619, %max3A_679 : f32
      %mul3A_681 = vector.broadcast %max3A_680 : f32 to vector<8x1xf32>
      %mul3A_682 = arith.mulf %mul3A_681, %convert_element_type3A_490 : vector<8x1xf32>
      %add3A_683 = arith.addf %add3A_678, %mul3A_682 : vector<8x1xf32>
      %mul3A_684 = vector.broadcast %convert_element_type3A_654 : f32 to vector<8x1xf32>
      %mul3A_685 = arith.mulf %mul3A_684, %convert_element_type3A_495 : vector<8x1xf32>
      %add3A_686 = arith.addf %add3A_683, %mul3A_685 : vector<8x1xf32>
      %gt3A_687 = arith.constant 0.000000e+00 : f32
      %gt3A_688 = arith.cmpf ogt, %reduce_max3A_619, %gt3A_687 : f32
      %convert_element_type3A_689 = arith.extui %gt3A_688 : i1 to i32
      %convert_element_type3A_690 = arith.sitofp %convert_element_type3A_689 : i32 to f32
      %mul3A_691 = vector.broadcast %convert_element_type3A_690 : f32 to vector<8x1xf32>
      %mul3A_692 = arith.mulf %mul3A_691, %convert_element_type3A_500 : vector<8x1xf32>
      %add3A_693 = arith.addf %add3A_686, %mul3A_692 : vector<8x1xf32>
      %eq3A_694 = vector.broadcast %scan3A_613 : i32 to vector<1x128xi32>
      %eq3A_695 = arith.cmpi eq, %iota3A_190, %eq3A_694 : vector<1x128xi32>
      %convert_element_type3A_696 = arith.extui %eq3A_695 : vector<1x128xi1> to vector<1x128xi32>
      %convert_element_type3A_697 = arith.sitofp %convert_element_type3A_696 : vector<1x128xi32> to vector<1x128xf32>
      %mul3A_698 = vector.broadcast %add3A_693 : vector<8x1xf32> to vector<8x128xf32>
      %mul3A_699 = vector.broadcast %convert_element_type3A_697 : vector<1x128xf32> to vector<8x128xf32>
      %mul3A_700 = arith.mulf %mul3A_698, %mul3A_699 : vector<8x128xf32>
      %add3A_701 = arith.addf %scan3A_615, %mul3A_700 : vector<8x128xf32>
      %eq3A_702 = vector.broadcast %reduce_min3A_628 : i32 to vector<16x128xi32>
      %eq3A_703 = arith.cmpi eq, %add3A_189, %eq3A_702 : vector<16x128xi32>
      %jit3A_704 = arith.constant -2.000000e+00 : f32
      %broadcast_in_dim3A_705 = vector.broadcast %jit3A_704 : f32 to vector<16x128xf32>
      %select_n3A_706 = arith.select %eq3A_703, %broadcast_in_dim3A_705, %scan3A_614 : vector<16x128xi1>, vector<16x128xf32>
      scf.yield %select_n3A_706, %add3A_701 : vector<16x128xf32>, vector<8x128xf32>
    }
    %scan3A_592 = arith.constant 128 : i32
    %reshape3A_593 = vector.shape_cast %scan3A_591#1 : vector<8x128xf32> to vector<1x1x8x128xf32>
    %swap3A_594 = arith.constant 0 : index
    %swap3A_595 = arith.constant 6 : index
    %swap3A_596 = arith.constant 0 : index
    %swap3A_597 = arith.constant 0 : index
    %swap3A_598 = vector.load %arg7[%swap3A_594, %swap3A_595, %swap3A_596, %swap3A_597] : memref<1x8x8x128xf32, #tpu.memory_space<vmem>>, vector<1x1x8x128xf32>
    tpu.vector_store %arg7[%swap3A_594, %swap3A_595, %swap3A_596, %swap3A_597], %reshape3A_593 {strides = array<i32>} : memref<1x8x8x128xf32, #tpu.memory_space<vmem>>, vector<1x1x8x128xf32>,
    %broadcast_in_dim3A_599 = arith.constant 0.000000e+00 : f32
    %broadcast_in_dim3A_600 = vector.broadcast %broadcast_in_dim3A_599 : f32 to vector<8x128xf32>
    %scan3A_601 = arith.constant 0 : i32
    %scan3A_602 = arith.constant 128 : i32
    %scan3A_603 = arith.addi %scan3A_601, %scan3A_602 : i32
    %scan3A_604 = arith.constant 1 : i32
    %scan3A_605:2 = scf.for %scan3A_613 = %scan3A_601 to %scan3A_603 step %scan3A_604 iter_args(%scan3A_614 = %scan3A_591#0, %scan3A_615 = %broadcast_in_dim3A_600) -> (vector<16x128xf32>, vector<8x128xf32>)  : i32 {
      %reduce_max3A = vector.shape_cast %scan3A_614 : vector<16x128xf32> to vector<1x16x128xf32>
      %reduce_max3A_616 = arith.constant dense<0xFF800000> : vector<1xf32>
      %reduce_max3A_617 = vector.multi_reduction <maximumf>, %reduce_max3A, %reduce_max3A_616 [1, 2] : vector<1x16x128xf32> to vector<1xf32>
      %reduce_max3A_618 = vector.shape_cast %reduce_max3A_617 : vector<1xf32> to vector<1x1x1xf32>
      %reduce_max3A_619 = vector.extract %reduce_max3A_618[0, 0, 0] : f32 from vector<1x1x1xf32>
      %eq3A_620 = vector.broadcast %reduce_max3A_619 : f32 to vector<16x128xf32>
      %eq3A_621 = arith.cmpf oeq, %scan3A_614, %eq3A_620 : vector<16x128xf32>
      %jit3A_622 = arith.constant 99999 : i32
      %broadcast_in_dim3A_623 = vector.broadcast %jit3A_622 : i32 to vector<16x128xi32>
      %select_n3A_624 = arith.select %eq3A_621, %add3A_189, %broadcast_in_dim3A_623 : vector<16x128xi1>, vector<16x128xi32>
      %reduce_min3A = vector.shape_cast %select_n3A_624 : vector<16x128xi32> to vector<1x16x128xi32>
      %reduce_min3A_625 = arith.constant dense<2147483647> : vector<1xi32>
      %reduce_min3A_626 = vector.multi_reduction <minsi>, %reduce_min3A, %reduce_min3A_625 [1, 2] : vector<1x16x128xi32> to vector<1xi32>
      %reduce_min3A_627 = vector.shape_cast %reduce_min3A_626 : vector<1xi32> to vector<1x1x1xi32>
      %reduce_min3A_628 = vector.extract %reduce_min3A_627[0, 0, 0] : i32 from vector<1x1x1xi32>
      %shift_right_arithmetic3A = arith.constant 7 : i32
      %shift_right_arithmetic3A_629 = arith.shrsi %reduce_min3A_628, %shift_right_arithmetic3A : i32
      %and3A = arith.constant 127 : i32
      %and3A_630 = arith.andi %reduce_min3A_628, %and3A : i32
      %get3A_631 = arith.index_cast %shift_right_arithmetic3A_629 : i32 to index
      %get3A_632 = arith.constant 0 : index
      %get3A_633 = arith.constant 0 : index
      %get3A_634 = vector.load %arg9[%get3A_631, %get3A_632, %get3A_633] : memref<16x16x128xf32, #tpu.memory_space<vmem>>, vector<1x16x128xf32>
      %squeeze3A_635 = vector.shape_cast %get3A_634 : vector<1x16x128xf32> to vector<16x128xf32>
      %eq3A_636 = vector.broadcast %and3A_630 : i32 to vector<1x128xi32>
      %eq3A_637 = arith.cmpi eq, %iota3A_190, %eq3A_636 : vector<1x128xi32>
      %convert_element_type3A_638 = arith.extui %eq3A_637 : vector<1x128xi1> to vector<1x128xi32>
      %convert_element_type3A_639 = arith.sitofp %convert_element_type3A_638 : vector<1x128xi32> to vector<1x128xf32>
      %mul3A_640 = vector.broadcast %convert_element_type3A_639 : vector<1x128xf32> to vector<16x128xf32>
      %mul3A_641 = arith.mulf %squeeze3A_635, %mul3A_640 : vector<16x128xf32>
      %reduce_sum3A = arith.constant dense<0.000000e+00> : vector<16xf32>
      %reduce_sum3A_642 = vector.multi_reduction <add>, %mul3A_641, %reduce_sum3A [1] : vector<16x128xf32> to vector<16xf32>
      %broadcast_in_dim3A_643 = vector.shape_cast %reduce_sum3A_642 : vector<16xf32> to vector<16x1xf32>
      %eq3A_644 = vector.broadcast %reduce_min3A_628 : i32 to vector<16x128xi32>
      %eq3A_645 = arith.cmpi eq, %add3A_189, %eq3A_644 : vector<16x128xi32>
      %jit3A_646 = arith.constant 0 : i32
      %broadcast_in_dim3A_647 = vector.broadcast %jit3A_646 : i32 to vector<16x128xi32>
      %select_n3A_648 = arith.select %eq3A_645, %get3A_13, %broadcast_in_dim3A_647 : vector<16x128xi1>, vector<16x128xi32>
      %reduce_sum3A_649 = vector.shape_cast %select_n3A_648 : vector<16x128xi32> to vector<1x16x128xi32>
      %reduce_sum3A_650 = arith.constant dense<0> : vector<1xi32>
      %reduce_sum3A_651 = vector.multi_reduction <add>, %reduce_sum3A_649, %reduce_sum3A_650 [1, 2] : vector<1x16x128xi32> to vector<1xi32>
      %reduce_sum3A_652 = vector.shape_cast %reduce_sum3A_651 : vector<1xi32> to vector<1x1x1xi32>
      %reduce_sum3A_653 = vector.extract %reduce_sum3A_652[0, 0, 0] : i32 from vector<1x1x1xi32>
      %convert_element_type3A_654 = arith.sitofp %reduce_sum3A_653 : i32 to f32
      %slice3A_655 = vector.extract_strided_slice %broadcast_in_dim3A_643 {offsets = [0, 0], sizes = [1, 1], strides = [1, 1]} : vector<16x1xf32> to vector<1x1xf32>
      %squeeze3A_656 = vector.extract %slice3A_655[0, 0] : f32 from vector<1x1xf32>
      %mul3A_657 = vector.broadcast %squeeze3A_656 : f32 to vector<8x1xf32>
      %mul3A_658 = arith.mulf %mul3A_657, %convert_element_type3A_465 : vector<8x1xf32>
      %slice3A_659 = vector.extract_strided_slice %broadcast_in_dim3A_643 {offsets = [1, 0], sizes = [1, 1], strides = [1, 1]} : vector<16x1xf32> to vector<1x1xf32>
      %squeeze3A_660 = vector.extract %slice3A_659[0, 0] : f32 from vector<1x1xf32>
      %mul3A_661 = vector.broadcast %squeeze3A_660 : f32 to vector<8x1xf32>
      %mul3A_662 = arith.mulf %mul3A_661, %convert_element_type3A_470 : vector<8x1xf32>
      %add3A_663 = arith.addf %mul3A_658, %mul3A_662 : vector<8x1xf32>
      %slice3A_664 = vector.extract_strided_slice %broadcast_in_dim3A_643 {offsets = [2, 0], sizes = [1, 1], strides = [1, 1]} : vector<16x1xf32> to vector<1x1xf32>
      %squeeze3A_665 = vector.extract %slice3A_664[0, 0] : f32 from vector<1x1xf32>
      %mul3A_666 = vector.broadcast %squeeze3A_665 : f32 to vector<8x1xf32>
      %mul3A_667 = arith.mulf %mul3A_666, %convert_element_type3A_475 : vector<8x1xf32>
      %add3A_668 = arith.addf %add3A_663, %mul3A_667 : vector<8x1xf32>
      %slice3A_669 = vector.extract_strided_slice %broadcast_in_dim3A_643 {offsets = [3, 0], sizes = [1, 1], strides = [1, 1]} : vector<16x1xf32> to vector<1x1xf32>
      %squeeze3A_670 = vector.extract %slice3A_669[0, 0] : f32 from vector<1x1xf32>
      %mul3A_671 = vector.broadcast %squeeze3A_670 : f32 to vector<8x1xf32>
      %mul3A_672 = arith.mulf %mul3A_671, %convert_element_type3A_480 : vector<8x1xf32>
      %add3A_673 = arith.addf %add3A_668, %mul3A_672 : vector<8x1xf32>
      %slice3A_674 = vector.extract_strided_slice %broadcast_in_dim3A_643 {offsets = [4, 0], sizes = [1, 1], strides = [1, 1]} : vector<16x1xf32> to vector<1x1xf32>
      %squeeze3A_675 = vector.extract %slice3A_674[0, 0] : f32 from vector<1x1xf32>
      %mul3A_676 = vector.broadcast %squeeze3A_675 : f32 to vector<8x1xf32>
      %mul3A_677 = arith.mulf %mul3A_676, %convert_element_type3A_485 : vector<8x1xf32>
      %add3A_678 = arith.addf %add3A_673, %mul3A_677 : vector<8x1xf32>
      %max3A_679 = arith.constant 0.000000e+00 : f32
      %max3A_680 = arith.maximumf %reduce_max3A_619, %max3A_679 : f32
      %mul3A_681 = vector.broadcast %max3A_680 : f32 to vector<8x1xf32>
      %mul3A_682 = arith.mulf %mul3A_681, %convert_element_type3A_490 : vector<8x1xf32>
      %add3A_683 = arith.addf %add3A_678, %mul3A_682 : vector<8x1xf32>
      %mul3A_684 = vector.broadcast %convert_element_type3A_654 : f32 to vector<8x1xf32>
      %mul3A_685 = arith.mulf %mul3A_684, %convert_element_type3A_495 : vector<8x1xf32>
      %add3A_686 = arith.addf %add3A_683, %mul3A_685 : vector<8x1xf32>
      %gt3A_687 = arith.constant 0.000000e+00 : f32
      %gt3A_688 = arith.cmpf ogt, %reduce_max3A_619, %gt3A_687 : f32
      %convert_element_type3A_689 = arith.extui %gt3A_688 : i1 to i32
      %convert_element_type3A_690 = arith.sitofp %convert_element_type3A_689 : i32 to f32
      %mul3A_691 = vector.broadcast %convert_element_type3A_690 : f32 to vector<8x1xf32>
      %mul3A_692 = arith.mulf %mul3A_691, %convert_element_type3A_500 : vector<8x1xf32>
      %add3A_693 = arith.addf %add3A_686, %mul3A_692 : vector<8x1xf32>
      %eq3A_694 = vector.broadcast %scan3A_613 : i32 to vector<1x128xi32>
      %eq3A_695 = arith.cmpi eq, %iota3A_190, %eq3A_694 : vector<1x128xi32>
      %convert_element_type3A_696 = arith.extui %eq3A_695 : vector<1x128xi1> to vector<1x128xi32>
      %convert_element_type3A_697 = arith.sitofp %convert_element_type3A_696 : vector<1x128xi32> to vector<1x128xf32>
      %mul3A_698 = vector.broadcast %add3A_693 : vector<8x1xf32> to vector<8x128xf32>
      %mul3A_699 = vector.broadcast %convert_element_type3A_697 : vector<1x128xf32> to vector<8x128xf32>
      %mul3A_700 = arith.mulf %mul3A_698, %mul3A_699 : vector<8x128xf32>
      %add3A_701 = arith.addf %scan3A_615, %mul3A_700 : vector<8x128xf32>
      %eq3A_702 = vector.broadcast %reduce_min3A_628 : i32 to vector<16x128xi32>
      %eq3A_703 = arith.cmpi eq, %add3A_189, %eq3A_702 : vector<16x128xi32>
      %jit3A_704 = arith.constant -2.000000e+00 : f32
      %broadcast_in_dim3A_705 = vector.broadcast %jit3A_704 : f32 to vector<16x128xf32>
      %select_n3A_706 = arith.select %eq3A_703, %broadcast_in_dim3A_705, %scan3A_614 : vector<16x128xi1>, vector<16x128xf32>
      scf.yield %select_n3A_706, %add3A_701 : vector<16x128xf32>, vector<8x128xf32>
    }
    %scan3A_606 = arith.constant 128 : i32
    %reshape3A_607 = vector.shape_cast %scan3A_605#1 : vector<8x128xf32> to vector<1x1x8x128xf32>
    %swap3A_608 = arith.constant 0 : index
    %swap3A_609 = arith.constant 7 : index
    %swap3A_610 = arith.constant 0 : index
    %swap3A_611 = arith.constant 0 : index
    %swap3A_612 = vector.load %arg7[%swap3A_608, %swap3A_609, %swap3A_610, %swap3A_611] : memref<1x8x8x128xf32, #tpu.memory_space<vmem>>, vector<1x1x8x128xf32>
    tpu.vector_store %arg7[%swap3A_608, %swap3A_609, %swap3A_610, %swap3A_611], %reshape3A_607 {strides = array<i32>} : memref<1x8x8x128xf32, #tpu.memory_space<vmem>>, vector<1x1x8x128xf32>,
    return
  }
  func.func @transform_0(%arg0: i32) -> (i32, i32, i32) {
    %c0_i32 = arith.constant 0 : i32
    %c0_i32_0 = arith.constant 0 : i32
    %c0_i32_1 = arith.constant 0 : i32
    return %arg0, %c0_i32, %c0_i32_0 : i32, i32, i32
  }
  func.func @transform_1(%arg0: i32) -> (i32, i32, i32) {
    %c0_i32 = arith.constant 0 : i32
    %c0_i32_0 = arith.constant 0 : i32
    %c0_i32_1 = arith.constant 0 : i32
    return %arg0, %c0_i32, %c0_i32_0 : i32, i32, i32
  }
  func.func @transform_2(%arg0: i32) -> (i32, i32, i32) {
    %c0_i32 = arith.constant 0 : i32
    %c0_i32_0 = arith.constant 0 : i32
    %c0_i32_1 = arith.constant 0 : i32
    return %arg0, %c0_i32, %c0_i32_0 : i32, i32, i32
  }
  func.func @transform_3(%arg0: i32) -> (i32, i32, i32, i32) {
    %c0_i32 = arith.constant 0 : i32
    %c0_i32_0 = arith.constant 0 : i32
    %c0_i32_1 = arith.constant 0 : i32
    %c0_i32_2 = arith.constant 0 : i32
    return %arg0, %c0_i32, %c0_i32_0, %c0_i32_1 : i32, i32, i32, i32
  }
  func.func @transform_4(%arg0: i32) -> (i32, i32, i32, i32) {
    %c0_i32 = arith.constant 0 : i32
    %c0_i32_0 = arith.constant 0 : i32
    %c0_i32_1 = arith.constant 0 : i32
    %c0_i32_2 = arith.constant 0 : i32
    return %arg0, %c0_i32, %c0_i32_0, %c0_i32_1 : i32, i32, i32, i32
  }
  func.func @transform_5(%arg0: i32) -> (i32, i32, i32) {
    %c0_i32 = arith.constant 0 : i32
    %c0_i32_0 = arith.constant 0 : i32
    %c0_i32_1 = arith.constant 0 : i32
    %c0_i32_2 = arith.constant 0 : i32
    return %c0_i32, %c0_i32_0, %c0_i32_1 : i32, i32, i32
  }
  func.func @transform_6(%arg0: i32) -> (i32, i32, i32, i32) {
    %c0_i32 = arith.constant 0 : i32
    %c0_i32_0 = arith.constant 0 : i32
    %c0_i32_1 = arith.constant 0 : i32
    %c0_i32_2 = arith.constant 0 : i32
    return %arg0, %c0_i32, %c0_i32_0, %c0_i32_1 : i32, i32, i32, i32
  }
}

</mosaic_0001>

<sc_bundles>
// kernel: gather_offload_async_start.1
scs
__scs_entry_jumppad:
0x0: {  	(pc) =	sbr.rel $0x88, $3  }
0x1: {  	(tag) =	ssettag $0x0;
	lr =	simm.s32 $0x1  }
0x2: {  	[smem:$0x3F9C] =	sst lr;
	_ =	strace $0xD0000000  }
0x3: {  	_ = 	snop  }
0x4: {  	_ = 	snop  }
0x5: {  	_ = 	snop  }
0x6: {  	_ = 	snop  }
0x7: {  	_ = 	snop  }
__scs_overlays_trampoline_lowered:
0x8: {  	[smem:$0x3FAB] =	sst s0  }
0x9: {  	[smem:$0x3FAC] =	sst s1  }
0xa: {  	[smem:$0x3FAD] =	sst s2  }
0xb: {  	[smem:$0x3FAE] =	sst s3  }
0xc: {  	[smem:$0x3FAF] =	sst s4  }
0xd: {  	[smem:$0x3FB0] =	sst s5  }
0xe: {  	[smem:$0x3FB1] =	sst s6  }
0xf: {  	[smem:$0x3FB2] =	sst s7  }
0x10: {  	[smem:$0x3FB3] =	sst s8  }
0x11: {  	[smem:$0x3FB4] =	sst s9;
	s0 =	simm.s32 @!p0 $0x0  }
0x12: {  	s1 =	sld [smem:$0x3F9A];
	s0 =	simm.s32 @p0 $0x1  }
0x13: {  	[smem:$0x3FB5] =	sst s0;
	s0 =	simm.s32 @!p1 $0x0  }
0x14: {  	s2 =	sld [smem:$0x3F99];
	s0 =	simm.s32 @p1 $0x1  }
0x15: {  	[smem:$0x3FB6] =	sst s0;
	s0 =	simm.s32 @!p2 $0x0  }
0x16: {  	s3 =	sld [smem:$0x3FDB];
	s0 =	simm.s32 @p2 $0x1  }
0x17: {  	s4 =	simm.s32 $0x1BF5;
	[smem:$0x3FB8] =	sst s0  }
0x18: {  	s0 =	sld [smem:$0x3F9B];
	_ =	swait.ge [sflag:s4], $0x0  }
0x19: {  	s7 =	sld [smem:$0x3F9C]  }
0x1a: {  	s8 =	sadd.s32 $0xFFFFE003, lr  }
0x1b: {  	s9 =	sadd.s32 $0xFFFFFEF7, lr;
	s5 =	simm.s32 $0xFFFFFFFF;
	p2 =	slt.u32 s8, $0xFFFFF086  }
0x1c: {  	p1 =	slt.u32 s9, $0xF7A;
	s5 =	simm.s32 @!p2 $0x0  }
0x1d: {  	s5 =	simm.s32 @p1 $0x1;
	p0 =	seq.s32 s7, s2  }
0x1e: {  	s7 =	smul.u32 @!p0 $0xF7A, s2;
	p2 =	seq.s32 @!p0 s5, $0x0  }
0x1f: {  	s9 =	smul.u32 $0xF7A, s1;
	s8 =	simm.s32 @!p0 $0x1BF5;
	p2 =	por !p2, p0  }
0x20: {  	[sflag:s8] =	ssyncset.s32 @!p0 $0xFFFFF086;
	s6 =	sadd.s32 @!p0 s3, s7;
	s7 =	simm.s32 @!p0 $0x108  }
0x21: {  	s3 =	sadd.s32 s3, s9;
	s6 =	sadd.s32 @!p0 $0x88, s6;
	s7 =	simm.s32 @p2 $0x1082  }
0x22: {  	[simem:s7], [sflag:s8] =	dma.local @!p0 [hbm:s6], $0xF7A  }
0x23: {  	s9 =	sor.u32 $0xD0000000, s2;
	s6 =	simm.s32 $0x108;
	_ =	swait.ge @!p0 [sflag:s8], $0x0  }
0x24: {  	s3 =	sadd.s32 $0x88, s3;
	s6 =	simm.s32 @!p1 $0x1082;
	[sflag:s4] =	ssyncset.s32 $0xFFFFF086  }
0x25: {  	[simem:s6], [sflag:s4] =	dma.local [hbm:s3], $0xF7A  }
0x26: {  	[smem:$0x3F9C] =	sst s1;
	(tag) =	ssettag s2;
	_ =	strace s9  }
0x27: {  	s1 =	sld [smem:$0x3FAC]  }
0x28: {  	s2 =	sld [smem:$0x3FAD]  }
0x29: {  	s4 =	sld [smem:$0x3FAF]  }
0x2a: {  	p0 =	seq.s32 s5, $0x0;
	s5 =	sld [smem:$0x3FB0]  }
0x2b: {  	s6 =	sld [smem:$0x3FB1]  }
0x2c: {  	s7 =	sld [smem:$0x3FB2]  }
0x2d: {  	s3 =	simm.s32 $0x108;
	s8 =	sld [smem:$0x3FB3]  }
0x2e: {  	s3 =	simm.s32 @!p0 $0x1082;
	s9 =	sld [smem:$0x3FB4]  }
0x2f: {  	lr =	sadd.s32 s0, s3;
	s0 =	sld [smem:$0x3FAB]  }
0x30: {  	s3 =	sld [smem:$0x3FAE]  }
0x31: {  	[smem:$0x3FB7] =	sst s10  }
0x32: {  	s10 =	sld [smem:$0x3FB5];
	_ =	sdelay $0x3  }
0x33: {  	p0 =	seq.s32 s10, $0x1;
	s10 =	sld [smem:$0x3FB7];
	_ =	sdelay $0x3  }
0x34: {  	[smem:$0x3FB7] =	sst s10  }
0x35: {  	s10 =	sld [smem:$0x3FB6];
	_ =	sdelay $0x3  }
0x36: {  	p1 =	seq.s32 s10, $0x1;
	s10 =	sld [smem:$0x3FB7];
	_ =	sdelay $0x3  }
0x37: {  	[smem:$0x3FB7] =	sst s10  }
0x38: {  	s10 =	sld [smem:$0x3FB8]  }
0x39: {  	_ = 	snop;
	(pc) =	sbr.ind lr, $3  }
0x3a: {  	_ = 	snop  }
0x3b: {  	_ = 	snop  }
0x3c: {  	p2 =	seq.s32 s10, $0x1;
	s10 =	sld [smem:$0x3FB7]  }
0x3d: {  	_ =	shalt  }
0x3e: {  	_ =	shalt  }
0x3f: {  	_ =	shalt  }
0x40: {  	_ =	shalt  }
0x41: {  	_ =	shalt  }
0x42: {  	_ =	shalt  }
0x43: {  	_ =	shalt  }
0x44: {  	_ =	shalt  }
0x45: {  	_ =	shalt  }
0x46: {  	_ =	shalt  }
0x47: {  	_ =	shalt  }
0x48: {  	_ =	shalt  }
0x49: {  	_ =	shalt  }
0x4a: {  	_ =	shalt  }
0x4b: {  	_ =	shalt  }
0x4c: {  	_ =	shalt  }
0x4d: {  	_ =	shalt  }
0x4e: {  	_ =	shalt  }
0x4f: {  	_ =	shalt  }
0x50: {  	_ =	shalt  }
0x51: {  	_ =	shalt  }
0x52: {  	_ =	shalt  }
0x53: {  	_ =	shalt  }
0x54: {  	_ =	shalt  }
0x55: {  	_ =	shalt  }
0x56: {  	_ =	shalt  }
0x57: {  	_ =	shalt  }
0x58: {  	_ =	shalt  }
0x59: {  	_ =	shalt  }
0x5a: {  	_ =	shalt  }
0x5b: {  	_ =	shalt  }
0x5c: {  	_ =	shalt  }
0x5d: {  	_ =	shalt  }
0x5e: {  	_ =	shalt  }
0x5f: {  	_ =	shalt  }
0x60: {  	_ =	shalt  }
0x61: {  	_ =	shalt  }
0x62: {  	_ =	shalt  }
0x63: {  	_ =	shalt  }
0x64: {  	_ =	shalt  }
0x65: {  	_ =	shalt  }
0x66: {  	_ =	shalt  }
0x67: {  	_ =	shalt  }
0x68: {  	_ =	shalt  }
0x69: {  	_ =	shalt  }
0x6a: {  	_ =	shalt  }
0x6b: {  	_ =	shalt  }
0x6c: {  	_ =	shalt  }
0x6d: {  	_ =	shalt  }
0x6e: {  	_ =	shalt  }
0x6f: {  	_ =	shalt  }
0x70: {  	_ =	shalt  }
0x71: {  	_ =	shalt  }
0x72: {  	_ =	shalt  }
0x73: {  	_ =	shalt  }
0x74: {  	_ =	shalt  }
0x75: {  	_ =	shalt  }
0x76: {  	_ =	shalt  }
0x77: {  	_ =	shalt  }
0x78: {  	_ =	shalt  }
0x79: {  	_ =	shalt  }
0x7a: {  	_ =	shalt  }
0x7b: {  	_ =	shalt  }
0x7c: {  	_ =	shalt  }
0x7d: {  	_ =	shalt  }
0x7e: {  	_ =	shalt  }
0x7f: {  	_ =	shalt  }
0x80: {  	_ =	shalt  }
0x81: {  	_ =	shalt  }
0x82: {  	_ =	shalt  }
0x83: {  	_ =	shalt  }
0x84: {  	_ =	shalt  }
0x85: {  	_ =	shalt  }
0x86: {  	_ =	shalt  }
0x87: {  	_ =	shalt  }
.Lfunc_end0:
.L_simem_size_0:
called_computation.1_lowered:
.L_overlay_start_0:
0x88: {  	s2 =	sld [smem:$0x3FD9]  }
0x89: {  	s3 =	sld [smem:$0x3FFE];
	_ =	sdelay $0x1  }
0x8a: {  	s1 =	srdreg.scid  }
0x8b: {  	s0 =	sand.u32 $0x1, s1  }
0x8c: {  	s14 =	sshll.u32 s0, $0xA;
	s2 =	sadd.s32 s3, s2  }
0x8d: {  	s2 =	sadd.s32 s2, s14  }
0x8e: {  	[smem:$0x3FC3] =	sst s2  }
0x8f: {  	_ = 	snop  }
0x90: {  	s2 =	sld [smem:$0x3FD0];
	_ =	sdelay $0x2  }
0x91: {  	s15 =	simm.s32 $0xA;
	s4 =	simm.s32 $0x10  }
0x92: {  	[smem:s4], [sflag:s15] =	dma.local [hbm:s2], $0x1  }
0x93: {  	_ =	swait.eq [sflag:s15], $0x1  }
0x94: {  	[sflag:s15] =	ssyncset.done $0x0  }
0x95: {  	[sflag:s15] =	ssyncadd.s32 $0xFFFFFFFF  }
0x96: {  	s16 =	sld [smem:$0x10];
	(tm) =	ssettm $0x1  }
0x97: {  	s17 =	sld [smem:$0x3FFB];
	_ =	sdelay $0x3  }
0x98: {  	_ =	strace s17  }
0x99: {  	s3 =	sld [smem:$0x3FFC];
	_ =	sdelay $0x3  }
0x9a: {  	_ =	strace s3  }
0x9b: {  	s3 =	sld [smem:$0x3FFD];
	_ =	sdelay $0x3  }
0x9c: {  	_ =	strace s3  }
0x9d: {  	_ =	strace $0x8FFFFFFF  }
0x9e: {  	s18 =	sld [smem:$0x3FDB];
	_ =	sdelay $0x1  }
0x9f: {  	s19 =	simm.s32 $_scs_section_size  }
0xa0: {  	s5 =	simm.s32 $_size__tile_overlayer_lowered;
	s6 =	simm.s32 $_tile_overlayer_lowered  }
0xa1: {  	s22 =	simm.s32 $0x1BFF;
	s21 =	sshll.u32 s6, $0x1;
	s3 =	sadd.s32 s19, s18  }
0xa2: {  	s7 =	simm.s32 $0x0;
	s20 =	sshll.u32 s5, $0x1;
	s5 =	sadd.s32 s21, s3  }
0xa3: {  	[timem:s7], [sflag:s22] =	dma.local [hbm:s5], s20  }
0xa4: {  	_ =	swait.ge [sflag:s22], s20  }
0xa5: {  	s4 =	ssub.s32 $0x0, s20;
	[sflag:s22] =	ssyncset.done $0x0  }
0xa6: {  	[sflag:s22] =	ssyncadd.s32 s4;
	_ =	sdelay $0x1  }
0xa7: {  	s23 =	simm.s32 $0x1B8B  }
0xa8: {  	_ =	swait.ge [sflag:s23], $0x1  }
0xa9: {  	[sflag:s23] =	ssyncset.done $0x0  }
0xaa: {  	s25 =	simm.s32 $0x1B8E;
	s24 =	sld [smem:$0x3FFE];
	[sflag:s23] =	ssyncadd.s32 $0xFFFFFFFF  }
0xab: {  	s26 =	simm.s32 $execute0_lowered;
	[smem:$0x3FD2] =	sst s25  }
0xac: {  	s5 =	sshll.u32 s26, $0x1;
	_ =	strace $0x80000049;
	[dreg:$0x1] =	wrdreg $0xFFFFFFFF  }
0xad: {  	s28 =	simm.s32 $_size_execute0_lowered;
	s3 =	sadd.s32 s3, s5;
	[dreg:$0x0] =	wrdreg $0x0  }
0xae: {  	s5 =	sshll.u32 s28, $0x1;
	[dreg:$0x2] =	wrdreg s3  }
0xaf: {  	[dreg:$0x3] =	wrdreg s5  }
0xb0: {  	[dreg:$0x4] =	wrdreg $0xC0  }
0xb1: {  	_ =	task [dreg:s7], $0x5FFFF  }
0xb2: {  	[dreg:$0x1] =	wrdreg $0xFFFFFFFF  }
0xb3: {  	[dreg:$0x0] =	wrdreg $0x60  }
0xb4: {  	[dreg:$0x2] =	wrdreg s24  }
0xb5: {  	[dreg:$0x3] =	wrdreg s16  }
0xb6: {  	[dreg:$0x4] =	wrdreg $0x9  }
0xb7: {  	_ =	task.clear_ibuf [dreg:s7], $0x5FFFF;
	_ =	strace $0x90000049  }
0xb8: {  	s29 =	simm.s32 $0x9;
	_ =	strace $0x8000004B  }
0xb9: {  	_ =	swait.ge [sflag:s29], $0x1  }
0xba: {  	[sflag:s29] =	ssyncadd.s32 $0xFFFFFFFF  }
0xbb: {  	_ =	strace $0x9000004B  }
0xbc: {  	_ =	sfence  }
0xbd: {  	s30 =	sld [smem:$0x0];
	_ =	sdelay $0x2  }
0xbe: {  	s31 =	sshll.u32 s1, $0xD;
	s1 =	sshrl.u32 s1, $0x2  }
0xbf: {  	s3 =	sand.u32 $0x4000, s31;
	s1 =	sadd.s32 s1, s30  }
0xc0: {  	s0 =	sor.u32 s3, s0;
	s1 =	sshll.u32 s1, $0x11  }
0xc1: {  	s0 =	sor.u32 s1, s0  }
0xc2: {  	s0 =	sadd.s32 $0x8F2B, s0  }
0xc3: {  	[sflag:s0] =	ssyncadd.remote.s32 $0x1  }
0xc4: {  	_ =	sfence.sel $0xFFFF  }
0xc5: {  	[dreg:$0x0] =	wrdreg $0xFFFFFFFF;
	(pc) =	sbr.abs _section_cstart, $3  }
0xc6: {  	[dreg:$0x1] =	wrdreg $0xFFFFFFFF  }
0xc7: {  	_ =	task.clear_ibuf [dreg:s7], $0x2FFFF;
	_ =	strace $0x9FFFFFFF  }
0xc8: {  	(tm) =	ssettm $0x7FFFFFFF  }
0xc9: {  	_ =	shalt  }
tec
execute0_lowered:
.L_overlay_start_1:
0x0: {  	(tag) =	ssettag $0x1  }
0x1: {  	s2 =	rddreg [dreg:$0x0]  }
0x2: {  	s0 =	stileid.u32;
	s1 =	srdreg.scid  }
0x3: {  	s3 =	rddreg [dreg:$0x1];
	s8 =	simm.s32 $0x1;
	s9 =	simm.s32 $0x3  }
0x4: {  	s10 =	simm.s32 $0x0;
	s4 =	sand.u32 $0x1, s1;
	s5 =	sshll.u32 s0, $0x1  }
0x5: {  	s13 =	simm.s32 $0x0;
	s12 =	simm.s32 $0x0;
	s6 =	sor.u32 s5, s4  }
0x6: {  	s1 =	rddreg [dreg:$0x2];
	_ =	strace $0x8000004A;
	s4 =	smul.u32 $0x50, s6  }
0x7: {  	s5 =	simm.s32 $0x1;
	p0 =	slt.u32 s6, $0x13;
	s6 =	simm.s32 $0xA00  }
.Ltmp0:
0x8: {  	s6 =	simm.s32 @!p0 $0x0;
	s7 =	ssub.s32 $0xFA0, s4;
	(pc) =	sbr.rel .LBB2_1-.Ltmp0, $4  }
0x9: {  	s8 =	simm.s32 @!p0 $0x0;
	p0 =	sne.s32 s7, s6;
	s7 =	simm.s32 $0x1  }
0xa: {  	[sflag:s5] =	ssyncpa.u1 $0x0;
	s6 =	simm.s32 $0x2;
	s7 =	simm.s32 @!p0 $0x0  }
0xb: {  	s11 =	smov.u32 s4;
	[sflag:s6] =	ssyncpa.u1 $0x0;
	s7 =	sadd.s32 s8, s7  }
0xc: {  	vm0 =	vmmov $0xffff;
	s8 =	sadd.s32 $0x40000, s2;
	[sflag:s9] =	ssyncpa.u1 $0x0;
	s9 =	sadd.s32 $0x1, s7  }
.LBB2_4:
0xd: {  	v5 =	vld.msk [tilespmem:s18+$0x0 ss:$0x1], $0xffff  }
0xe: {  	v6 =	vand.u32 $0x1, v1;
	v7 =	vshrl.u32 v1, $0x1  }
0xf: {  	v3 =	vor.u32 v4, v3;
	vm1 =	veq.s32 v1, $0x80000000;
	v53 =	vand.u32 $0x7FF, v7  }
0x10: {  	v2 =	vor.u32 v2, v3;
	v54 =	vsel vm1, $0xFFFFFFFF, v6;
	v1 =	vsel vm1, $0xFFFFFFFF, v53  }
0x11: {  	v6 =	vshll.u32 v54, $0x7;
	v3 =	vand.u32 $0xFFFFF000, v54;
	v55 =	vand.u32 $0x7F, v1  }
0x12: {  	v1 =	vshll.u32 v1, $0x1;
	v6 =	vand.u32 $0x80, v6;
	v56 =	vshrl.u32 v5, $0x1  }
0x13: {  	v1 =	vand.u32 $0xFFFFFF00, v1;
	vm1 =	veq.s32 v5, $0x80000000;
	v57 =	vand.u32 $0x7FF, v56  }
0x14: {  	v1 =	vadd.s32 v3, v1;
	v5 =	vand.u32 $0x1, v5;
	v3 =	vsel vm1, $0xFFFFFFFF, v57  }
0x15: {  	v1 =	vor.u32 v6, v1;
	v5 =	vsel vm1, $0xFFFFFFFF, v5;
	v58 =	vshll.u32 v3, $0x1  }
0x16: {  	v59 =	vshll.u32 v5, $0x7;
	v5 =	vand.u32 $0xFFFFF000, v5;
	v6 =	vand.u32 $0xFFFFFF00, v58  }
0x17: {  	v1 =	vor.u32 v55, v1;
	v61 =	vand.u32 $0x80, v59;
	v60 =	vadd.s32 v5, v6  }
0x18: {  	[tilespmem:s16], [sflag:$0x1] =	stream.indirect_vreg.gather [hbm4b:s8+s10], $0x1, v0, vm0, $0x4038;
	v62 =	vand.u32 $0x7F, v3;
	v63 =	vor.u32 v61, v60;
	[tilespmem:$0x140] =	vst v63  }
0x19: {  	(ifvalue) =	ssetifvalue $0x7FFFFFFF;
	v0 =	vor.u32 v62, v63  }
0x1a: {  	[tilespmem:s15], [sflag:$0x1] =	stream.indirect_vreg.gather [hbm4b:s8+s10], $0x1, v2, vm0, $0x4038;
	[tilespmem:$0x140] =	vst v63  }
0x1b: {  	s29 =	sadd.s32 $0x10, s15;
	(ifvalue) =	ssetifvalue $0x7FFFFFFF  }
0x1c: {  	[tilespmem:s29], [sflag:$0x1] =	stream.indirect_vreg.gather [hbm4b:s8+s10], $0x1, v1, vm0, $0x4038;
	[tilespmem:$0x140] =	vst v63  }
0x1d: {  	s15 =	sadd.s32 $0x10, s29;
	(ifvalue) =	ssetifvalue $0x7FFFFFFF  }
0x1e: {  	[tilespmem:s15], [sflag:$0x1] =	stream.indirect_vreg.gather [hbm4b:s8+s10], $0x1, v0, vm0, $0x4038;
	[tilespmem:$0x140] =	vst v63  }
0x1f: {  	_ =	swait.ge [sflag:s5], $0x50  }
0x20: {  	s30 =	sshrl.u32 s13, $0x3;
	[sflag:s5] =	ssyncset.done $0x0  }
0x21: {  	s31 =	sand.u32 $0x7, s13;
	s15 =	sadd.s32 s2, s30;
	[sflag:s5] =	ssyncadd.s32 $0xFFFFFFB0  }
0x22: {  	[hbm4b:s15+s31] =	stream.linear.scatter [tilespmem:s14], [sflag:$0x3], $0x50, $0x38;
	[tilespmem:$0x140] =	vst v63  }
.LBB2_5:
0x23: {  	s15 =	sadd.s32 $0xA00, s11  }
0x24: {  	p1 =	sgt.s32 s15, $0xF9F  }
0x25: {  	s15 =	smov.u32 @p1 s4;
	p1 =	sne.s32 s12, s9  }
.Ltmp1:
0x26: {  	p0 =	slt.u32 s12, $0x2;
	(pc) =	sbr.rel @!p1 .LBB2_6-.Ltmp1, $4  }
0x27: {  	s14 =	simm.s32 @!p0 $0x3  }
0x28: {  	_ =	swait.ge @!p0 [sflag:s14], $0x50  }
0x29: {  	s16 =	sadd.s32 $0x1, s12;
	s13 =	smov.u32 s11;
	[sflag:s14] =	ssyncset.done @!p0 $0x0  }
0x2a: {  	s12 =	smov.u32 s16;
	s11 =	smov.u32 s15;
	[sflag:s14] =	ssyncadd.s32 @!p0 $0xFFFFFFB0  }
.LBB2_1:
0x2b: {  	p0 =	sge.u32 s12, s7  }
0x2c: {  	s14 =	sxor.u32 @!p0 $0x1, s12  }
0x2d: {  	s14 =	smul.u32 @!p0 $0x140, s14  }
0x2e: {  	s31 =	sadd.s32 $0xFFFFFFFF, s12;
	s15 =	sshrl.u32 @!p0 s11, $0x3  }
0x2f: {  	s16 =	sand.u32 @!p0 $0x7, s11;
	s15 =	sadd.s32 @!p0 s3, s15;
	s14 =	sshra.s32 @!p0 s14, $0x2  }
0x30: {  	[tilespmem:s14], [sflag:$0x2] =	stream.linear.gather @!p0 [hbm4b:s15+s16], $0x50, $0x38;
	[tilespmem:$0x140] =	vst v63  }
0x31: {  	p0 =	sge.u32 s31, s7  }
.Ltmp2:
0x32: {  	_ = 	snop;
	(pc) =	sbr.rel @p0 .LBB2_5-.Ltmp2, $1  }
0x33: {  	_ =	sdelay $0x3  }
0x34: {  	s14 =	sand.u32 $0x1, s12  }
0x35: {  	_ =	swait.ge [sflag:s6], $0x50;
	p0 =	seq.s32 s14, $0x1;
	s14 =	simm.s32 $0x50  }
0x36: {  	[sflag:s6] =	ssyncset.done $0x0;
	s14 =	simm.s32 @!p0 $0x0  }
0x37: {  	[sflag:s6] =	ssyncadd.s32 $0xFFFFFFB0;
	(ifvalue) =	ssetifvalue $0x7FFFFFFF;
	v0 =	vld.msk [tilespmem:s14+$0x0 ss:$0x1], $0xffff;
	_ =	sdelay $0x4  }
0x38: {  	s15 =	sadd.s32 $0x10, s14;
	v2 =	vshrl.u32 v0, $0x1  }
0x39: {  	v1 =	vld.msk [tilespmem:s15+$0x0 ss:$0x1], $0xffff;
	vm1 =	veq.s32 v0, $0x80000000;
	v2 =	vand.u32 $0x7FF, v2  }
0x3a: {  	v0 =	vand.u32 $0x1, v0;
	v2 =	vsel vm1, $0xFFFFFFFF, v2  }
0x3b: {  	v0 =	vsel vm1, $0xFFFFFFFF, v0;
	v3 =	vshll.u32 v2, $0x1  }
0x3c: {  	v4 =	vand.u32 $0xFFFFF000, v0;
	v0 =	vshll.u32 v0, $0x7;
	v3 =	vand.u32 $0xFFFFFF00, v3  }
0x3d: {  	v0 =	vand.u32 $0x80, v0;
	v3 =	vadd.s32 v4, v3  }
0x3e: {  	v2 =	vand.u32 $0x7F, v2;
	v4 =	vshrl.u32 v1, $0x1;
	v0 =	vor.u32 v0, v3  }
0x3f: {  	vm1 =	veq.s32 v1, $0x80000000;
	v4 =	vand.u32 $0x7FF, v4;
	v0 =	vor.u32 v2, v0  }
0x40: {  	s15 =	sadd.s32 $0x10, s15;
	v1 =	vand.u32 $0x1, v1;
	v3 =	vsel vm1, $0xFFFFFFFF, v4  }
0x41: {  	s14 =	sor.u32 $0xA0, s14;
	v2 =	vsel vm1, $0xFFFFFFFF, v1;
	v1 =	vld.msk [tilespmem:s15+$0x0 ss:$0x1], $0xffff;
	v4 =	vshll.u32 v3, $0x1  }
0x42: {  	s17 =	simm.s32 $0x30;
	s16 =	smov.u32 s14;
	v5 =	vshll.u32 v2, $0x7;
	v6 =	vand.u32 $0xFFFFF000, v2;
	v4 =	vand.u32 $0xFFFFFF00, v4  }
0x43: {  	s18 =	sadd.s32 $0x10, s15;
	(ifvalue) =	ssetifvalue $0x7FFFFFFF;
	s15 =	sadd.s32 $0x10, s14;
	v2 =	vand.u32 $0x7F, v3;
	v3 =	vadd.s32 v6, v4;
	v4 =	vand.u32 $0x80, v5  }
.LBB2_3:
0x44: {  	[tilespmem:s16], [sflag:$0x1] =	stream.indirect_vreg.gather [hbm4b:s8+s10], $0x1, v0, vm0, $0x4038;
	[tilespmem:$0x140] =	vst v63  }
0x45: {  	s17 =	sadd.s32 $0x10, s17  }
0x46: {  	v5 =	vand.u32 $0x1, v1;
	v6 =	vshrl.u32 v1, $0x1;
	v3 =	vor.u32 v4, v3;
	v0 =	vmovc v1;
	v1 =	vld.msk [tilespmem:s18+$0x0 ss:$0x1], $0xffff;
	p0 =	slt.u32 s17, $0x40  }
.Ltmp3:
0x47: {  	s16 =	smov.u32 s15;
	vm1 =	veq.s32 v0, $0x80000000;
	v4 =	vand.u32 $0x7FF, v6;
	v0 =	vor.u32 v2, v3;
	(pc) =	sbr.rel @p0 .LBB2_3-.Ltmp3, $4  }
0x48: {  	v3 =	vsel vm1, $0xFFFFFFFF, v5;
	v4 =	vsel vm1, $0xFFFFFFFF, v4  }
0x49: {  	v2 =	vand.u32 $0x7F, v4;
	v4 =	vshll.u32 v4, $0x1;
	v5 =	vshll.u32 v3, $0x7  }
0x4a: {  	v3 =	vand.u32 $0xFFFFF000, v3;
	v4 =	vand.u32 $0xFFFFFF00, v4  }
0x4b: {  	s18 =	sadd.s32 $0x10, s18;
	s15 =	sadd.s32 $0x10, s15;
	v3 =	vadd.s32 v3, v4;
	v4 =	vand.u32 $0x80, v5;
	(ifvalue) =	ssetifvalue $0x7FFFFFFF  }
.Ltmp4:
0x4c: {  	_ = 	snop;
	(pc) =	sbr.rel .LBB2_4-.Ltmp4, $1  }
0x4d: {  	_ =	sdelay $0x3  }
.LBB2_6:
0x4e: {  	_ =	sfence.sel $0x180000  }
0x4f: {  	s2 =	simm.s32 $0x2;
	[bflag:$0x0] =	sbarrier.arrive $0xFFFF  }
0x50: {  	s30 =	simm.s32 $0x3;
	[sflag:s2] =	ssyncpa.u1 $0x1  }
0x51: {  	s31 =	simm.s32 $0x1;
	[sflag:s30] =	ssyncpa.u1 $0x1  }
0x52: {  	[sflag:s31] =	ssyncpa.u1 $0x1  }
0x53: {  	p0 =	sne.s32 s0, $0x0;
	_ =	strace $0x9000004A  }
0x54: {  	s0 =	sadd.s32 @!p0 $0x100000, s1;
	[bflag:$0x2] =	sbarrier.arrive $0xFFFF  }
0x55: {  	[sflag:s0] =	ssyncadd.tile.s32 @!p0 $0x1;
	_ =	shalt  }
.Lfunc_end2:
_tile_overlayer_lowered:
.L_overlay_start_2:
0x56: {  	(tag) =	ssettag $0x2  }
0x57: {  	s0 =	rddreg [dreg:$0x0];
	s2 =	stileid.u32  }
0x58: {  	s1 =	rddreg [dreg:$0x1];
	p0 =	sne.s32 s2, $0x0  }
0x59: {  	s3 =	rddreg [dreg:$0x2];
	[bflag:$0x3] =	sbarrier.arrive $0xFFFF;
	s2 =	simm.s32 @!p0 $0x1C01  }
0x5a: {  	[timem:s3], [sflag:s2] =	dma.local @!p0 [hbm:s0], s1  }
0x5b: {  	s0 =	simm.s32 @!p0 $0x1  }
0x5c: {  	_ =	swait.ge @!p0 [sflag:s0], s1  }
0x5d: {  	s1 =	ssub.s32 @!p0 $0x0, s1;
	[sflag:s0] =	ssyncset.done @!p0 $0x0  }
0x5e: {  	[sflag:s0] =	ssyncadd.s32 @!p0 s1  }
0x5f: {  	[bflag:$0x3] =	sbarrier.arrive $0xFFFF  }
0x60: {  	_ =	shalt  }

// kernel: gather_offload_async_start
scs
__scs_entry_jumppad:
0x0: {  	(pc) =	sbr.rel $0x88, $3  }
0x1: {  	(tag) =	ssettag $0x0;
	lr =	simm.s32 $0x1  }
0x2: {  	[smem:$0x3F9C] =	sst lr;
	_ =	strace $0xD0000000  }
0x3: {  	_ = 	snop  }
0x4: {  	_ = 	snop  }
0x5: {  	_ = 	snop  }
0x6: {  	_ = 	snop  }
0x7: {  	_ = 	snop  }
__scs_overlays_trampoline_lowered:
0x8: {  	[smem:$0x3FAB] =	sst s0  }
0x9: {  	[smem:$0x3FAC] =	sst s1  }
0xa: {  	[smem:$0x3FAD] =	sst s2  }
0xb: {  	[smem:$0x3FAE] =	sst s3  }
0xc: {  	[smem:$0x3FAF] =	sst s4  }
0xd: {  	[smem:$0x3FB0] =	sst s5  }
0xe: {  	[smem:$0x3FB1] =	sst s6  }
0xf: {  	[smem:$0x3FB2] =	sst s7  }
0x10: {  	[smem:$0x3FB3] =	sst s8  }
0x11: {  	[smem:$0x3FB4] =	sst s9;
	s0 =	simm.s32 @!p0 $0x0  }
0x12: {  	s1 =	sld [smem:$0x3F9A];
	s0 =	simm.s32 @p0 $0x1  }
0x13: {  	[smem:$0x3FB5] =	sst s0;
	s0 =	simm.s32 @!p1 $0x0  }
0x14: {  	s2 =	sld [smem:$0x3F99];
	s0 =	simm.s32 @p1 $0x1  }
0x15: {  	[smem:$0x3FB6] =	sst s0;
	s0 =	simm.s32 @!p2 $0x0  }
0x16: {  	s3 =	sld [smem:$0x3FDB];
	s0 =	simm.s32 @p2 $0x1  }
0x17: {  	s4 =	simm.s32 $0x1BF5;
	[smem:$0x3FB8] =	sst s0  }
0x18: {  	s0 =	sld [smem:$0x3F9B];
	_ =	swait.ge [sflag:s4], $0x0  }
0x19: {  	s7 =	sld [smem:$0x3F9C]  }
0x1a: {  	s8 =	sadd.s32 $0xFFFFE003, lr  }
0x1b: {  	s9 =	sadd.s32 $0xFFFFFEF7, lr;
	s5 =	simm.s32 $0xFFFFFFFF;
	p2 =	slt.u32 s8, $0xFFFFF086  }
0x1c: {  	p1 =	slt.u32 s9, $0xF7A;
	s5 =	simm.s32 @!p2 $0x0  }
0x1d: {  	s5 =	simm.s32 @p1 $0x1;
	p0 =	seq.s32 s7, s2  }
0x1e: {  	s7 =	smul.u32 @!p0 $0xF7A, s2;
	p2 =	seq.s32 @!p0 s5, $0x0  }
0x1f: {  	s9 =	smul.u32 $0xF7A, s1;
	s8 =	simm.s32 @!p0 $0x1BF5;
	p2 =	por !p2, p0  }
0x20: {  	[sflag:s8] =	ssyncset.s32 @!p0 $0xFFFFF086;
	s6 =	sadd.s32 @!p0 s3, s7;
	s7 =	simm.s32 @!p0 $0x108  }
0x21: {  	s3 =	sadd.s32 s3, s9;
	s6 =	sadd.s32 @!p0 $0x88, s6;
	s7 =	simm.s32 @p2 $0x1082  }
0x22: {  	[simem:s7], [sflag:s8] =	dma.local @!p0 [hbm:s6], $0xF7A  }
0x23: {  	s9 =	sor.u32 $0xD0000000, s2;
	s6 =	simm.s32 $0x108;
	_ =	swait.ge @!p0 [sflag:s8], $0x0  }
0x24: {  	s3 =	sadd.s32 $0x88, s3;
	s6 =	simm.s32 @!p1 $0x1082;
	[sflag:s4] =	ssyncset.s32 $0xFFFFF086  }
0x25: {  	[simem:s6], [sflag:s4] =	dma.local [hbm:s3], $0xF7A  }
0x26: {  	[smem:$0x3F9C] =	sst s1;
	(tag) =	ssettag s2;
	_ =	strace s9  }
0x27: {  	s1 =	sld [smem:$0x3FAC]  }
0x28: {  	s2 =	sld [smem:$0x3FAD]  }
0x29: {  	s4 =	sld [smem:$0x3FAF]  }
0x2a: {  	p0 =	seq.s32 s5, $0x0;
	s5 =	sld [smem:$0x3FB0]  }
0x2b: {  	s6 =	sld [smem:$0x3FB1]  }
0x2c: {  	s7 =	sld [smem:$0x3FB2]  }
0x2d: {  	s3 =	simm.s32 $0x108;
	s8 =	sld [smem:$0x3FB3]  }
0x2e: {  	s3 =	simm.s32 @!p0 $0x1082;
	s9 =	sld [smem:$0x3FB4]  }
0x2f: {  	lr =	sadd.s32 s0, s3;
	s0 =	sld [smem:$0x3FAB]  }
0x30: {  	s3 =	sld [smem:$0x3FAE]  }
0x31: {  	[smem:$0x3FB7] =	sst s10  }
0x32: {  	s10 =	sld [smem:$0x3FB5];
	_ =	sdelay $0x3  }
0x33: {  	p0 =	seq.s32 s10, $0x1;
	s10 =	sld [smem:$0x3FB7];
	_ =	sdelay $0x3  }
0x34: {  	[smem:$0x3FB7] =	sst s10  }
0x35: {  	s10 =	sld [smem:$0x3FB6];
	_ =	sdelay $0x3  }
0x36: {  	p1 =	seq.s32 s10, $0x1;
	s10 =	sld [smem:$0x3FB7];
	_ =	sdelay $0x3  }
0x37: {  	[smem:$0x3FB7] =	sst s10  }
0x38: {  	s10 =	sld [smem:$0x3FB8]  }
0x39: {  	_ = 	snop;
	(pc) =	sbr.ind lr, $3  }
0x3a: {  	_ = 	snop  }
0x3b: {  	_ = 	snop  }
0x3c: {  	p2 =	seq.s32 s10, $0x1;
	s10 =	sld [smem:$0x3FB7]  }
0x3d: {  	_ =	shalt  }
0x3e: {  	_ =	shalt  }
0x3f: {  	_ =	shalt  }
0x40: {  	_ =	shalt  }
0x41: {  	_ =	shalt  }
0x42: {  	_ =	shalt  }
0x43: {  	_ =	shalt  }
0x44: {  	_ =	shalt  }
0x45: {  	_ =	shalt  }
0x46: {  	_ =	shalt  }
0x47: {  	_ =	shalt  }
0x48: {  	_ =	shalt  }
0x49: {  	_ =	shalt  }
0x4a: {  	_ =	shalt  }
0x4b: {  	_ =	shalt  }
0x4c: {  	_ =	shalt  }
0x4d: {  	_ =	shalt  }
0x4e: {  	_ =	shalt  }
0x4f: {  	_ =	shalt  }
0x50: {  	_ =	shalt  }
0x51: {  	_ =	shalt  }
0x52: {  	_ =	shalt  }
0x53: {  	_ =	shalt  }
0x54: {  	_ =	shalt  }
0x55: {  	_ =	shalt  }
0x56: {  	_ =	shalt  }
0x57: {  	_ =	shalt  }
0x58: {  	_ =	shalt  }
0x59: {  	_ =	shalt  }
0x5a: {  	_ =	shalt  }
0x5b: {  	_ =	shalt  }
0x5c: {  	_ =	shalt  }
0x5d: {  	_ =	shalt  }
0x5e: {  	_ =	shalt  }
0x5f: {  	_ =	shalt  }
0x60: {  	_ =	shalt  }
0x61: {  	_ =	shalt  }
0x62: {  	_ =	shalt  }
0x63: {  	_ =	shalt  }
0x64: {  	_ =	shalt  }
0x65: {  	_ =	shalt  }
0x66: {  	_ =	shalt  }
0x67: {  	_ =	shalt  }
0x68: {  	_ =	shalt  }
0x69: {  	_ =	shalt  }
0x6a: {  	_ =	shalt  }
0x6b: {  	_ =	shalt  }
0x6c: {  	_ =	shalt  }
0x6d: {  	_ =	shalt  }
0x6e: {  	_ =	shalt  }
0x6f: {  	_ =	shalt  }
0x70: {  	_ =	shalt  }
0x71: {  	_ =	shalt  }
0x72: {  	_ =	shalt  }
0x73: {  	_ =	shalt  }
0x74: {  	_ =	shalt  }
0x75: {  	_ =	shalt  }
0x76: {  	_ =	shalt  }
0x77: {  	_ =	shalt  }
0x78: {  	_ =	shalt  }
0x79: {  	_ =	shalt  }
0x7a: {  	_ =	shalt  }
0x7b: {  	_ =	shalt  }
0x7c: {  	_ =	shalt  }
0x7d: {  	_ =	shalt  }
0x7e: {  	_ =	shalt  }
0x7f: {  	_ =	shalt  }
0x80: {  	_ =	shalt  }
0x81: {  	_ =	shalt  }
0x82: {  	_ =	shalt  }
0x83: {  	_ =	shalt  }
0x84: {  	_ =	shalt  }
0x85: {  	_ =	shalt  }
0x86: {  	_ =	shalt  }
0x87: {  	_ =	shalt  }
.Lfunc_end0:
.L_simem_size_0:
called_computation_lowered:
.L_overlay_start_0:
0x88: {  	s2 =	sld [smem:$0x3FD9]  }
0x89: {  	s3 =	sld [smem:$0x3FFE];
	_ =	sdelay $0x1  }
0x8a: {  	s1 =	srdreg.scid  }
0x8b: {  	s0 =	sand.u32 $0x1, s1  }
0x8c: {  	s14 =	sshll.u32 s0, $0xA;
	s2 =	sadd.s32 s3, s2  }
0x8d: {  	s2 =	sadd.s32 s2, s14  }
0x8e: {  	[smem:$0x3FC3] =	sst s2  }
0x8f: {  	_ = 	snop  }
0x90: {  	s2 =	sld [smem:$0x3FD0];
	_ =	sdelay $0x2  }
0x91: {  	s15 =	simm.s32 $0xA;
	s4 =	simm.s32 $0x10  }
0x92: {  	[smem:s4], [sflag:s15] =	dma.local [hbm:s2], $0x1  }
0x93: {  	_ =	swait.eq [sflag:s15], $0x1  }
0x94: {  	[sflag:s15] =	ssyncset.done $0x0  }
0x95: {  	[sflag:s15] =	ssyncadd.s32 $0xFFFFFFFF  }
0x96: {  	s16 =	sld [smem:$0x10];
	(tm) =	ssettm $0x1  }
0x97: {  	s17 =	sld [smem:$0x3FFB];
	_ =	sdelay $0x3  }
0x98: {  	_ =	strace s17  }
0x99: {  	s3 =	sld [smem:$0x3FFC];
	_ =	sdelay $0x3  }
0x9a: {  	_ =	strace s3  }
0x9b: {  	s3 =	sld [smem:$0x3FFD];
	_ =	sdelay $0x3  }
0x9c: {  	_ =	strace s3  }
0x9d: {  	_ =	strace $0x8FFFFFFF  }
0x9e: {  	s18 =	sld [smem:$0x3FDB];
	_ =	sdelay $0x1  }
0x9f: {  	s19 =	simm.s32 $_scs_section_size  }
0xa0: {  	s5 =	simm.s32 $_size__tile_overlayer_lowered;
	s6 =	simm.s32 $_tile_overlayer_lowered  }
0xa1: {  	s22 =	simm.s32 $0x1BFF;
	s21 =	sshll.u32 s6, $0x1;
	s3 =	sadd.s32 s19, s18  }
0xa2: {  	s7 =	simm.s32 $0x0;
	s20 =	sshll.u32 s5, $0x1;
	s5 =	sadd.s32 s21, s3  }
0xa3: {  	[timem:s7], [sflag:s22] =	dma.local [hbm:s5], s20  }
0xa4: {  	_ =	swait.ge [sflag:s22], s20  }
0xa5: {  	s4 =	ssub.s32 $0x0, s20;
	[sflag:s22] =	ssyncset.done $0x0  }
0xa6: {  	[sflag:s22] =	ssyncadd.s32 s4;
	_ =	sdelay $0x1  }
0xa7: {  	s23 =	simm.s32 $0x1B8B  }
0xa8: {  	_ =	swait.ge [sflag:s23], $0x1  }
0xa9: {  	[sflag:s23] =	ssyncset.done $0x0  }
0xaa: {  	s25 =	simm.s32 $0x1B8E;
	s24 =	sld [smem:$0x3FFE];
	[sflag:s23] =	ssyncadd.s32 $0xFFFFFFFF  }
0xab: {  	s26 =	simm.s32 $execute0_lowered;
	[smem:$0x3FD2] =	sst s25  }
0xac: {  	s5 =	sshll.u32 s26, $0x1;
	_ =	strace $0x80000046;
	[dreg:$0x1] =	wrdreg $0xFFFFFFFF  }
0xad: {  	s28 =	simm.s32 $_size_execute0_lowered;
	s3 =	sadd.s32 s3, s5;
	[dreg:$0x0] =	wrdreg $0x0  }
0xae: {  	s5 =	sshll.u32 s28, $0x1;
	[dreg:$0x2] =	wrdreg s3  }
0xaf: {  	[dreg:$0x3] =	wrdreg s5  }
0xb0: {  	[dreg:$0x4] =	wrdreg $0xC0  }
0xb1: {  	_ =	task [dreg:s7], $0x5FFFF  }
0xb2: {  	[dreg:$0x1] =	wrdreg $0xFFFFFFFF  }
0xb3: {  	[dreg:$0x0] =	wrdreg $0x60  }
0xb4: {  	[dreg:$0x2] =	wrdreg s24  }
0xb5: {  	[dreg:$0x3] =	wrdreg s16  }
0xb6: {  	[dreg:$0x4] =	wrdreg $0x9  }
0xb7: {  	_ =	task.clear_ibuf [dreg:s7], $0x5FFFF;
	_ =	strace $0x90000046  }
0xb8: {  	s29 =	simm.s32 $0x9;
	_ =	strace $0x80000048  }
0xb9: {  	_ =	swait.ge [sflag:s29], $0x1  }
0xba: {  	[sflag:s29] =	ssyncadd.s32 $0xFFFFFFFF  }
0xbb: {  	_ =	strace $0x90000048  }
0xbc: {  	_ =	sfence  }
0xbd: {  	s30 =	sld [smem:$0x0];
	_ =	sdelay $0x2  }
0xbe: {  	s31 =	sshll.u32 s1, $0xD;
	s1 =	sshrl.u32 s1, $0x2  }
0xbf: {  	s3 =	sand.u32 $0x4000, s31;
	s1 =	sadd.s32 s1, s30  }
0xc0: {  	s0 =	sor.u32 s3, s0;
	s1 =	sshll.u32 s1, $0x11  }
0xc1: {  	s0 =	sor.u32 s1, s0  }
0xc2: {  	s0 =	sadd.s32 $0x8F2B, s0  }
0xc3: {  	[sflag:s0] =	ssyncadd.remote.s32 $0x1  }
0xc4: {  	_ =	sfence.sel $0xFFFF  }
0xc5: {  	[dreg:$0x0] =	wrdreg $0xFFFFFFFF;
	(pc) =	sbr.abs _section_cstart, $3  }
0xc6: {  	[dreg:$0x1] =	wrdreg $0xFFFFFFFF  }
0xc7: {  	_ =	task.clear_ibuf [dreg:s7], $0x2FFFF;
	_ =	strace $0x9FFFFFFF  }
0xc8: {  	(tm) =	ssettm $0x7FFFFFFF  }
0xc9: {  	_ =	shalt  }
tec
execute0_lowered:
.L_overlay_start_1:
0x0: {  	(tag) =	ssettag $0x1  }
0x1: {  	s2 =	rddreg [dreg:$0x0]  }
0x2: {  	s3 =	rddreg [dreg:$0x1]  }
0x3: {  	s0 =	rddreg [dreg:$0x2];
	s1 =	srdreg.scid;
	_ =	strace $0x80000047  }
0x4: {  	s4 =	simm.s32 $0x1;
	s9 =	simm.s32 $0x3;
	s5 =	sshll.u32 s1, $0x4  }
.Ltmp0:
0x5: {  	s1 =	stileid.u32;
	s5 =	sand.u32 $0x10, s5;
	(pc) =	sbr.rel .LBB2_1-.Ltmp0, $4  }
0x6: {  	s12 =	simm.s32 $0x0;
	s10 =	simm.s32 $0x0;
	s6 =	sor.u32 s1, s5  }
0x7: {  	[sflag:s4] =	ssyncpa.u1 $0x0;
	s5 =	simm.s32 $0x2;
	s6 =	sshll.u32 s6, $0x7  }
0x8: {  	s7 =	sadd.s32 $0x40200, s2;
	[sflag:s5] =	ssyncpa.u1 $0x0;
	s8 =	sadd.s32 $0x80, s6  }
0x9: {  	vm0 =	vmmov $0xff;
	vm1 =	vcmask $0x3F20;
	[sflag:s9] =	ssyncpa.u1 $0x0;
	s9 =	simm.s32 $0x80;
	s11 =	smov.u32 s6  }
.LBB2_9:
0xa: {  	p0 =	seq.s32 s10, $0x2  }
.Ltmp1:
0xb: {  	_ = 	snop;
	(pc) =	sbr.rel @p0 .LBB2_11-.Ltmp1, $1  }
0xc: {  	_ =	sdelay $0x3  }
.LBB2_10:
0xd: {  	s12 =	sadd.s32 $0x80, s11  }
0xe: {  	s13 =	smov.u32 s6;
	p0 =	slt.s32 s12, s8  }
0xf: {  	s13 =	smov.u32 @p0 s12  }
0x10: {  	s10 =	sadd.s32 $0x1, s10;
	s12 =	smov.u32 s11;
	s11 =	smov.u32 s13  }
.LBB2_1:
0x11: {  	p0 =	sne.s32 s10, $0x0  }
.Ltmp2:
0x12: {  	_ = 	snop;
	(pc) =	sbr.rel @!p0 .LBB2_2-.Ltmp2, $1  }
0x13: {  	_ =	sdelay $0x3  }
0x14: {  	s13 =	sand.u32 $0x1, s10  }
0x15: {  	p0 =	seq.s32 s13, $0x0  }
.Ltmp3:
0x16: {  	_ = 	snop;
	(pc) =	sbr.rel @p0 .LBB2_9-.Ltmp3, $1  }
0x17: {  	_ =	sdelay $0x3  }
0x18: {  	_ =	swait.ge [sflag:s5], $0x80  }
0x19: {  	[sflag:s5] =	ssyncset.done $0x0  }
0x1a: {  	s13 =	simm.s32 $0x0;
	[sflag:s5] =	ssyncadd.s32 $0xFFFFFF80  }
0x1b: {  	v0 =	vld.msk [tilespmem:s13+$0x80 ss:$0x1], $0xffff;
	_ =	sdelay $0x4  }
0x1c: {  	v1 =	vshll.u32 v0, $0x6  }
0x1d: {  	vm2 =	veq.s32 v0, $0x80000000;
	v0 =	vshll.u32 v0, $0x14;
	v1 =	vand.u32 $0xFFF80, v1  }
0x1e: {  	v0 =	vand.u32 $0x100000, v0;
	v1 =	vsel vm2, $0xFFFFFF80, v1  }
0x1f: {  	v0 =	vsel vm2, $0xFFF00000, v0;
	v2 =	vand.u32 $0xFFFFFC00, v1  }
0x20: {  	v1 =	vand.u32 $0x380, v1;
	v0 =	vadd.s32 v0, v2  }
0x21: {  	v0 =	vor.u32 v1, v0  }
0x22: {  	v0 =	vshrl.u32 v0, $0x3;
	_ =	sdelay $0x3  }
0x23: {  	s13 =	simm.s32 $0x4100  }
0x24: {  	[tilespmem:s13], [sflag:$0x1] =	stream.indirect_vreg.gather [hbm:s2], $0x80, v0, vm0, $0x38;
	[tilespmem:$0x8100] =	vst v63  }
0x25: {  	s14 =	simm.s32 $0x4500;
	s31 =	simm.s32 $0x10  }
0x26: {  	[tilespmem:s14], [sflag:$0x1] =	stream.indirect_vreg.gather [hbm:s2], $0x80, v0, vm1, $0x38;
	[tilespmem:$0x8100] =	vst v63  }
0x27: {  	s14 =	simm.s32 $0x80;
	v0 =	vld.msk [tilespmem:s31+$0x80 ss:$0x1], $0xffff  }
.LBB2_5:
0x28: {  	p0 =	sne.s32 s14, $0x1C0;
	_ =	sdelay $0x4  }
0x29: {  	v1 =	vshll.u32 v0, $0x6  }
0x2a: {  	vm2 =	veq.s32 v0, $0x80000000;
	v0 =	vshll.u32 v0, $0x14;
	v1 =	vand.u32 $0xFFF80, v1  }
0x2b: {  	v0 =	vand.u32 $0x100000, v0;
	v1 =	vsel vm2, $0xFFFFFF80, v1  }
0x2c: {  	v0 =	vsel vm2, $0xFFF00000, v0;
	v2 =	vand.u32 $0xFFFFFC00, v1  }
0x2d: {  	v1 =	vand.u32 $0x380, v1;
	v0 =	vadd.s32 v0, v2  }
0x2e: {  	v0 =	vor.u32 v1, v0  }
0x2f: {  	v0 =	vshrl.u32 v0, $0x3;
	_ =	sdelay $0x3  }
.Ltmp4:
0x30: {  	s13 =	sadd.s32 $0x800, s13;
	(pc) =	sbr.rel @p0 .LBB2_5-.Ltmp4, $4  }
0x31: {  	[tilespmem:s13], [sflag:$0x1] =	stream.indirect_vreg.gather [hbm:s2], $0x80, v0, vm0, $0x38;
	[tilespmem:$0x8100] =	vst v63  }
0x32: {  	s15 =	sshra.s32 s14, $0x2;
	s16 =	sadd.s32 $0x400, s13  }
0x33: {  	[tilespmem:s16], [sflag:$0x1] =	stream.indirect_vreg.gather [hbm:s2], $0x80, v0, vm1, $0x38;
	[tilespmem:$0x8100] =	vst v63  }
0x34: {  	s14 =	sadd.s32 $0x40, s14;
	v0 =	vld.msk [tilespmem:s15+$0x80 ss:$0x1], $0xffff  }
0x35: {  	_ =	sdelay $0x3  }
0x36: {  	v1 =	vshll.u32 v0, $0x6  }
0x37: {  	vm2 =	veq.s32 v0, $0x80000000;
	v63 =	vshll.u32 v0, $0x14;
	v1 =	vand.u32 $0xFFF80, v1  }
0x38: {  	v0 =	vand.u32 $0x100000, v63;
	v1 =	vsel vm2, $0xFFFFFF80, v1  }
0x39: {  	v0 =	vsel vm2, $0xFFF00000, v0;
	v2 =	vand.u32 $0xFFFFFC00, v1  }
0x3a: {  	v1 =	vand.u32 $0x380, v1;
	v0 =	vadd.s32 v0, v2  }
0x3b: {  	v0 =	vor.u32 v1, v0  }
0x3c: {  	v0 =	vshrl.u32 v0, $0x3;
	_ =	sdelay $0x3  }
0x3d: {  	s13 =	sadd.s32 $0x800, s13  }
0x3e: {  	[tilespmem:s13], [sflag:$0x1] =	stream.indirect_vreg.gather [hbm:s2], $0x80, v0, vm0, $0x38;
	[tilespmem:$0x8100] =	vst v63  }
0x3f: {  	s13 =	sadd.s32 $0x400, s13  }
0x40: {  	[tilespmem:s13], [sflag:$0x1] =	stream.indirect_vreg.gather [hbm:s2], $0x80, v0, vm1, $0x38;
	[tilespmem:$0x8100] =	vst v63  }
0x41: {  	s12 =	sshll.u32 s12, $0x4;
	s14 =	simm.s32 $0x80;
	_ =	swait.ge [sflag:s4], $0x4000  }
0x42: {  	s15 =	simm.s32 $0x4500;
	s12 =	sadd.s32 s12, s7;
	[sflag:s4] =	ssyncset.done $0x0  }
0x43: {  	s16 =	sadd.s32 $0x0, s12;
	s13 =	simm.s32 $0x4100;
	[sflag:s4] =	ssyncadd.s32 $0xFFFFC000  }
.LBB2_7:
0x44: {  	[hbm:s16] =	stream.linear.scatter [tilespmem:s13], [sflag:$0x3], $0x400, $0x38;
	[tilespmem:$0x8100] =	vst v63  }
0x45: {  	s16 =	smov.u32 s14;
	s13 =	smov.u32 s15;
	p0 =	sne.s32 s14, $0x780  }
.Ltmp5:
0x46: {  	s14 =	sadd.s32 $0x80, s14;
	(pc) =	sbr.rel @p0 .LBB2_7-.Ltmp5, $2  }
0x47: {  	_ =	sdelay $0x2  }
0x48: {  	s15 =	sadd.s32 $0x400, s15;
	s16 =	sadd.s32 s16, s12  }
.Ltmp6:
0x49: {  	(pc) =	sbr.rel .LBB2_9-.Ltmp6, $2  }
0x4a: {  	_ =	sdelay $0x2  }
0x4b: {  	[hbm:s16] =	stream.linear.scatter [tilespmem:s13], [sflag:$0x3], $0x400, $0x38;
	[tilespmem:$0x8100] =	vst v63  }
.LBB2_2:
.Ltmp7:
0x4c: {  	(pc) =	sbr.rel .LBB2_10-.Ltmp7, $4  }
0x4d: {  	_ = 	snop  }
0x4e: {  	s12 =	sshrl.u32 s11, $0x3  }
0x4f: {  	s13 =	sand.u32 $0x7, s11;
	s12 =	sadd.s32 s3, s12  }
0x50: {  	[tilespmem:s9], [sflag:$0x2] =	stream.linear.gather [hbm4b:s12+s13], $0x80, $0x38;
	[tilespmem:$0x8100] =	vst v63  }
.LBB2_11:
0x51: {  	s2 =	simm.s32 $0x3  }
0x52: {  	_ =	swait.ge [sflag:s2], $0x4000  }
0x53: {  	[sflag:s2] =	ssyncset.done $0x0  }
0x54: {  	[sflag:s2] =	ssyncadd.s32 $0xFFFFC000  }
0x55: {  	_ =	sfence.sel $0x180000  }
0x56: {  	s3 =	simm.s32 $0x2;
	[bflag:$0x0] =	sbarrier.arrive $0xFFFF  }
0x57: {  	[sflag:s3] =	ssyncpa.u1 $0x1  }
0x58: {  	s31 =	simm.s32 $0x1;
	[sflag:s2] =	ssyncpa.u1 $0x1  }
0x59: {  	[sflag:s31] =	ssyncpa.u1 $0x1  }
0x5a: {  	p0 =	sne.s32 s1, $0x0;
	_ =	strace $0x90000047  }
0x5b: {  	s0 =	sadd.s32 @!p0 $0x100000, s0;
	[bflag:$0x2] =	sbarrier.arrive $0xFFFF  }
0x5c: {  	[sflag:s0] =	ssyncadd.tile.s32 @!p0 $0x1;
	_ =	shalt  }
.Lfunc_end2:
_tile_overlayer_lowered:
.L_overlay_start_2:
0x5d: {  	(tag) =	ssettag $0x2  }
0x5e: {  	s0 =	rddreg [dreg:$0x0];
	s2 =	stileid.u32  }
0x5f: {  	s1 =	rddreg [dreg:$0x1];
	p0 =	sne.s32 s2, $0x0  }
0x60: {  	s3 =	rddreg [dreg:$0x2];
	[bflag:$0x3] =	sbarrier.arrive $0xFFFF;
	s2 =	simm.s32 @!p0 $0x1C01  }
0x61: {  	[timem:s3], [sflag:s2] =	dma.local @!p0 [hbm:s0], s1  }
0x62: {  	s0 =	simm.s32 @!p0 $0x1  }
0x63: {  	_ =	swait.ge @!p0 [sflag:s0], s1  }
0x64: {  	s1 =	ssub.s32 @!p0 $0x0, s1;
	[sflag:s0] =	ssyncset.done @!p0 $0x0  }
0x65: {  	[sflag:s0] =	ssyncadd.s32 @!p0 s1  }
0x66: {  	[bflag:$0x3] =	sbarrier.arrive $0xFFFF  }
0x67: {  	_ =	shalt  }

</sc_bundles>
